<compile_context>
chip_gen: v7x
topology: tpu7x:2x2x1
jax: 0.10.2.dev20260603
libtpu: 0.0.44.dev20260713+nightly
codegen_flags: <defaults>
</compile_context>

<pallas_src>
import functools
import jax
import jax.numpy as jnp
from jax import lax
from jax.experimental import pallas as pl
from jax.experimental.pallas import tpu as pltpu
from jax.experimental.pallas import tpu_sc as plsc


def _build(N, B, E):
    info = plsc.get_sparse_core_info()
    NC, NS, L = info.num_cores, info.num_subcores, info.num_lanes
    NW = NC * NS
    assert N % NW == 0
    CHUNK = N // NW
    S = 10000
    assert CHUNK % S == 0 and S % L == 0
    NSUB = CHUNK // S
    VPS = S // L
    SW = B // NS

    mesh = plsc.VectorSubcoreMesh(core_axis_name="c", subcore_axis_name="s")

    @functools.partial(
        pl.kernel,
        out_type=jax.ShapeDtypeStruct((NC, B), jnp.float32),
        mesh=mesh,
        compiler_params=pltpu.CompilerParams(needs_layout_passes=False),
        scratch_types=dict(
            bias_v=pltpu.VMEM((E,), jnp.float32),
            std_v=pltpu.VMEM((L,), jnp.float32),
            offs_v0=pltpu.VMEM((S,), jnp.float32),
            offs_v1=pltpu.VMEM((S,), jnp.float32),
            type_v0=pltpu.VMEM((S,), jnp.int32),
            type_v1=pltpu.VMEM((S,), jnp.int32),
            bids_v0=pltpu.VMEM((S,), jnp.int32),
            bids_v1=pltpu.VMEM((S,), jnp.int32),
            acc_p=pltpu.VMEM((B,), jnp.float32),
            acc_n=pltpu.VMEM((B,), jnp.float32),
            tmp_v=pltpu.VMEM((NS * SW,), jnp.float32),
            strip_v=pltpu.VMEM((SW,), jnp.float32),
            shared=pltpu.VMEM_SHARED((NS, B), jnp.float32),
            sem=pltpu.SemaphoreType.DMA,
        ),
    )
    def run(offs_hbm, type_hbm, bids_hbm, bias_hbm, std_hbm, out_hbm,
            bias_v, std_v, offs_v0, offs_v1, type_v0, type_v1, bids_v0,
            bids_v1, acc_p, acc_n, tmp_v, strip_v, shared, sem):
        offs_b = (offs_v0, offs_v1)
        type_b = (type_v0, type_v1)
        bids_b = (bids_v0, bids_v1)
        cid = lax.axis_index("c")
        sid = lax.axis_index("s")
        wid = sid * NC + cid
        base = wid * CHUNK

        def start(sub):
            off = base + sub * S
            buf = sub % 2
            return [
                pltpu.async_copy(offs_hbm.at[pl.ds(off, S)], offs_b[buf], sem),
                pltpu.async_copy(type_hbm.at[pl.ds(off, S)], type_b[buf], sem),
                pltpu.async_copy(bids_hbm.at[pl.ds(off, S)], bids_b[buf], sem),
            ]

        descs = start(0)

        pltpu.sync_copy(bias_hbm, bias_v)
        pltpu.sync_copy(std_hbm, std_v.at[pl.ds(0, 1)])

        zero = jnp.zeros((L,), jnp.float32)
        for i in range(B // L):
            acc_p[pl.ds(i * L, L)] = zero
            acc_n[pl.ds(i * L, L)] = zero

        std = std_v[...][0]

        iota = lax.iota(jnp.int32, L)
        l15 = iota == (L - 1)
        notl15 = iota < (L - 1)
        rot_keys = (iota + (L - 1)) % L

        for sub in range(NSUB):
            buf = sub % 2
            for d in descs:
                d.wait()
            if sub + 1 < NSUB:
                descs = start(sub + 1)

            @plsc.parallel_loop(0, VPS, unroll=5)
            def body(i):
                sl = pl.ds(i * L, L)
                t = type_b[buf][sl]
                o = offs_b[buf][sl]
                ids = bids_b[buf][sl]
                _, ids_s = plsc.sort_key_val(rot_keys, ids)
                b = plsc.load_gather(bias_v, [t])
                e = o * std + b
                csum = plsc.cumsum(e)
                bm = ids != ids_s
                plsc.addupdate_scatter(acc_p, [ids], csum, mask=bm | l15)
                plsc.addupdate_scatter(acc_n, [ids_s], csum,
                                       mask=bm & notl15)

        for i in range(B // L):
            sl = pl.ds(i * L, L)
            acc_p[sl] = acc_p[sl] - acc_n[sl]
        pltpu.sync_copy(acc_p, shared.at[sid])
        plsc.subcore_barrier()

        copies = [
            pltpu.async_copy(shared.at[r, pl.ds(sid * SW, SW)],
                             tmp_v.at[pl.ds(r * SW, SW)], sem)
            for r in range(NS)
        ]
        for d in copies:
            d.wait()
        for k in range(SW // L):
            strip_v[pl.ds(k * L, L)] = zero
        for r in range(NS):
            for k in range(SW // L):
                sl = pl.ds(k * L, L)
                strip_v[sl] = strip_v[sl] + tmp_v[pl.ds(r * SW + k * L, L)]
        pltpu.sync_copy(strip_v, out_hbm.at[cid, pl.ds(sid * SW, SW)])

    return run


def kernel(atomic_offset_energy, atom_type, batch_ids, cell, potential_bias,
           potential_std, potential_total):
    N = atomic_offset_energy.shape[0]
    B = cell.shape[0]
    E = potential_bias.shape[0]
    run = _build(N, B, E)
    partials = run(atomic_offset_energy, atom_type, batch_ids, potential_bias,
                   potential_std)
    return partials[0] + partials[1] + potential_total

# --- scband reference (transcript-rebuilt; emitter-appended) ---
"""Pipeline reference for scband-potential-final-net-11819749998876 (READ-ONLY COPY).

The authoritative reference and input builder live on the scoring server;
editing this copy changes nothing except your own understanding.
"""

import jax, jax.numpy as jnp
import numpy as np

ELEMENTS_LENGTH = 118


def setup_inputs(seed: int = 0) -> dict:
    key = jax.random.key(seed)
    k1, k2, k3, k4, k5 = jax.random.split(key, 5)
    N = 1600000
    B = 512
    atomic_offset_energy = jax.random.normal(k1, (N,), dtype=jnp.float32)
    atom_type = jax.random.randint(k2, (N,), 0, ELEMENTS_LENGTH, dtype=jnp.int32)
    batch_ids = jnp.sort(jax.random.randint(k3, (N,), 0, B, dtype=jnp.int32))
    cell = jax.random.normal(k4, (B, 3, 3), dtype=jnp.float32)
    # learned/registered buffers of PotentialFinalNet
    potential_bias = jax.random.normal(k5, (ELEMENTS_LENGTH,), dtype=jnp.float32) * 0.1
    potential_std = jnp.ones((1,), dtype=jnp.float32)
    potential_total = jnp.zeros((1,), dtype=jnp.float32)
    return {
        "atomic_offset_energy": atomic_offset_energy,
        "atom_type": atom_type,
        "batch_ids": batch_ids,
        "cell": cell,
        "potential_bias": potential_bias,
        "potential_std": potential_std,
        "potential_total": potential_total,
    }


def reference(atomic_offset_energy, atom_type, batch_ids, cell,
              potential_bias, potential_std, potential_total):
    # nbatch = data[GLOBAL][CELL].shape[0]
    nbatch = cell.shape[0]
    # atomic_offset_energy * potential_std
    off = atomic_offset_energy * potential_std
    # potential_bias[atom_type]  (embedding-style gather)
    bias = jnp.take(potential_bias, atom_type, axis=0)
    atomic_energy = bias + off
    # scatter(..., reduce='sum', dim_size=nbatch) -> segment_sum
    total_energy = jax.ops.segment_sum(atomic_energy, batch_ids,
                                       num_segments=nbatch) + potential_total
    return total_energy

if __name__ == "__main__":
    import jax
    _d = setup_inputs()
    print(jax.jit(kernel)(*tuple(_d.values())))

</pallas_src>

<mosaic_0001>
#map = affine_map<(d0, d1) -> (0)>
#map1 = affine_map<(d0, d1) -> (0, 0)>
module attributes {stable_mosaic.version = 14 : i64} {
  func.func @run(%arg0: i32, %arg1: i32, %arg2: memref<1600000xf32, #tpu.memory_space<hbm>>, %arg3: memref<1600000xi32, #tpu.memory_space<hbm>>, %arg4: memref<1600000xi32, #tpu.memory_space<hbm>>, %arg5: memref<118xf32, #tpu.memory_space<hbm>>, %arg6: memref<1xf32, #tpu.memory_space<hbm>>, %arg7: memref<2x512xf32, #tpu.memory_space<hbm>>, %arg8: memref<512xf32, #tpu.memory_space<vmem>>, %arg9: memref<512xf32, #tpu.memory_space<vmem>>, %arg10: memref<118xf32, #tpu.memory_space<vmem>>, %arg11: memref<10000xi32, #tpu.memory_space<vmem>>, %arg12: memref<10000xi32, #tpu.memory_space<vmem>>, %arg13: memref<10000xf32, #tpu.memory_space<vmem>>, %arg14: memref<10000xf32, #tpu.memory_space<vmem>>, %arg15: memref<!tpu.dma_semaphore, #tpu.memory_space<semaphore_mem>>, %arg16: memref<16x512xf32, #tpu.memory_space<vmem_shared>>, %arg17: memref<16xf32, #tpu.memory_space<vmem>>, %arg18: memref<32xf32, #tpu.memory_space<vmem>>, %arg19: memref<512xf32, #tpu.memory_space<vmem>>, %arg20: memref<10000xi32, #tpu.memory_space<vmem>>, %arg21: memref<10000xi32, #tpu.memory_space<vmem>>) attributes {dimension_semantics = [#tpu.dimension_semantics<core_parallel>, #tpu.dimension_semantics<subcore_parallel>], iteration_bounds = array<i64: 2, 16>, scalar_prefetch = 0 : i64, scratch_operands = 14 : i64, tpu.core_type = #tpu.core_type<sc_vector_subcore>, window_params = [{transform_indices = #map}, {transform_indices = #map}, {transform_indices = #map}, {transform_indices = #map}, {transform_indices = #map}, {transform_indices = #map1}]} {
    %mul3A = arith.constant 2 : i32
    %mul3A_0 = arith.muli %arg1, %mul3A : i32
    %add3A = arith.addi %mul3A_0, %arg0 : i32
    %mul3A_1 = arith.constant 50000 : i32
    %mul3A_2 = arith.muli %add3A, %mul3A_1 : i32
    %add3A_3 = arith.constant 0 : i32
    %add3A_4 = arith.addi %mul3A_2, %add3A_3 : i32
    %dma_start3A = tpu.memref_slice %arg2[%add3A_4] : memref<1600000xf32, #tpu.memory_space<hbm>> -> memref<10000xf32, #tpu.memory_space<hbm>>
    %dma_start3A_5 = tpu.memref_slice %arg2[%add3A_4] : memref<1600000xf32, #tpu.memory_space<hbm>> -> memref<10000xf32, #tpu.memory_space<hbm>>
    tpu.enqueue_dma source(%dma_start3A_5 : memref<10000xf32, #tpu.memory_space<hbm>>) target(%arg13 : memref<10000xf32, #tpu.memory_space<vmem>>) target_semaphore(%arg15 : memref<!tpu.dma_semaphore, #tpu.memory_space<semaphore_mem>>)
    %dma_start3A_6 = tpu.memref_slice %arg3[%add3A_4] : memref<1600000xi32, #tpu.memory_space<hbm>> -> memref<10000xi32, #tpu.memory_space<hbm>>
    %dma_start3A_7 = tpu.memref_slice %arg3[%add3A_4] : memref<1600000xi32, #tpu.memory_space<hbm>> -> memref<10000xi32, #tpu.memory_space<hbm>>
    tpu.enqueue_dma source(%dma_start3A_7 : memref<10000xi32, #tpu.memory_space<hbm>>) target(%arg20 : memref<10000xi32, #tpu.memory_space<vmem>>) target_semaphore(%arg15 : memref<!tpu.dma_semaphore, #tpu.memory_space<semaphore_mem>>)
    %dma_start3A_8 = tpu.memref_slice %arg4[%add3A_4] : memref<1600000xi32, #tpu.memory_space<hbm>> -> memref<10000xi32, #tpu.memory_space<hbm>>
    %dma_start3A_9 = tpu.memref_slice %arg4[%add3A_4] : memref<1600000xi32, #tpu.memory_space<hbm>> -> memref<10000xi32, #tpu.memory_space<hbm>>
    tpu.enqueue_dma source(%dma_start3A_9 : memref<10000xi32, #tpu.memory_space<hbm>>) target(%arg11 : memref<10000xi32, #tpu.memory_space<vmem>>) target_semaphore(%arg15 : memref<!tpu.dma_semaphore, #tpu.memory_space<semaphore_mem>>)
    "tpu.region"() ({
      %run_scoped3A = tpu.sem_alloc : memref<!tpu.dma_semaphore, #tpu.memory_space<semaphore_mem>>
      tpu.enqueue_dma source(%arg5 : memref<118xf32, #tpu.memory_space<hbm>>) target(%arg10 : memref<118xf32, #tpu.memory_space<vmem>>) target_semaphore(%run_scoped3A : memref<!tpu.dma_semaphore, #tpu.memory_space<semaphore_mem>>)
      tpu.wait_dma2 semaphore(%run_scoped3A : memref<!tpu.dma_semaphore, #tpu.memory_space<semaphore_mem>>) src(%arg5 : memref<118xf32, #tpu.memory_space<hbm>>) dst(%arg10 : memref<118xf32, #tpu.memory_space<vmem>>)
      tpu.yield
    }) : () -> ()
    "tpu.region"() ({
      %run_scoped3A = tpu.sem_alloc : memref<!tpu.dma_semaphore, #tpu.memory_space<semaphore_mem>>
      %dma_start3A_1011 = arith.constant 0 : i32
      %dma_start3A_1012 = tpu.memref_slice %arg17[%dma_start3A_1011] : memref<16xf32, #tpu.memory_space<vmem>> -> memref<1xf32, #tpu.memory_space<vmem>>
      %dma_start3A_1013 = arith.constant 0 : i32
      %dma_start3A_1014 = tpu.memref_slice %arg17[%dma_start3A_1013] : memref<16xf32, #tpu.memory_space<vmem>> -> memref<1xf32, #tpu.memory_space<vmem>>
      tpu.enqueue_dma source(%arg6 : memref<1xf32, #tpu.memory_space<hbm>>) target(%dma_start3A_1014 : memref<1xf32, #tpu.memory_space<vmem>>) target_semaphore(%run_scoped3A : memref<!tpu.dma_semaphore, #tpu.memory_space<semaphore_mem>>)
      %dma_wait3A_1015 = arith.constant 0 : i32
      %dma_wait3A_1016 = tpu.memref_slice %arg17[%dma_wait3A_1015] : memref<16xf32, #tpu.memory_space<vmem>> -> memref<1xf32, #tpu.memory_space<vmem>>
      %dma_wait3A_1017 = arith.constant 0 : i32
      %dma_wait3A_1018 = tpu.memref_slice %arg17[%dma_wait3A_1017] : memref<16xf32, #tpu.memory_space<vmem>> -> memref<1xf32, #tpu.memory_space<vmem>>
      tpu.wait_dma2 semaphore(%run_scoped3A : memref<!tpu.dma_semaphore, #tpu.memory_space<semaphore_mem>>) src(%arg6 : memref<1xf32, #tpu.memory_space<hbm>>) dst(%dma_wait3A_1018 : memref<1xf32, #tpu.memory_space<vmem>>)
      tpu.yield
    }) : () -> ()
    %broadcast_in_dim3A = arith.constant 0.000000e+00 : f32
    %broadcast_in_dim3A_10 = vector.broadcast %broadcast_in_dim3A : f32 to vector<16xf32>
    %swap3A = arith.constant 0 : index
    %swap3A_11 = tpu.vector_load %arg9[%swap3A] {strides = array<i32>} : memref<512xf32, #tpu.memory_space<vmem>>, vector<16xf32>,
    tpu.vector_store %arg9[%swap3A], %broadcast_in_dim3A_10 {strides = array<i32>} : memref<512xf32, #tpu.memory_space<vmem>>, vector<16xf32>,
    %swap3A_12 = arith.constant 0 : index
    %swap3A_13 = tpu.vector_load %arg8[%swap3A_12] {strides = array<i32>} : memref<512xf32, #tpu.memory_space<vmem>>, vector<16xf32>,
    tpu.vector_store %arg8[%swap3A_12], %broadcast_in_dim3A_10 {strides = array<i32>} : memref<512xf32, #tpu.memory_space<vmem>>, vector<16xf32>,
    %swap3A_14 = arith.constant 16 : index
    %swap3A_15 = tpu.vector_load %arg9[%swap3A_14] {strides = array<i32>} : memref<512xf32, #tpu.memory_space<vmem>>, vector<16xf32>,
    tpu.vector_store %arg9[%swap3A_14], %broadcast_in_dim3A_10 {strides = array<i32>} : memref<512xf32, #tpu.memory_space<vmem>>, vector<16xf32>,
    %swap3A_16 = arith.constant 16 : index
    %swap3A_17 = tpu.vector_load %arg8[%swap3A_16] {strides = array<i32>} : memref<512xf32, #tpu.memory_space<vmem>>, vector<16xf32>,
    tpu.vector_store %arg8[%swap3A_16], %broadcast_in_dim3A_10 {strides = array<i32>} : memref<512xf32, #tpu.memory_space<vmem>>, vector<16xf32>,
    %swap3A_18 = arith.constant 32 : index
    %swap3A_19 = tpu.vector_load %arg9[%swap3A_18] {strides = array<i32>} : memref<512xf32, #tpu.memory_space<vmem>>, vector<16xf32>,
    tpu.vector_store %arg9[%swap3A_18], %broadcast_in_dim3A_10 {strides = array<i32>} : memref<512xf32, #tpu.memory_space<vmem>>, vector<16xf32>,
    %swap3A_20 = arith.constant 32 : index
    %swap3A_21 = tpu.vector_load %arg8[%swap3A_20] {strides = array<i32>} : memref<512xf32, #tpu.memory_space<vmem>>, vector<16xf32>,
    tpu.vector_store %arg8[%swap3A_20], %broadcast_in_dim3A_10 {strides = array<i32>} : memref<512xf32, #tpu.memory_space<vmem>>, vector<16xf32>,
    %swap3A_22 = arith.constant 48 : index
    %swap3A_23 = tpu.vector_load %arg9[%swap3A_22] {strides = array<i32>} : memref<512xf32, #tpu.memory_space<vmem>>, vector<16xf32>,
    tpu.vector_store %arg9[%swap3A_22], %broadcast_in_dim3A_10 {strides = array<i32>} : memref<512xf32, #tpu.memory_space<vmem>>, vector<16xf32>,
    %swap3A_24 = arith.constant 48 : index
    %swap3A_25 = tpu.vector_load %arg8[%swap3A_24] {strides = array<i32>} : memref<512xf32, #tpu.memory_space<vmem>>, vector<16xf32>,
    tpu.vector_store %arg8[%swap3A_24], %broadcast_in_dim3A_10 {strides = array<i32>} : memref<512xf32, #tpu.memory_space<vmem>>, vector<16xf32>,
    %swap3A_26 = arith.constant 64 : index
    %swap3A_27 = tpu.vector_load %arg9[%swap3A_26] {strides = array<i32>} : memref<512xf32, #tpu.memory_space<vmem>>, vector<16xf32>,
    tpu.vector_store %arg9[%swap3A_26], %broadcast_in_dim3A_10 {strides = array<i32>} : memref<512xf32, #tpu.memory_space<vmem>>, vector<16xf32>,
    %swap3A_28 = arith.constant 64 : index
    %swap3A_29 = tpu.vector_load %arg8[%swap3A_28] {strides = array<i32>} : memref<512xf32, #tpu.memory_space<vmem>>, vector<16xf32>,
    tpu.vector_store %arg8[%swap3A_28], %broadcast_in_dim3A_10 {strides = array<i32>} : memref<512xf32, #tpu.memory_space<vmem>>, vector<16xf32>,
    %swap3A_30 = arith.constant 80 : index
    %swap3A_31 = tpu.vector_load %arg9[%swap3A_30] {strides = array<i32>} : memref<512xf32, #tpu.memory_space<vmem>>, vector<16xf32>,
    tpu.vector_store %arg9[%swap3A_30], %broadcast_in_dim3A_10 {strides = array<i32>} : memref<512xf32, #tpu.memory_space<vmem>>, vector<16xf32>,
    %swap3A_32 = arith.constant 80 : index
    %swap3A_33 = tpu.vector_load %arg8[%swap3A_32] {strides = array<i32>} : memref<512xf32, #tpu.memory_space<vmem>>, vector<16xf32>,
    tpu.vector_store %arg8[%swap3A_32], %broadcast_in_dim3A_10 {strides = array<i32>} : memref<512xf32, #tpu.memory_space<vmem>>, vector<16xf32>,
    %swap3A_34 = arith.constant 96 : index
    %swap3A_35 = tpu.vector_load %arg9[%swap3A_34] {strides = array<i32>} : memref<512xf32, #tpu.memory_space<vmem>>, vector<16xf32>,
    tpu.vector_store %arg9[%swap3A_34], %broadcast_in_dim3A_10 {strides = array<i32>} : memref<512xf32, #tpu.memory_space<vmem>>, vector<16xf32>,
    %swap3A_36 = arith.constant 96 : index
    %swap3A_37 = tpu.vector_load %arg8[%swap3A_36] {strides = array<i32>} : memref<512xf32, #tpu.memory_space<vmem>>, vector<16xf32>,
    tpu.vector_store %arg8[%swap3A_36], %broadcast_in_dim3A_10 {strides = array<i32>} : memref<512xf32, #tpu.memory_space<vmem>>, vector<16xf32>,
    %swap3A_38 = arith.constant 112 : index
    %swap3A_39 = tpu.vector_load %arg9[%swap3A_38] {strides = array<i32>} : memref<512xf32, #tpu.memory_space<vmem>>, vector<16xf32>,
    tpu.vector_store %arg9[%swap3A_38], %broadcast_in_dim3A_10 {strides = array<i32>} : memref<512xf32, #tpu.memory_space<vmem>>, vector<16xf32>,
    %swap3A_40 = arith.constant 112 : index
    %swap3A_41 = tpu.vector_load %arg8[%swap3A_40] {strides = array<i32>} : memref<512xf32, #tpu.memory_space<vmem>>, vector<16xf32>,
    tpu.vector_store %arg8[%swap3A_40], %broadcast_in_dim3A_10 {strides = array<i32>} : memref<512xf32, #tpu.memory_space<vmem>>, vector<16xf32>,
    %swap3A_42 = arith.constant 128 : index
    %swap3A_43 = tpu.vector_load %arg9[%swap3A_42] {strides = array<i32>} : memref<512xf32, #tpu.memory_space<vmem>>, vector<16xf32>,
    tpu.vector_store %arg9[%swap3A_42], %broadcast_in_dim3A_10 {strides = array<i32>} : memref<512xf32, #tpu.memory_space<vmem>>, vector<16xf32>,
    %swap3A_44 = arith.constant 128 : index
    %swap3A_45 = tpu.vector_load %arg8[%swap3A_44] {strides = array<i32>} : memref<512xf32, #tpu.memory_space<vmem>>, vector<16xf32>,
    tpu.vector_store %arg8[%swap3A_44], %broadcast_in_dim3A_10 {strides = array<i32>} : memref<512xf32, #tpu.memory_space<vmem>>, vector<16xf32>,
    %swap3A_46 = arith.constant 144 : index
    %swap3A_47 = tpu.vector_load %arg9[%swap3A_46] {strides = array<i32>} : memref<512xf32, #tpu.memory_space<vmem>>, vector<16xf32>,
    tpu.vector_store %arg9[%swap3A_46], %broadcast_in_dim3A_10 {strides = array<i32>} : memref<512xf32, #tpu.memory_space<vmem>>, vector<16xf32>,
    %swap3A_48 = arith.constant 144 : index
    %swap3A_49 = tpu.vector_load %arg8[%swap3A_48] {strides = array<i32>} : memref<512xf32, #tpu.memory_space<vmem>>, vector<16xf32>,
    tpu.vector_store %arg8[%swap3A_48], %broadcast_in_dim3A_10 {strides = array<i32>} : memref<512xf32, #tpu.memory_space<vmem>>, vector<16xf32>,
    %swap3A_50 = arith.constant 160 : index
    %swap3A_51 = tpu.vector_load %arg9[%swap3A_50] {strides = array<i32>} : memref<512xf32, #tpu.memory_space<vmem>>, vector<16xf32>,
    tpu.vector_store %arg9[%swap3A_50], %broadcast_in_dim3A_10 {strides = array<i32>} : memref<512xf32, #tpu.memory_space<vmem>>, vector<16xf32>,
    %swap3A_52 = arith.constant 160 : index
    %swap3A_53 = tpu.vector_load %arg8[%swap3A_52] {strides = array<i32>} : memref<512xf32, #tpu.memory_space<vmem>>, vector<16xf32>,
    tpu.vector_store %arg8[%swap3A_52], %broadcast_in_dim3A_10 {strides = array<i32>} : memref<512xf32, #tpu.memory_space<vmem>>, vector<16xf32>,
    %swap3A_54 = arith.constant 176 : index
    %swap3A_55 = tpu.vector_load %arg9[%swap3A_54] {strides = array<i32>} : memref<512xf32, #tpu.memory_space<vmem>>, vector<16xf32>,
    tpu.vector_store %arg9[%swap3A_54], %broadcast_in_dim3A_10 {strides = array<i32>} : memref<512xf32, #tpu.memory_space<vmem>>, vector<16xf32>,
    %swap3A_56 = arith.constant 176 : index
    %swap3A_57 = tpu.vector_load %arg8[%swap3A_56] {strides = array<i32>} : memref<512xf32, #tpu.memory_space<vmem>>, vector<16xf32>,
    tpu.vector_store %arg8[%swap3A_56], %broadcast_in_dim3A_10 {strides = array<i32>} : memref<512xf32, #tpu.memory_space<vmem>>, vector<16xf32>,
    %swap3A_58 = arith.constant 192 : index
    %swap3A_59 = tpu.vector_load %arg9[%swap3A_58] {strides = array<i32>} : memref<512xf32, #tpu.memory_space<vmem>>, vector<16xf32>,
    tpu.vector_store %arg9[%swap3A_58], %broadcast_in_dim3A_10 {strides = array<i32>} : memref<512xf32, #tpu.memory_space<vmem>>, vector<16xf32>,
    %swap3A_60 = arith.constant 192 : index
    %swap3A_61 = tpu.vector_load %arg8[%swap3A_60] {strides = array<i32>} : memref<512xf32, #tpu.memory_space<vmem>>, vector<16xf32>,
    tpu.vector_store %arg8[%swap3A_60], %broadcast_in_dim3A_10 {strides = array<i32>} : memref<512xf32, #tpu.memory_space<vmem>>, vector<16xf32>,
    %swap3A_62 = arith.constant 208 : index
    %swap3A_63 = tpu.vector_load %arg9[%swap3A_62] {strides = array<i32>} : memref<512xf32, #tpu.memory_space<vmem>>, vector<16xf32>,
    tpu.vector_store %arg9[%swap3A_62], %broadcast_in_dim3A_10 {strides = array<i32>} : memref<512xf32, #tpu.memory_space<vmem>>, vector<16xf32>,
    %swap3A_64 = arith.constant 208 : index
    %swap3A_65 = tpu.vector_load %arg8[%swap3A_64] {strides = array<i32>} : memref<512xf32, #tpu.memory_space<vmem>>, vector<16xf32>,
    tpu.vector_store %arg8[%swap3A_64], %broadcast_in_dim3A_10 {strides = array<i32>} : memref<512xf32, #tpu.memory_space<vmem>>, vector<16xf32>,
    %swap3A_66 = arith.constant 224 : index
    %swap3A_67 = tpu.vector_load %arg9[%swap3A_66] {strides = array<i32>} : memref<512xf32, #tpu.memory_space<vmem>>, vector<16xf32>,
    tpu.vector_store %arg9[%swap3A_66], %broadcast_in_dim3A_10 {strides = array<i32>} : memref<512xf32, #tpu.memory_space<vmem>>, vector<16xf32>,
    %swap3A_68 = arith.constant 224 : index
    %swap3A_69 = tpu.vector_load %arg8[%swap3A_68] {strides = array<i32>} : memref<512xf32, #tpu.memory_space<vmem>>, vector<16xf32>,
    tpu.vector_store %arg8[%swap3A_68], %broadcast_in_dim3A_10 {strides = array<i32>} : memref<512xf32, #tpu.memory_space<vmem>>, vector<16xf32>,
    %swap3A_70 = arith.constant 240 : index
    %swap3A_71 = tpu.vector_load %arg9[%swap3A_70] {strides = array<i32>} : memref<512xf32, #tpu.memory_space<vmem>>, vector<16xf32>,
    tpu.vector_store %arg9[%swap3A_70], %broadcast_in_dim3A_10 {strides = array<i32>} : memref<512xf32, #tpu.memory_space<vmem>>, vector<16xf32>,
    %swap3A_72 = arith.constant 240 : index
    %swap3A_73 = tpu.vector_load %arg8[%swap3A_72] {strides = array<i32>} : memref<512xf32, #tpu.memory_space<vmem>>, vector<16xf32>,
    tpu.vector_store %arg8[%swap3A_72], %broadcast_in_dim3A_10 {strides = array<i32>} : memref<512xf32, #tpu.memory_space<vmem>>, vector<16xf32>,
    %swap3A_74 = arith.constant 256 : index
    %swap3A_75 = tpu.vector_load %arg9[%swap3A_74] {strides = array<i32>} : memref<512xf32, #tpu.memory_space<vmem>>, vector<16xf32>,
    tpu.vector_store %arg9[%swap3A_74], %broadcast_in_dim3A_10 {strides = array<i32>} : memref<512xf32, #tpu.memory_space<vmem>>, vector<16xf32>,
    %swap3A_76 = arith.constant 256 : index
    %swap3A_77 = tpu.vector_load %arg8[%swap3A_76] {strides = array<i32>} : memref<512xf32, #tpu.memory_space<vmem>>, vector<16xf32>,
    tpu.vector_store %arg8[%swap3A_76], %broadcast_in_dim3A_10 {strides = array<i32>} : memref<512xf32, #tpu.memory_space<vmem>>, vector<16xf32>,
    %swap3A_78 = arith.constant 272 : index
    %swap3A_79 = tpu.vector_load %arg9[%swap3A_78] {strides = array<i32>} : memref<512xf32, #tpu.memory_space<vmem>>, vector<16xf32>,
    tpu.vector_store %arg9[%swap3A_78], %broadcast_in_dim3A_10 {strides = array<i32>} : memref<512xf32, #tpu.memory_space<vmem>>, vector<16xf32>,
    %swap3A_80 = arith.constant 272 : index
    %swap3A_81 = tpu.vector_load %arg8[%swap3A_80] {strides = array<i32>} : memref<512xf32, #tpu.memory_space<vmem>>, vector<16xf32>,
    tpu.vector_store %arg8[%swap3A_80], %broadcast_in_dim3A_10 {strides = array<i32>} : memref<512xf32, #tpu.memory_space<vmem>>, vector<16xf32>,
    %swap3A_82 = arith.constant 288 : index
    %swap3A_83 = tpu.vector_load %arg9[%swap3A_82] {strides = array<i32>} : memref<512xf32, #tpu.memory_space<vmem>>, vector<16xf32>,
    tpu.vector_store %arg9[%swap3A_82], %broadcast_in_dim3A_10 {strides = array<i32>} : memref<512xf32, #tpu.memory_space<vmem>>, vector<16xf32>,
    %swap3A_84 = arith.constant 288 : index
    %swap3A_85 = tpu.vector_load %arg8[%swap3A_84] {strides = array<i32>} : memref<512xf32, #tpu.memory_space<vmem>>, vector<16xf32>,
    tpu.vector_store %arg8[%swap3A_84], %broadcast_in_dim3A_10 {strides = array<i32>} : memref<512xf32, #tpu.memory_space<vmem>>, vector<16xf32>,
    %swap3A_86 = arith.constant 304 : index
    %swap3A_87 = tpu.vector_load %arg9[%swap3A_86] {strides = array<i32>} : memref<512xf32, #tpu.memory_space<vmem>>, vector<16xf32>,
    tpu.vector_store %arg9[%swap3A_86], %broadcast_in_dim3A_10 {strides = array<i32>} : memref<512xf32, #tpu.memory_space<vmem>>, vector<16xf32>,
    %swap3A_88 = arith.constant 304 : index
    %swap3A_89 = tpu.vector_load %arg8[%swap3A_88] {strides = array<i32>} : memref<512xf32, #tpu.memory_space<vmem>>, vector<16xf32>,
    tpu.vector_store %arg8[%swap3A_88], %broadcast_in_dim3A_10 {strides = array<i32>} : memref<512xf32, #tpu.memory_space<vmem>>, vector<16xf32>,
    %swap3A_90 = arith.constant 320 : index
    %swap3A_91 = tpu.vector_load %arg9[%swap3A_90] {strides = array<i32>} : memref<512xf32, #tpu.memory_space<vmem>>, vector<16xf32>,
    tpu.vector_store %arg9[%swap3A_90], %broadcast_in_dim3A_10 {strides = array<i32>} : memref<512xf32, #tpu.memory_space<vmem>>, vector<16xf32>,
    %swap3A_92 = arith.constant 320 : index
    %swap3A_93 = tpu.vector_load %arg8[%swap3A_92] {strides = array<i32>} : memref<512xf32, #tpu.memory_space<vmem>>, vector<16xf32>,
    tpu.vector_store %arg8[%swap3A_92], %broadcast_in_dim3A_10 {strides = array<i32>} : memref<512xf32, #tpu.memory_space<vmem>>, vector<16xf32>,
    %swap3A_94 = arith.constant 336 : index
    %swap3A_95 = tpu.vector_load %arg9[%swap3A_94] {strides = array<i32>} : memref<512xf32, #tpu.memory_space<vmem>>, vector<16xf32>,
    tpu.vector_store %arg9[%swap3A_94], %broadcast_in_dim3A_10 {strides = array<i32>} : memref<512xf32, #tpu.memory_space<vmem>>, vector<16xf32>,
    %swap3A_96 = arith.constant 336 : index
    %swap3A_97 = tpu.vector_load %arg8[%swap3A_96] {strides = array<i32>} : memref<512xf32, #tpu.memory_space<vmem>>, vector<16xf32>,
    tpu.vector_store %arg8[%swap3A_96], %broadcast_in_dim3A_10 {strides = array<i32>} : memref<512xf32, #tpu.memory_space<vmem>>, vector<16xf32>,
    %swap3A_98 = arith.constant 352 : index
    %swap3A_99 = tpu.vector_load %arg9[%swap3A_98] {strides = array<i32>} : memref<512xf32, #tpu.memory_space<vmem>>, vector<16xf32>,
    tpu.vector_store %arg9[%swap3A_98], %broadcast_in_dim3A_10 {strides = array<i32>} : memref<512xf32, #tpu.memory_space<vmem>>, vector<16xf32>,
    %swap3A_100 = arith.constant 352 : index
    %swap3A_101 = tpu.vector_load %arg8[%swap3A_100] {strides = array<i32>} : memref<512xf32, #tpu.memory_space<vmem>>, vector<16xf32>,
    tpu.vector_store %arg8[%swap3A_100], %broadcast_in_dim3A_10 {strides = array<i32>} : memref<512xf32, #tpu.memory_space<vmem>>, vector<16xf32>,
    %swap3A_102 = arith.constant 368 : index
    %swap3A_103 = tpu.vector_load %arg9[%swap3A_102] {strides = array<i32>} : memref<512xf32, #tpu.memory_space<vmem>>, vector<16xf32>,
    tpu.vector_store %arg9[%swap3A_102], %broadcast_in_dim3A_10 {strides = array<i32>} : memref<512xf32, #tpu.memory_space<vmem>>, vector<16xf32>,
    %swap3A_104 = arith.constant 368 : index
    %swap3A_105 = tpu.vector_load %arg8[%swap3A_104] {strides = array<i32>} : memref<512xf32, #tpu.memory_space<vmem>>, vector<16xf32>,
    tpu.vector_store %arg8[%swap3A_104], %broadcast_in_dim3A_10 {strides = array<i32>} : memref<512xf32, #tpu.memory_space<vmem>>, vector<16xf32>,
    %swap3A_106 = arith.constant 384 : index
    %swap3A_107 = tpu.vector_load %arg9[%swap3A_106] {strides = array<i32>} : memref<512xf32, #tpu.memory_space<vmem>>, vector<16xf32>,
    tpu.vector_store %arg9[%swap3A_106], %broadcast_in_dim3A_10 {strides = array<i32>} : memref<512xf32, #tpu.memory_space<vmem>>, vector<16xf32>,
    %swap3A_108 = arith.constant 384 : index
    %swap3A_109 = tpu.vector_load %arg8[%swap3A_108] {strides = array<i32>} : memref<512xf32, #tpu.memory_space<vmem>>, vector<16xf32>,
    tpu.vector_store %arg8[%swap3A_108], %broadcast_in_dim3A_10 {strides = array<i32>} : memref<512xf32, #tpu.memory_space<vmem>>, vector<16xf32>,
    %swap3A_110 = arith.constant 400 : index
    %swap3A_111 = tpu.vector_load %arg9[%swap3A_110] {strides = array<i32>} : memref<512xf32, #tpu.memory_space<vmem>>, vector<16xf32>,
    tpu.vector_store %arg9[%swap3A_110], %broadcast_in_dim3A_10 {strides = array<i32>} : memref<512xf32, #tpu.memory_space<vmem>>, vector<16xf32>,
    %swap3A_112 = arith.constant 400 : index
    %swap3A_113 = tpu.vector_load %arg8[%swap3A_112] {strides = array<i32>} : memref<512xf32, #tpu.memory_space<vmem>>, vector<16xf32>,
    tpu.vector_store %arg8[%swap3A_112], %broadcast_in_dim3A_10 {strides = array<i32>} : memref<512xf32, #tpu.memory_space<vmem>>, vector<16xf32>,
    %swap3A_114 = arith.constant 416 : index
    %swap3A_115 = tpu.vector_load %arg9[%swap3A_114] {strides = array<i32>} : memref<512xf32, #tpu.memory_space<vmem>>, vector<16xf32>,
    tpu.vector_store %arg9[%swap3A_114], %broadcast_in_dim3A_10 {strides = array<i32>} : memref<512xf32, #tpu.memory_space<vmem>>, vector<16xf32>,
    %swap3A_116 = arith.constant 416 : index
    %swap3A_117 = tpu.vector_load %arg8[%swap3A_116] {strides = array<i32>} : memref<512xf32, #tpu.memory_space<vmem>>, vector<16xf32>,
    tpu.vector_store %arg8[%swap3A_116], %broadcast_in_dim3A_10 {strides = array<i32>} : memref<512xf32, #tpu.memory_space<vmem>>, vector<16xf32>,
    %swap3A_118 = arith.constant 432 : index
    %swap3A_119 = tpu.vector_load %arg9[%swap3A_118] {strides = array<i32>} : memref<512xf32, #tpu.memory_space<vmem>>, vector<16xf32>,
    tpu.vector_store %arg9[%swap3A_118], %broadcast_in_dim3A_10 {strides = array<i32>} : memref<512xf32, #tpu.memory_space<vmem>>, vector<16xf32>,
    %swap3A_120 = arith.constant 432 : index
    %swap3A_121 = tpu.vector_load %arg8[%swap3A_120] {strides = array<i32>} : memref<512xf32, #tpu.memory_space<vmem>>, vector<16xf32>,
    tpu.vector_store %arg8[%swap3A_120], %broadcast_in_dim3A_10 {strides = array<i32>} : memref<512xf32, #tpu.memory_space<vmem>>, vector<16xf32>,
    %swap3A_122 = arith.constant 448 : index
    %swap3A_123 = tpu.vector_load %arg9[%swap3A_122] {strides = array<i32>} : memref<512xf32, #tpu.memory_space<vmem>>, vector<16xf32>,
    tpu.vector_store %arg9[%swap3A_122], %broadcast_in_dim3A_10 {strides = array<i32>} : memref<512xf32, #tpu.memory_space<vmem>>, vector<16xf32>,
    %swap3A_124 = arith.constant 448 : index
    %swap3A_125 = tpu.vector_load %arg8[%swap3A_124] {strides = array<i32>} : memref<512xf32, #tpu.memory_space<vmem>>, vector<16xf32>,
    tpu.vector_store %arg8[%swap3A_124], %broadcast_in_dim3A_10 {strides = array<i32>} : memref<512xf32, #tpu.memory_space<vmem>>, vector<16xf32>,
    %swap3A_126 = arith.constant 464 : index
    %swap3A_127 = tpu.vector_load %arg9[%swap3A_126] {strides = array<i32>} : memref<512xf32, #tpu.memory_space<vmem>>, vector<16xf32>,
    tpu.vector_store %arg9[%swap3A_126], %broadcast_in_dim3A_10 {strides = array<i32>} : memref<512xf32, #tpu.memory_space<vmem>>, vector<16xf32>,
    %swap3A_128 = arith.constant 464 : index
    %swap3A_129 = tpu.vector_load %arg8[%swap3A_128] {strides = array<i32>} : memref<512xf32, #tpu.memory_space<vmem>>, vector<16xf32>,
    tpu.vector_store %arg8[%swap3A_128], %broadcast_in_dim3A_10 {strides = array<i32>} : memref<512xf32, #tpu.memory_space<vmem>>, vector<16xf32>,
    %swap3A_130 = arith.constant 480 : index
    %swap3A_131 = tpu.vector_load %arg9[%swap3A_130] {strides = array<i32>} : memref<512xf32, #tpu.memory_space<vmem>>, vector<16xf32>,
    tpu.vector_store %arg9[%swap3A_130], %broadcast_in_dim3A_10 {strides = array<i32>} : memref<512xf32, #tpu.memory_space<vmem>>, vector<16xf32>,
    %swap3A_132 = arith.constant 480 : index
    %swap3A_133 = tpu.vector_load %arg8[%swap3A_132] {strides = array<i32>} : memref<512xf32, #tpu.memory_space<vmem>>, vector<16xf32>,
    tpu.vector_store %arg8[%swap3A_132], %broadcast_in_dim3A_10 {strides = array<i32>} : memref<512xf32, #tpu.memory_space<vmem>>, vector<16xf32>,
    %swap3A_134 = arith.constant 496 : index
    %swap3A_135 = tpu.vector_load %arg9[%swap3A_134] {strides = array<i32>} : memref<512xf32, #tpu.memory_space<vmem>>, vector<16xf32>,
    tpu.vector_store %arg9[%swap3A_134], %broadcast_in_dim3A_10 {strides = array<i32>} : memref<512xf32, #tpu.memory_space<vmem>>, vector<16xf32>,
    %swap3A_136 = arith.constant 496 : index
    %swap3A_137 = tpu.vector_load %arg8[%swap3A_136] {strides = array<i32>} : memref<512xf32, #tpu.memory_space<vmem>>, vector<16xf32>,
    tpu.vector_store %arg8[%swap3A_136], %broadcast_in_dim3A_10 {strides = array<i32>} : memref<512xf32, #tpu.memory_space<vmem>>, vector<16xf32>,
    %get3A = arith.constant 0 : index
    %get3A_138 = tpu.vector_load %arg17[%get3A] {strides = array<i32>} : memref<16xf32, #tpu.memory_space<vmem>>, vector<16xf32>,
    %slice3A = vector.extract_strided_slice %get3A_138 {offsets = [0], sizes = [1], strides = [1]} : vector<16xf32> to vector<1xf32>
    %squeeze3A = vector.extract %slice3A[0] : f32 from vector<1xf32>
    %iota3A = tpu.iota {dimensions = array<i32: 0>} : vector<16xi32>
    %eq3A = arith.constant 15 : i32
    %eq3A_139 = vector.broadcast %eq3A : i32 to vector<16xi32>
    %eq3A_140 = arith.cmpi eq, %iota3A, %eq3A_139 : vector<16xi32>
    %lt3A = arith.constant 15 : i32
    %lt3A_141 = vector.broadcast %lt3A : i32 to vector<16xi32>
    %lt3A_142 = arith.cmpi slt, %iota3A, %lt3A_141 : vector<16xi32>
    %add3A_143 = arith.constant 15 : i32
    %add3A_144 = vector.broadcast %add3A_143 : i32 to vector<16xi32>
    %add3A_145 = arith.addi %iota3A, %add3A_144 : vector<16xi32>
    %jit3A = arith.constant 16 : i32
    %eq3A_146 = arith.constant 0 : i32
    %eq3A_147 = arith.cmpi eq, %jit3A, %eq3A_146 : i32
    %jit3A_148 = arith.constant 1 : i32
    %select_n3A = arith.select %eq3A_147, %jit3A_148, %jit3A : i32
    %rem3A = vector.broadcast %select_n3A : i32 to vector<16xi32>
    %rem3A_149 = arith.remsi %add3A_145, %rem3A : vector<16xi32>
    %ne3A = arith.constant 0 : i32
    %ne3A_150 = vector.broadcast %ne3A : i32 to vector<16xi32>
    %ne3A_151 = arith.cmpi ne, %rem3A_149, %ne3A_150 : vector<16xi32>
    %lt3A_152 = arith.constant 0 : i32
    %lt3A_153 = vector.broadcast %lt3A_152 : i32 to vector<16xi32>
    %lt3A_154 = arith.cmpi slt, %rem3A_149, %lt3A_153 : vector<16xi32>
    %lt3A_155 = arith.constant 0 : i32
    %lt3A_156 = arith.cmpi slt, %select_n3A, %lt3A_155 : i32
    %ne3A_157 = vector.broadcast %lt3A_156 : i1 to vector<16xi1>
    %ne3A_158 = vector.broadcast %ne3A_157 : vector<16xi1> to vector<16xi1>
    %ne3A_159 = arith.xori %lt3A_154, %ne3A_158 : vector<16xi1>
    %and3A = arith.andi %ne3A_159, %ne3A_151 : vector<16xi1>
    %add3A_160 = vector.broadcast %select_n3A : i32 to vector<16xi32>
    %add3A_161 = arith.addi %rem3A_149, %add3A_160 : vector<16xi32>
    %select_n3A_162 = arith.select %and3A, %add3A_161, %rem3A_149 : vector<16xi1>, vector<16xi32>
    %dma_wait3A = tpu.memref_slice %arg2[%add3A_4] : memref<1600000xf32, #tpu.memory_space<hbm>> -> memref<10000xf32, #tpu.memory_space<hbm>>
    %dma_wait3A_163 = tpu.memref_slice %arg2[%add3A_4] : memref<1600000xf32, #tpu.memory_space<hbm>> -> memref<10000xf32, #tpu.memory_space<hbm>>
    tpu.wait_dma2 semaphore(%arg15 : memref<!tpu.dma_semaphore, #tpu.memory_space<semaphore_mem>>) src(%dma_wait3A_163 : memref<10000xf32, #tpu.memory_space<hbm>>) dst(%arg13 : memref<10000xf32, #tpu.memory_space<vmem>>)
    %dma_wait3A_164 = tpu.memref_slice %arg3[%add3A_4] : memref<1600000xi32, #tpu.memory_space<hbm>> -> memref<10000xi32, #tpu.memory_space<hbm>>
    %dma_wait3A_165 = tpu.memref_slice %arg3[%add3A_4] : memref<1600000xi32, #tpu.memory_space<hbm>> -> memref<10000xi32, #tpu.memory_space<hbm>>
    tpu.wait_dma2 semaphore(%arg15 : memref<!tpu.dma_semaphore, #tpu.memory_space<semaphore_mem>>) src(%dma_wait3A_165 : memref<10000xi32, #tpu.memory_space<hbm>>) dst(%arg20 : memref<10000xi32, #tpu.memory_space<vmem>>)
    %dma_wait3A_166 = tpu.memref_slice %arg4[%add3A_4] : memref<1600000xi32, #tpu.memory_space<hbm>> -> memref<10000xi32, #tpu.memory_space<hbm>>
    %dma_wait3A_167 = tpu.memref_slice %arg4[%add3A_4] : memref<1600000xi32, #tpu.memory_space<hbm>> -> memref<10000xi32, #tpu.memory_space<hbm>>
    tpu.wait_dma2 semaphore(%arg15 : memref<!tpu.dma_semaphore, #tpu.memory_space<semaphore_mem>>) src(%dma_wait3A_167 : memref<10000xi32, #tpu.memory_space<hbm>>) dst(%arg11 : memref<10000xi32, #tpu.memory_space<vmem>>)
    %add3A_168 = arith.constant 10000 : i32
    %add3A_169 = arith.addi %mul3A_2, %add3A_168 : i32
    %dma_start3A_170 = tpu.memref_slice %arg2[%add3A_169] : memref<1600000xf32, #tpu.memory_space<hbm>> -> memref<10000xf32, #tpu.memory_space<hbm>>
    %dma_start3A_171 = tpu.memref_slice %arg2[%add3A_169] : memref<1600000xf32, #tpu.memory_space<hbm>> -> memref<10000xf32, #tpu.memory_space<hbm>>
    tpu.enqueue_dma source(%dma_start3A_171 : memref<10000xf32, #tpu.memory_space<hbm>>) target(%arg14 : memref<10000xf32, #tpu.memory_space<vmem>>) target_semaphore(%arg15 : memref<!tpu.dma_semaphore, #tpu.memory_space<semaphore_mem>>)
    %dma_start3A_172 = tpu.memref_slice %arg3[%add3A_169] : memref<1600000xi32, #tpu.memory_space<hbm>> -> memref<10000xi32, #tpu.memory_space<hbm>>
    %dma_start3A_173 = tpu.memref_slice %arg3[%add3A_169] : memref<1600000xi32, #tpu.memory_space<hbm>> -> memref<10000xi32, #tpu.memory_space<hbm>>
    tpu.enqueue_dma source(%dma_start3A_173 : memref<10000xi32, #tpu.memory_space<hbm>>) target(%arg21 : memref<10000xi32, #tpu.memory_space<vmem>>) target_semaphore(%arg15 : memref<!tpu.dma_semaphore, #tpu.memory_space<semaphore_mem>>)
    %dma_start3A_174 = tpu.memref_slice %arg4[%add3A_169] : memref<1600000xi32, #tpu.memory_space<hbm>> -> memref<10000xi32, #tpu.memory_space<hbm>>
    %dma_start3A_175 = tpu.memref_slice %arg4[%add3A_169] : memref<1600000xi32, #tpu.memory_space<hbm>> -> memref<10000xi32, #tpu.memory_space<hbm>>
    tpu.enqueue_dma source(%dma_start3A_175 : memref<10000xi32, #tpu.memory_space<hbm>>) target(%arg12 : memref<10000xi32, #tpu.memory_space<vmem>>) target_semaphore(%arg15 : memref<!tpu.dma_semaphore, #tpu.memory_space<semaphore_mem>>)
    %parallel_loop3A = arith.constant 0 : i32
    %parallel_loop3A_176 = arith.constant 625 : i32
    %parallel_loop3A_177 = arith.constant 1 : i32
    scf.for %parallel_loop3A_1011 = %parallel_loop3A to %parallel_loop3A_176 step %parallel_loop3A_177  : i32 {
      %parallel_loop3A_1012 = arith.constant 16 : i32
      %parallel_loop3A_1013 = arith.muli %parallel_loop3A_1011, %parallel_loop3A_1012 : i32
      %parallel_loop3A_1014 = arith.index_cast %parallel_loop3A_1013 : i32 to index
      %parallel_loop3A_1015 = tpu.vector_load %arg20[%parallel_loop3A_1014] {strides = array<i32>} : memref<10000xi32, #tpu.memory_space<vmem>>, vector<16xi32>,
      %parallel_loop3A_1016 = arith.index_cast %parallel_loop3A_1013 : i32 to index
      %parallel_loop3A_1017 = tpu.vector_load %arg13[%parallel_loop3A_1016] {strides = array<i32>} : memref<10000xf32, #tpu.memory_space<vmem>>, vector<16xf32>,
      %parallel_loop3A_1018 = arith.index_cast %parallel_loop3A_1013 : i32 to index
      %parallel_loop3A_1019 = tpu.vector_load %arg11[%parallel_loop3A_1018] {strides = array<i32>} : memref<10000xi32, #tpu.memory_space<vmem>>, vector<16xi32>,
      %parallel_loop3A_1020 = arith.constant dense<true> : vector<16xi1>
      %parallel_loop3A_1021 = arith.constant -2147483648 : i32
      %parallel_loop3A_1022 = vector.broadcast %parallel_loop3A_1021 : i32 to vector<16xi32>
      %parallel_loop3A_1023 = arith.xori %select_n3A_162, %parallel_loop3A_1022 : vector<16xi32>
      %parallel_loop3A_1024, %parallel_loop3A_1025, %parallel_loop3A_1026 = tpu.sort %parallel_loop3A_1023, %parallel_loop3A_1019 masked %parallel_loop3A_1020 : (vector<16xi32>, vector<16xi32>, vector<16xi1>) -> (vector<16xi1>, vector<16xi32>, vector<16xi32>)
      %parallel_loop3A_1027 = arith.xori %parallel_loop3A_1025, %parallel_loop3A_1022 : vector<16xi32>
      %parallel_loop3A_1028 = tpu.vector_load_idx %arg10[%parallel_loop3A_1015] : memref<118xf32, #tpu.memory_space<vmem>>[vector<16xi32>], vector<16xf32>,
      %parallel_loop3A_1029 = vector.broadcast %squeeze3A : f32 to vector<16xf32>
      %parallel_loop3A_1030 = arith.mulf %parallel_loop3A_1017, %parallel_loop3A_1029 : vector<16xf32>
      %parallel_loop3A_1031 = arith.addf %parallel_loop3A_1030, %parallel_loop3A_1028 : vector<16xf32>
      %parallel_loop3A_1032 = arith.constant true
      %parallel_loop3A_1033 = vector.broadcast %parallel_loop3A_1032 : i1 to vector<16xi1>
      %parallel_loop3A_1034 = tpu.scan <sum>, %parallel_loop3A_1031 masked %parallel_loop3A_1033 : vector<16xf32>, vector<16xi1> -> vector<16xf32>
      %parallel_loop3A_1035 = arith.cmpi ne, %parallel_loop3A_1019, %parallel_loop3A_1026 : vector<16xi32>
      %parallel_loop3A_1036 = arith.ori %parallel_loop3A_1035, %eq3A_140 : vector<16xi1>
      tpu.vector_store_idx %arg9[%parallel_loop3A_1019], %parallel_loop3A_1034 masked %parallel_loop3A_1036 {add = true} : memref<512xf32, #tpu.memory_space<vmem>>[vector<16xi32>], vector<16xf32>, vector<16xi1>
      %parallel_loop3A_1037 = arith.andi %parallel_loop3A_1035, %lt3A_142 : vector<16xi1>
      tpu.vector_store_idx %arg8[%parallel_loop3A_1026], %parallel_loop3A_1034 masked %parallel_loop3A_1037 {add = true} : memref<512xf32, #tpu.memory_space<vmem>>[vector<16xi32>], vector<16xf32>, vector<16xi1>
    } {sc.loop_unroll_factor = 5 : i64, sc.parallel_access}
    %dma_wait3A_178 = tpu.memref_slice %arg2[%add3A_169] : memref<1600000xf32, #tpu.memory_space<hbm>> -> memref<10000xf32, #tpu.memory_space<hbm>>
    %dma_wait3A_179 = tpu.memref_slice %arg2[%add3A_169] : memref<1600000xf32, #tpu.memory_space<hbm>> -> memref<10000xf32, #tpu.memory_space<hbm>>
    tpu.wait_dma2 semaphore(%arg15 : memref<!tpu.dma_semaphore, #tpu.memory_space<semaphore_mem>>) src(%dma_wait3A_179 : memref<10000xf32, #tpu.memory_space<hbm>>) dst(%arg14 : memref<10000xf32, #tpu.memory_space<vmem>>)
    %dma_wait3A_180 = tpu.memref_slice %arg3[%add3A_169] : memref<1600000xi32, #tpu.memory_space<hbm>> -> memref<10000xi32, #tpu.memory_space<hbm>>
    %dma_wait3A_181 = tpu.memref_slice %arg3[%add3A_169] : memref<1600000xi32, #tpu.memory_space<hbm>> -> memref<10000xi32, #tpu.memory_space<hbm>>
    tpu.wait_dma2 semaphore(%arg15 : memref<!tpu.dma_semaphore, #tpu.memory_space<semaphore_mem>>) src(%dma_wait3A_181 : memref<10000xi32, #tpu.memory_space<hbm>>) dst(%arg21 : memref<10000xi32, #tpu.memory_space<vmem>>)
    %dma_wait3A_182 = tpu.memref_slice %arg4[%add3A_169] : memref<1600000xi32, #tpu.memory_space<hbm>> -> memref<10000xi32, #tpu.memory_space<hbm>>
    %dma_wait3A_183 = tpu.memref_slice %arg4[%add3A_169] : memref<1600000xi32, #tpu.memory_space<hbm>> -> memref<10000xi32, #tpu.memory_space<hbm>>
    tpu.wait_dma2 semaphore(%arg15 : memref<!tpu.dma_semaphore, #tpu.memory_space<semaphore_mem>>) src(%dma_wait3A_183 : memref<10000xi32, #tpu.memory_space<hbm>>) dst(%arg12 : memref<10000xi32, #tpu.memory_space<vmem>>)
    %add3A_184 = arith.constant 20000 : i32
    %add3A_185 = arith.addi %mul3A_2, %add3A_184 : i32
    %dma_start3A_186 = tpu.memref_slice %arg2[%add3A_185] : memref<1600000xf32, #tpu.memory_space<hbm>> -> memref<10000xf32, #tpu.memory_space<hbm>>
    %dma_start3A_187 = tpu.memref_slice %arg2[%add3A_185] : memref<1600000xf32, #tpu.memory_space<hbm>> -> memref<10000xf32, #tpu.memory_space<hbm>>
    tpu.enqueue_dma source(%dma_start3A_187 : memref<10000xf32, #tpu.memory_space<hbm>>) target(%arg13 : memref<10000xf32, #tpu.memory_space<vmem>>) target_semaphore(%arg15 : memref<!tpu.dma_semaphore, #tpu.memory_space<semaphore_mem>>)
    %dma_start3A_188 = tpu.memref_slice %arg3[%add3A_185] : memref<1600000xi32, #tpu.memory_space<hbm>> -> memref<10000xi32, #tpu.memory_space<hbm>>
    %dma_start3A_189 = tpu.memref_slice %arg3[%add3A_185] : memref<1600000xi32, #tpu.memory_space<hbm>> -> memref<10000xi32, #tpu.memory_space<hbm>>
    tpu.enqueue_dma source(%dma_start3A_189 : memref<10000xi32, #tpu.memory_space<hbm>>) target(%arg20 : memref<10000xi32, #tpu.memory_space<vmem>>) target_semaphore(%arg15 : memref<!tpu.dma_semaphore, #tpu.memory_space<semaphore_mem>>)
    %dma_start3A_190 = tpu.memref_slice %arg4[%add3A_185] : memref<1600000xi32, #tpu.memory_space<hbm>> -> memref<10000xi32, #tpu.memory_space<hbm>>
    %dma_start3A_191 = tpu.memref_slice %arg4[%add3A_185] : memref<1600000xi32, #tpu.memory_space<hbm>> -> memref<10000xi32, #tpu.memory_space<hbm>>
    tpu.enqueue_dma source(%dma_start3A_191 : memref<10000xi32, #tpu.memory_space<hbm>>) target(%arg11 : memref<10000xi32, #tpu.memory_space<vmem>>) target_semaphore(%arg15 : memref<!tpu.dma_semaphore, #tpu.memory_space<semaphore_mem>>)
    %parallel_loop3A_192 = arith.constant 0 : i32
    %parallel_loop3A_193 = arith.constant 625 : i32
    %parallel_loop3A_194 = arith.constant 1 : i32
    scf.for %parallel_loop3A_1011 = %parallel_loop3A_192 to %parallel_loop3A_193 step %parallel_loop3A_194  : i32 {
      %parallel_loop3A_1012 = arith.constant 16 : i32
      %parallel_loop3A_1013 = arith.muli %parallel_loop3A_1011, %parallel_loop3A_1012 : i32
      %parallel_loop3A_1014 = arith.index_cast %parallel_loop3A_1013 : i32 to index
      %parallel_loop3A_1015 = tpu.vector_load %arg21[%parallel_loop3A_1014] {strides = array<i32>} : memref<10000xi32, #tpu.memory_space<vmem>>, vector<16xi32>,
      %parallel_loop3A_1016 = arith.index_cast %parallel_loop3A_1013 : i32 to index
      %parallel_loop3A_1017 = tpu.vector_load %arg14[%parallel_loop3A_1016] {strides = array<i32>} : memref<10000xf32, #tpu.memory_space<vmem>>, vector<16xf32>,
      %parallel_loop3A_1018 = arith.index_cast %parallel_loop3A_1013 : i32 to index
      %parallel_loop3A_1019 = tpu.vector_load %arg12[%parallel_loop3A_1018] {strides = array<i32>} : memref<10000xi32, #tpu.memory_space<vmem>>, vector<16xi32>,
      %parallel_loop3A_1020 = arith.constant dense<true> : vector<16xi1>
      %parallel_loop3A_1021 = arith.constant -2147483648 : i32
      %parallel_loop3A_1022 = vector.broadcast %parallel_loop3A_1021 : i32 to vector<16xi32>
      %parallel_loop3A_1023 = arith.xori %select_n3A_162, %parallel_loop3A_1022 : vector<16xi32>
      %parallel_loop3A_1024, %parallel_loop3A_1025, %parallel_loop3A_1026 = tpu.sort %parallel_loop3A_1023, %parallel_loop3A_1019 masked %parallel_loop3A_1020 : (vector<16xi32>, vector<16xi32>, vector<16xi1>) -> (vector<16xi1>, vector<16xi32>, vector<16xi32>)
      %parallel_loop3A_1027 = arith.xori %parallel_loop3A_1025, %parallel_loop3A_1022 : vector<16xi32>
      %parallel_loop3A_1028 = tpu.vector_load_idx %arg10[%parallel_loop3A_1015] : memref<118xf32, #tpu.memory_space<vmem>>[vector<16xi32>], vector<16xf32>,
      %parallel_loop3A_1029 = vector.broadcast %squeeze3A : f32 to vector<16xf32>
      %parallel_loop3A_1030 = arith.mulf %parallel_loop3A_1017, %parallel_loop3A_1029 : vector<16xf32>
      %parallel_loop3A_1031 = arith.addf %parallel_loop3A_1030, %parallel_loop3A_1028 : vector<16xf32>
      %parallel_loop3A_1032 = arith.constant true
      %parallel_loop3A_1033 = vector.broadcast %parallel_loop3A_1032 : i1 to vector<16xi1>
      %parallel_loop3A_1034 = tpu.scan <sum>, %parallel_loop3A_1031 masked %parallel_loop3A_1033 : vector<16xf32>, vector<16xi1> -> vector<16xf32>
      %parallel_loop3A_1035 = arith.cmpi ne, %parallel_loop3A_1019, %parallel_loop3A_1026 : vector<16xi32>
      %parallel_loop3A_1036 = arith.ori %parallel_loop3A_1035, %eq3A_140 : vector<16xi1>
      tpu.vector_store_idx %arg9[%parallel_loop3A_1019], %parallel_loop3A_1034 masked %parallel_loop3A_1036 {add = true} : memref<512xf32, #tpu.memory_space<vmem>>[vector<16xi32>], vector<16xf32>, vector<16xi1>
      %parallel_loop3A_1037 = arith.andi %parallel_loop3A_1035, %lt3A_142 : vector<16xi1>
      tpu.vector_store_idx %arg8[%parallel_loop3A_1026], %parallel_loop3A_1034 masked %parallel_loop3A_1037 {add = true} : memref<512xf32, #tpu.memory_space<vmem>>[vector<16xi32>], vector<16xf32>, vector<16xi1>
    } {sc.loop_unroll_factor = 5 : i64, sc.parallel_access}
    %dma_wait3A_195 = tpu.memref_slice %arg2[%add3A_185] : memref<1600000xf32, #tpu.memory_space<hbm>> -> memref<10000xf32, #tpu.memory_space<hbm>>
    %dma_wait3A_196 = tpu.memref_slice %arg2[%add3A_185] : memref<1600000xf32, #tpu.memory_space<hbm>> -> memref<10000xf32, #tpu.memory_space<hbm>>
    tpu.wait_dma2 semaphore(%arg15 : memref<!tpu.dma_semaphore, #tpu.memory_space<semaphore_mem>>) src(%dma_wait3A_196 : memref<10000xf32, #tpu.memory_space<hbm>>) dst(%arg13 : memref<10000xf32, #tpu.memory_space<vmem>>)
    %dma_wait3A_197 = tpu.memref_slice %arg3[%add3A_185] : memref<1600000xi32, #tpu.memory_space<hbm>> -> memref<10000xi32, #tpu.memory_space<hbm>>
    %dma_wait3A_198 = tpu.memref_slice %arg3[%add3A_185] : memref<1600000xi32, #tpu.memory_space<hbm>> -> memref<10000xi32, #tpu.memory_space<hbm>>
    tpu.wait_dma2 semaphore(%arg15 : memref<!tpu.dma_semaphore, #tpu.memory_space<semaphore_mem>>) src(%dma_wait3A_198 : memref<10000xi32, #tpu.memory_space<hbm>>) dst(%arg20 : memref<10000xi32, #tpu.memory_space<vmem>>)
    %dma_wait3A_199 = tpu.memref_slice %arg4[%add3A_185] : memref<1600000xi32, #tpu.memory_space<hbm>> -> memref<10000xi32, #tpu.memory_space<hbm>>
    %dma_wait3A_200 = tpu.memref_slice %arg4[%add3A_185] : memref<1600000xi32, #tpu.memory_space<hbm>> -> memref<10000xi32, #tpu.memory_space<hbm>>
    tpu.wait_dma2 semaphore(%arg15 : memref<!tpu.dma_semaphore, #tpu.memory_space<semaphore_mem>>) src(%dma_wait3A_200 : memref<10000xi32, #tpu.memory_space<hbm>>) dst(%arg11 : memref<10000xi32, #tpu.memory_space<vmem>>)
    %add3A_201 = arith.constant 30000 : i32
    %add3A_202 = arith.addi %mul3A_2, %add3A_201 : i32
    %dma_start3A_203 = tpu.memref_slice %arg2[%add3A_202] : memref<1600000xf32, #tpu.memory_space<hbm>> -> memref<10000xf32, #tpu.memory_space<hbm>>
    %dma_start3A_204 = tpu.memref_slice %arg2[%add3A_202] : memref<1600000xf32, #tpu.memory_space<hbm>> -> memref<10000xf32, #tpu.memory_space<hbm>>
    tpu.enqueue_dma source(%dma_start3A_204 : memref<10000xf32, #tpu.memory_space<hbm>>) target(%arg14 : memref<10000xf32, #tpu.memory_space<vmem>>) target_semaphore(%arg15 : memref<!tpu.dma_semaphore, #tpu.memory_space<semaphore_mem>>)
    %dma_start3A_205 = tpu.memref_slice %arg3[%add3A_202] : memref<1600000xi32, #tpu.memory_space<hbm>> -> memref<10000xi32, #tpu.memory_space<hbm>>
    %dma_start3A_206 = tpu.memref_slice %arg3[%add3A_202] : memref<1600000xi32, #tpu.memory_space<hbm>> -> memref<10000xi32, #tpu.memory_space<hbm>>
    tpu.enqueue_dma source(%dma_start3A_206 : memref<10000xi32, #tpu.memory_space<hbm>>) target(%arg21 : memref<10000xi32, #tpu.memory_space<vmem>>) target_semaphore(%arg15 : memref<!tpu.dma_semaphore, #tpu.memory_space<semaphore_mem>>)
    %dma_start3A_207 = tpu.memref_slice %arg4[%add3A_202] : memref<1600000xi32, #tpu.memory_space<hbm>> -> memref<10000xi32, #tpu.memory_space<hbm>>
    %dma_start3A_208 = tpu.memref_slice %arg4[%add3A_202] : memref<1600000xi32, #tpu.memory_space<hbm>> -> memref<10000xi32, #tpu.memory_space<hbm>>
    tpu.enqueue_dma source(%dma_start3A_208 : memref<10000xi32, #tpu.memory_space<hbm>>) target(%arg12 : memref<10000xi32, #tpu.memory_space<vmem>>) target_semaphore(%arg15 : memref<!tpu.dma_semaphore, #tpu.memory_space<semaphore_mem>>)
    %parallel_loop3A_209 = arith.constant 0 : i32
    %parallel_loop3A_210 = arith.constant 625 : i32
    %parallel_loop3A_211 = arith.constant 1 : i32
    scf.for %parallel_loop3A_1011 = %parallel_loop3A_209 to %parallel_loop3A_210 step %parallel_loop3A_211  : i32 {
      %parallel_loop3A_1012 = arith.constant 16 : i32
      %parallel_loop3A_1013 = arith.muli %parallel_loop3A_1011, %parallel_loop3A_1012 : i32
      %parallel_loop3A_1014 = arith.index_cast %parallel_loop3A_1013 : i32 to index
      %parallel_loop3A_1015 = tpu.vector_load %arg20[%parallel_loop3A_1014] {strides = array<i32>} : memref<10000xi32, #tpu.memory_space<vmem>>, vector<16xi32>,
      %parallel_loop3A_1016 = arith.index_cast %parallel_loop3A_1013 : i32 to index
      %parallel_loop3A_1017 = tpu.vector_load %arg13[%parallel_loop3A_1016] {strides = array<i32>} : memref<10000xf32, #tpu.memory_space<vmem>>, vector<16xf32>,
      %parallel_loop3A_1018 = arith.index_cast %parallel_loop3A_1013 : i32 to index
      %parallel_loop3A_1019 = tpu.vector_load %arg11[%parallel_loop3A_1018] {strides = array<i32>} : memref<10000xi32, #tpu.memory_space<vmem>>, vector<16xi32>,
      %parallel_loop3A_1020 = arith.constant dense<true> : vector<16xi1>
      %parallel_loop3A_1021 = arith.constant -2147483648 : i32
      %parallel_loop3A_1022 = vector.broadcast %parallel_loop3A_1021 : i32 to vector<16xi32>
      %parallel_loop3A_1023 = arith.xori %select_n3A_162, %parallel_loop3A_1022 : vector<16xi32>
      %parallel_loop3A_1024, %parallel_loop3A_1025, %parallel_loop3A_1026 = tpu.sort %parallel_loop3A_1023, %parallel_loop3A_1019 masked %parallel_loop3A_1020 : (vector<16xi32>, vector<16xi32>, vector<16xi1>) -> (vector<16xi1>, vector<16xi32>, vector<16xi32>)
      %parallel_loop3A_1027 = arith.xori %parallel_loop3A_1025, %parallel_loop3A_1022 : vector<16xi32>
      %parallel_loop3A_1028 = tpu.vector_load_idx %arg10[%parallel_loop3A_1015] : memref<118xf32, #tpu.memory_space<vmem>>[vector<16xi32>], vector<16xf32>,
      %parallel_loop3A_1029 = vector.broadcast %squeeze3A : f32 to vector<16xf32>
      %parallel_loop3A_1030 = arith.mulf %parallel_loop3A_1017, %parallel_loop3A_1029 : vector<16xf32>
      %parallel_loop3A_1031 = arith.addf %parallel_loop3A_1030, %parallel_loop3A_1028 : vector<16xf32>
      %parallel_loop3A_1032 = arith.constant true
      %parallel_loop3A_1033 = vector.broadcast %parallel_loop3A_1032 : i1 to vector<16xi1>
      %parallel_loop3A_1034 = tpu.scan <sum>, %parallel_loop3A_1031 masked %parallel_loop3A_1033 : vector<16xf32>, vector<16xi1> -> vector<16xf32>
      %parallel_loop3A_1035 = arith.cmpi ne, %parallel_loop3A_1019, %parallel_loop3A_1026 : vector<16xi32>
      %parallel_loop3A_1036 = arith.ori %parallel_loop3A_1035, %eq3A_140 : vector<16xi1>
      tpu.vector_store_idx %arg9[%parallel_loop3A_1019], %parallel_loop3A_1034 masked %parallel_loop3A_1036 {add = true} : memref<512xf32, #tpu.memory_space<vmem>>[vector<16xi32>], vector<16xf32>, vector<16xi1>
      %parallel_loop3A_1037 = arith.andi %parallel_loop3A_1035, %lt3A_142 : vector<16xi1>
      tpu.vector_store_idx %arg8[%parallel_loop3A_1026], %parallel_loop3A_1034 masked %parallel_loop3A_1037 {add = true} : memref<512xf32, #tpu.memory_space<vmem>>[vector<16xi32>], vector<16xf32>, vector<16xi1>
    } {sc.loop_unroll_factor = 5 : i64, sc.parallel_access}
    %dma_wait3A_212 = tpu.memref_slice %arg2[%add3A_202] : memref<1600000xf32, #tpu.memory_space<hbm>> -> memref<10000xf32, #tpu.memory_space<hbm>>
    %dma_wait3A_213 = tpu.memref_slice %arg2[%add3A_202] : memref<1600000xf32, #tpu.memory_space<hbm>> -> memref<10000xf32, #tpu.memory_space<hbm>>
    tpu.wait_dma2 semaphore(%arg15 : memref<!tpu.dma_semaphore, #tpu.memory_space<semaphore_mem>>) src(%dma_wait3A_213 : memref<10000xf32, #tpu.memory_space<hbm>>) dst(%arg14 : memref<10000xf32, #tpu.memory_space<vmem>>)
    %dma_wait3A_214 = tpu.memref_slice %arg3[%add3A_202] : memref<1600000xi32, #tpu.memory_space<hbm>> -> memref<10000xi32, #tpu.memory_space<hbm>>
    %dma_wait3A_215 = tpu.memref_slice %arg3[%add3A_202] : memref<1600000xi32, #tpu.memory_space<hbm>> -> memref<10000xi32, #tpu.memory_space<hbm>>
    tpu.wait_dma2 semaphore(%arg15 : memref<!tpu.dma_semaphore, #tpu.memory_space<semaphore_mem>>) src(%dma_wait3A_215 : memref<10000xi32, #tpu.memory_space<hbm>>) dst(%arg21 : memref<10000xi32, #tpu.memory_space<vmem>>)
    %dma_wait3A_216 = tpu.memref_slice %arg4[%add3A_202] : memref<1600000xi32, #tpu.memory_space<hbm>> -> memref<10000xi32, #tpu.memory_space<hbm>>
    %dma_wait3A_217 = tpu.memref_slice %arg4[%add3A_202] : memref<1600000xi32, #tpu.memory_space<hbm>> -> memref<10000xi32, #tpu.memory_space<hbm>>
    tpu.wait_dma2 semaphore(%arg15 : memref<!tpu.dma_semaphore, #tpu.memory_space<semaphore_mem>>) src(%dma_wait3A_217 : memref<10000xi32, #tpu.memory_space<hbm>>) dst(%arg12 : memref<10000xi32, #tpu.memory_space<vmem>>)
    %add3A_218 = arith.constant 40000 : i32
    %add3A_219 = arith.addi %mul3A_2, %add3A_218 : i32
    %dma_start3A_220 = tpu.memref_slice %arg2[%add3A_219] : memref<1600000xf32, #tpu.memory_space<hbm>> -> memref<10000xf32, #tpu.memory_space<hbm>>
    %dma_start3A_221 = tpu.memref_slice %arg2[%add3A_219] : memref<1600000xf32, #tpu.memory_space<hbm>> -> memref<10000xf32, #tpu.memory_space<hbm>>
    tpu.enqueue_dma source(%dma_start3A_221 : memref<10000xf32, #tpu.memory_space<hbm>>) target(%arg13 : memref<10000xf32, #tpu.memory_space<vmem>>) target_semaphore(%arg15 : memref<!tpu.dma_semaphore, #tpu.memory_space<semaphore_mem>>)
    %dma_start3A_222 = tpu.memref_slice %arg3[%add3A_219] : memref<1600000xi32, #tpu.memory_space<hbm>> -> memref<10000xi32, #tpu.memory_space<hbm>>
    %dma_start3A_223 = tpu.memref_slice %arg3[%add3A_219] : memref<1600000xi32, #tpu.memory_space<hbm>> -> memref<10000xi32, #tpu.memory_space<hbm>>
    tpu.enqueue_dma source(%dma_start3A_223 : memref<10000xi32, #tpu.memory_space<hbm>>) target(%arg20 : memref<10000xi32, #tpu.memory_space<vmem>>) target_semaphore(%arg15 : memref<!tpu.dma_semaphore, #tpu.memory_space<semaphore_mem>>)
    %dma_start3A_224 = tpu.memref_slice %arg4[%add3A_219] : memref<1600000xi32, #tpu.memory_space<hbm>> -> memref<10000xi32, #tpu.memory_space<hbm>>
    %dma_start3A_225 = tpu.memref_slice %arg4[%add3A_219] : memref<1600000xi32, #tpu.memory_space<hbm>> -> memref<10000xi32, #tpu.memory_space<hbm>>
    tpu.enqueue_dma source(%dma_start3A_225 : memref<10000xi32, #tpu.memory_space<hbm>>) target(%arg11 : memref<10000xi32, #tpu.memory_space<vmem>>) target_semaphore(%arg15 : memref<!tpu.dma_semaphore, #tpu.memory_space<semaphore_mem>>)
    %parallel_loop3A_226 = arith.constant 0 : i32
    %parallel_loop3A_227 = arith.constant 625 : i32
    %parallel_loop3A_228 = arith.constant 1 : i32
    scf.for %parallel_loop3A_1011 = %parallel_loop3A_226 to %parallel_loop3A_227 step %parallel_loop3A_228  : i32 {
      %parallel_loop3A_1012 = arith.constant 16 : i32
      %parallel_loop3A_1013 = arith.muli %parallel_loop3A_1011, %parallel_loop3A_1012 : i32
      %parallel_loop3A_1014 = arith.index_cast %parallel_loop3A_1013 : i32 to index
      %parallel_loop3A_1015 = tpu.vector_load %arg21[%parallel_loop3A_1014] {strides = array<i32>} : memref<10000xi32, #tpu.memory_space<vmem>>, vector<16xi32>,
      %parallel_loop3A_1016 = arith.index_cast %parallel_loop3A_1013 : i32 to index
      %parallel_loop3A_1017 = tpu.vector_load %arg14[%parallel_loop3A_1016] {strides = array<i32>} : memref<10000xf32, #tpu.memory_space<vmem>>, vector<16xf32>,
      %parallel_loop3A_1018 = arith.index_cast %parallel_loop3A_1013 : i32 to index
      %parallel_loop3A_1019 = tpu.vector_load %arg12[%parallel_loop3A_1018] {strides = array<i32>} : memref<10000xi32, #tpu.memory_space<vmem>>, vector<16xi32>,
      %parallel_loop3A_1020 = arith.constant dense<true> : vector<16xi1>
      %parallel_loop3A_1021 = arith.constant -2147483648 : i32
      %parallel_loop3A_1022 = vector.broadcast %parallel_loop3A_1021 : i32 to vector<16xi32>
      %parallel_loop3A_1023 = arith.xori %select_n3A_162, %parallel_loop3A_1022 : vector<16xi32>
      %parallel_loop3A_1024, %parallel_loop3A_1025, %parallel_loop3A_1026 = tpu.sort %parallel_loop3A_1023, %parallel_loop3A_1019 masked %parallel_loop3A_1020 : (vector<16xi32>, vector<16xi32>, vector<16xi1>) -> (vector<16xi1>, vector<16xi32>, vector<16xi32>)
      %parallel_loop3A_1027 = arith.xori %parallel_loop3A_1025, %parallel_loop3A_1022 : vector<16xi32>
      %parallel_loop3A_1028 = tpu.vector_load_idx %arg10[%parallel_loop3A_1015] : memref<118xf32, #tpu.memory_space<vmem>>[vector<16xi32>], vector<16xf32>,
      %parallel_loop3A_1029 = vector.broadcast %squeeze3A : f32 to vector<16xf32>
      %parallel_loop3A_1030 = arith.mulf %parallel_loop3A_1017, %parallel_loop3A_1029 : vector<16xf32>
      %parallel_loop3A_1031 = arith.addf %parallel_loop3A_1030, %parallel_loop3A_1028 : vector<16xf32>
      %parallel_loop3A_1032 = arith.constant true
      %parallel_loop3A_1033 = vector.broadcast %parallel_loop3A_1032 : i1 to vector<16xi1>
      %parallel_loop3A_1034 = tpu.scan <sum>, %parallel_loop3A_1031 masked %parallel_loop3A_1033 : vector<16xf32>, vector<16xi1> -> vector<16xf32>
      %parallel_loop3A_1035 = arith.cmpi ne, %parallel_loop3A_1019, %parallel_loop3A_1026 : vector<16xi32>
      %parallel_loop3A_1036 = arith.ori %parallel_loop3A_1035, %eq3A_140 : vector<16xi1>
      tpu.vector_store_idx %arg9[%parallel_loop3A_1019], %parallel_loop3A_1034 masked %parallel_loop3A_1036 {add = true} : memref<512xf32, #tpu.memory_space<vmem>>[vector<16xi32>], vector<16xf32>, vector<16xi1>
      %parallel_loop3A_1037 = arith.andi %parallel_loop3A_1035, %lt3A_142 : vector<16xi1>
      tpu.vector_store_idx %arg8[%parallel_loop3A_1026], %parallel_loop3A_1034 masked %parallel_loop3A_1037 {add = true} : memref<512xf32, #tpu.memory_space<vmem>>[vector<16xi32>], vector<16xf32>, vector<16xi1>
    } {sc.loop_unroll_factor = 5 : i64, sc.parallel_access}
    %dma_wait3A_229 = tpu.memref_slice %arg2[%add3A_219] : memref<1600000xf32, #tpu.memory_space<hbm>> -> memref<10000xf32, #tpu.memory_space<hbm>>
    %dma_wait3A_230 = tpu.memref_slice %arg2[%add3A_219] : memref<1600000xf32, #tpu.memory_space<hbm>> -> memref<10000xf32, #tpu.memory_space<hbm>>
    tpu.wait_dma2 semaphore(%arg15 : memref<!tpu.dma_semaphore, #tpu.memory_space<semaphore_mem>>) src(%dma_wait3A_230 : memref<10000xf32, #tpu.memory_space<hbm>>) dst(%arg13 : memref<10000xf32, #tpu.memory_space<vmem>>)
    %dma_wait3A_231 = tpu.memref_slice %arg3[%add3A_219] : memref<1600000xi32, #tpu.memory_space<hbm>> -> memref<10000xi32, #tpu.memory_space<hbm>>
    %dma_wait3A_232 = tpu.memref_slice %arg3[%add3A_219] : memref<1600000xi32, #tpu.memory_space<hbm>> -> memref<10000xi32, #tpu.memory_space<hbm>>
    tpu.wait_dma2 semaphore(%arg15 : memref<!tpu.dma_semaphore, #tpu.memory_space<semaphore_mem>>) src(%dma_wait3A_232 : memref<10000xi32, #tpu.memory_space<hbm>>) dst(%arg20 : memref<10000xi32, #tpu.memory_space<vmem>>)
    %dma_wait3A_233 = tpu.memref_slice %arg4[%add3A_219] : memref<1600000xi32, #tpu.memory_space<hbm>> -> memref<10000xi32, #tpu.memory_space<hbm>>
    %dma_wait3A_234 = tpu.memref_slice %arg4[%add3A_219] : memref<1600000xi32, #tpu.memory_space<hbm>> -> memref<10000xi32, #tpu.memory_space<hbm>>
    tpu.wait_dma2 semaphore(%arg15 : memref<!tpu.dma_semaphore, #tpu.memory_space<semaphore_mem>>) src(%dma_wait3A_234 : memref<10000xi32, #tpu.memory_space<hbm>>) dst(%arg11 : memref<10000xi32, #tpu.memory_space<vmem>>)
    %parallel_loop3A_235 = arith.constant 0 : i32
    %parallel_loop3A_236 = arith.constant 625 : i32
    %parallel_loop3A_237 = arith.constant 1 : i32
    scf.for %parallel_loop3A_1011 = %parallel_loop3A_235 to %parallel_loop3A_236 step %parallel_loop3A_237  : i32 {
      %parallel_loop3A_1012 = arith.constant 16 : i32
      %parallel_loop3A_1013 = arith.muli %parallel_loop3A_1011, %parallel_loop3A_1012 : i32
      %parallel_loop3A_1014 = arith.index_cast %parallel_loop3A_1013 : i32 to index
      %parallel_loop3A_1015 = tpu.vector_load %arg20[%parallel_loop3A_1014] {strides = array<i32>} : memref<10000xi32, #tpu.memory_space<vmem>>, vector<16xi32>,
      %parallel_loop3A_1016 = arith.index_cast %parallel_loop3A_1013 : i32 to index
      %parallel_loop3A_1017 = tpu.vector_load %arg13[%parallel_loop3A_1016] {strides = array<i32>} : memref<10000xf32, #tpu.memory_space<vmem>>, vector<16xf32>,
      %parallel_loop3A_1018 = arith.index_cast %parallel_loop3A_1013 : i32 to index
      %parallel_loop3A_1019 = tpu.vector_load %arg11[%parallel_loop3A_1018] {strides = array<i32>} : memref<10000xi32, #tpu.memory_space<vmem>>, vector<16xi32>,
      %parallel_loop3A_1020 = arith.constant dense<true> : vector<16xi1>
      %parallel_loop3A_1021 = arith.constant -2147483648 : i32
      %parallel_loop3A_1022 = vector.broadcast %parallel_loop3A_1021 : i32 to vector<16xi32>
      %parallel_loop3A_1023 = arith.xori %select_n3A_162, %parallel_loop3A_1022 : vector<16xi32>
      %parallel_loop3A_1024, %parallel_loop3A_1025, %parallel_loop3A_1026 = tpu.sort %parallel_loop3A_1023, %parallel_loop3A_1019 masked %parallel_loop3A_1020 : (vector<16xi32>, vector<16xi32>, vector<16xi1>) -> (vector<16xi1>, vector<16xi32>, vector<16xi32>)
      %parallel_loop3A_1027 = arith.xori %parallel_loop3A_1025, %parallel_loop3A_1022 : vector<16xi32>
      %parallel_loop3A_1028 = tpu.vector_load_idx %arg10[%parallel_loop3A_1015] : memref<118xf32, #tpu.memory_space<vmem>>[vector<16xi32>], vector<16xf32>,
      %parallel_loop3A_1029 = vector.broadcast %squeeze3A : f32 to vector<16xf32>
      %parallel_loop3A_1030 = arith.mulf %parallel_loop3A_1017, %parallel_loop3A_1029 : vector<16xf32>
      %parallel_loop3A_1031 = arith.addf %parallel_loop3A_1030, %parallel_loop3A_1028 : vector<16xf32>
      %parallel_loop3A_1032 = arith.constant true
      %parallel_loop3A_1033 = vector.broadcast %parallel_loop3A_1032 : i1 to vector<16xi1>
      %parallel_loop3A_1034 = tpu.scan <sum>, %parallel_loop3A_1031 masked %parallel_loop3A_1033 : vector<16xf32>, vector<16xi1> -> vector<16xf32>
      %parallel_loop3A_1035 = arith.cmpi ne, %parallel_loop3A_1019, %parallel_loop3A_1026 : vector<16xi32>
      %parallel_loop3A_1036 = arith.ori %parallel_loop3A_1035, %eq3A_140 : vector<16xi1>
      tpu.vector_store_idx %arg9[%parallel_loop3A_1019], %parallel_loop3A_1034 masked %parallel_loop3A_1036 {add = true} : memref<512xf32, #tpu.memory_space<vmem>>[vector<16xi32>], vector<16xf32>, vector<16xi1>
      %parallel_loop3A_1037 = arith.andi %parallel_loop3A_1035, %lt3A_142 : vector<16xi1>
      tpu.vector_store_idx %arg8[%parallel_loop3A_1026], %parallel_loop3A_1034 masked %parallel_loop3A_1037 {add = true} : memref<512xf32, #tpu.memory_space<vmem>>[vector<16xi32>], vector<16xf32>, vector<16xi1>
    } {sc.loop_unroll_factor = 5 : i64, sc.parallel_access}
    %get3A_238 = arith.constant 0 : index
    %get3A_239 = tpu.vector_load %arg9[%get3A_238] {strides = array<i32>} : memref<512xf32, #tpu.memory_space<vmem>>, vector<16xf32>,
    %get3A_240 = arith.constant 0 : index
    %get3A_241 = tpu.vector_load %arg8[%get3A_240] {strides = array<i32>} : memref<512xf32, #tpu.memory_space<vmem>>, vector<16xf32>,
    %sub3A = arith.subf %get3A_239, %get3A_241 : vector<16xf32>
    %swap3A_242 = arith.constant 0 : index
    %swap3A_243 = tpu.vector_load %arg9[%swap3A_242] {strides = array<i32>} : memref<512xf32, #tpu.memory_space<vmem>>, vector<16xf32>,
    tpu.vector_store %arg9[%swap3A_242], %sub3A {strides = array<i32>} : memref<512xf32, #tpu.memory_space<vmem>>, vector<16xf32>,
    %get3A_244 = arith.constant 16 : index
    %get3A_245 = tpu.vector_load %arg9[%get3A_244] {strides = array<i32>} : memref<512xf32, #tpu.memory_space<vmem>>, vector<16xf32>,
    %get3A_246 = arith.constant 16 : index
    %get3A_247 = tpu.vector_load %arg8[%get3A_246] {strides = array<i32>} : memref<512xf32, #tpu.memory_space<vmem>>, vector<16xf32>,
    %sub3A_248 = arith.subf %get3A_245, %get3A_247 : vector<16xf32>
    %swap3A_249 = arith.constant 16 : index
    %swap3A_250 = tpu.vector_load %arg9[%swap3A_249] {strides = array<i32>} : memref<512xf32, #tpu.memory_space<vmem>>, vector<16xf32>,
    tpu.vector_store %arg9[%swap3A_249], %sub3A_248 {strides = array<i32>} : memref<512xf32, #tpu.memory_space<vmem>>, vector<16xf32>,
    %get3A_251 = arith.constant 32 : index
    %get3A_252 = tpu.vector_load %arg9[%get3A_251] {strides = array<i32>} : memref<512xf32, #tpu.memory_space<vmem>>, vector<16xf32>,
    %get3A_253 = arith.constant 32 : index
    %get3A_254 = tpu.vector_load %arg8[%get3A_253] {strides = array<i32>} : memref<512xf32, #tpu.memory_space<vmem>>, vector<16xf32>,
    %sub3A_255 = arith.subf %get3A_252, %get3A_254 : vector<16xf32>
    %swap3A_256 = arith.constant 32 : index
    %swap3A_257 = tpu.vector_load %arg9[%swap3A_256] {strides = array<i32>} : memref<512xf32, #tpu.memory_space<vmem>>, vector<16xf32>,
    tpu.vector_store %arg9[%swap3A_256], %sub3A_255 {strides = array<i32>} : memref<512xf32, #tpu.memory_space<vmem>>, vector<16xf32>,
    %get3A_258 = arith.constant 48 : index
    %get3A_259 = tpu.vector_load %arg9[%get3A_258] {strides = array<i32>} : memref<512xf32, #tpu.memory_space<vmem>>, vector<16xf32>,
    %get3A_260 = arith.constant 48 : index
    %get3A_261 = tpu.vector_load %arg8[%get3A_260] {strides = array<i32>} : memref<512xf32, #tpu.memory_space<vmem>>, vector<16xf32>,
    %sub3A_262 = arith.subf %get3A_259, %get3A_261 : vector<16xf32>
    %swap3A_263 = arith.constant 48 : index
    %swap3A_264 = tpu.vector_load %arg9[%swap3A_263] {strides = array<i32>} : memref<512xf32, #tpu.memory_space<vmem>>, vector<16xf32>,
    tpu.vector_store %arg9[%swap3A_263], %sub3A_262 {strides = array<i32>} : memref<512xf32, #tpu.memory_space<vmem>>, vector<16xf32>,
    %get3A_265 = arith.constant 64 : index
    %get3A_266 = tpu.vector_load %arg9[%get3A_265] {strides = array<i32>} : memref<512xf32, #tpu.memory_space<vmem>>, vector<16xf32>,
    %get3A_267 = arith.constant 64 : index
    %get3A_268 = tpu.vector_load %arg8[%get3A_267] {strides = array<i32>} : memref<512xf32, #tpu.memory_space<vmem>>, vector<16xf32>,
    %sub3A_269 = arith.subf %get3A_266, %get3A_268 : vector<16xf32>
    %swap3A_270 = arith.constant 64 : index
    %swap3A_271 = tpu.vector_load %arg9[%swap3A_270] {strides = array<i32>} : memref<512xf32, #tpu.memory_space<vmem>>, vector<16xf32>,
    tpu.vector_store %arg9[%swap3A_270], %sub3A_269 {strides = array<i32>} : memref<512xf32, #tpu.memory_space<vmem>>, vector<16xf32>,
    %get3A_272 = arith.constant 80 : index
    %get3A_273 = tpu.vector_load %arg9[%get3A_272] {strides = array<i32>} : memref<512xf32, #tpu.memory_space<vmem>>, vector<16xf32>,
    %get3A_274 = arith.constant 80 : index
    %get3A_275 = tpu.vector_load %arg8[%get3A_274] {strides = array<i32>} : memref<512xf32, #tpu.memory_space<vmem>>, vector<16xf32>,
    %sub3A_276 = arith.subf %get3A_273, %get3A_275 : vector<16xf32>
    %swap3A_277 = arith.constant 80 : index
    %swap3A_278 = tpu.vector_load %arg9[%swap3A_277] {strides = array<i32>} : memref<512xf32, #tpu.memory_space<vmem>>, vector<16xf32>,
    tpu.vector_store %arg9[%swap3A_277], %sub3A_276 {strides = array<i32>} : memref<512xf32, #tpu.memory_space<vmem>>, vector<16xf32>,
    %get3A_279 = arith.constant 96 : index
    %get3A_280 = tpu.vector_load %arg9[%get3A_279] {strides = array<i32>} : memref<512xf32, #tpu.memory_space<vmem>>, vector<16xf32>,
    %get3A_281 = arith.constant 96 : index
    %get3A_282 = tpu.vector_load %arg8[%get3A_281] {strides = array<i32>} : memref<512xf32, #tpu.memory_space<vmem>>, vector<16xf32>,
    %sub3A_283 = arith.subf %get3A_280, %get3A_282 : vector<16xf32>
    %swap3A_284 = arith.constant 96 : index
    %swap3A_285 = tpu.vector_load %arg9[%swap3A_284] {strides = array<i32>} : memref<512xf32, #tpu.memory_space<vmem>>, vector<16xf32>,
    tpu.vector_store %arg9[%swap3A_284], %sub3A_283 {strides = array<i32>} : memref<512xf32, #tpu.memory_space<vmem>>, vector<16xf32>,
    %get3A_286 = arith.constant 112 : index
    %get3A_287 = tpu.vector_load %arg9[%get3A_286] {strides = array<i32>} : memref<512xf32, #tpu.memory_space<vmem>>, vector<16xf32>,
    %get3A_288 = arith.constant 112 : index
    %get3A_289 = tpu.vector_load %arg8[%get3A_288] {strides = array<i32>} : memref<512xf32, #tpu.memory_space<vmem>>, vector<16xf32>,
    %sub3A_290 = arith.subf %get3A_287, %get3A_289 : vector<16xf32>
    %swap3A_291 = arith.constant 112 : index
    %swap3A_292 = tpu.vector_load %arg9[%swap3A_291] {strides = array<i32>} : memref<512xf32, #tpu.memory_space<vmem>>, vector<16xf32>,
    tpu.vector_store %arg9[%swap3A_291], %sub3A_290 {strides = array<i32>} : memref<512xf32, #tpu.memory_space<vmem>>, vector<16xf32>,
    %get3A_293 = arith.constant 128 : index
    %get3A_294 = tpu.vector_load %arg9[%get3A_293] {strides = array<i32>} : memref<512xf32, #tpu.memory_space<vmem>>, vector<16xf32>,
    %get3A_295 = arith.constant 128 : index
    %get3A_296 = tpu.vector_load %arg8[%get3A_295] {strides = array<i32>} : memref<512xf32, #tpu.memory_space<vmem>>, vector<16xf32>,
    %sub3A_297 = arith.subf %get3A_294, %get3A_296 : vector<16xf32>
    %swap3A_298 = arith.constant 128 : index
    %swap3A_299 = tpu.vector_load %arg9[%swap3A_298] {strides = array<i32>} : memref<512xf32, #tpu.memory_space<vmem>>, vector<16xf32>,
    tpu.vector_store %arg9[%swap3A_298], %sub3A_297 {strides = array<i32>} : memref<512xf32, #tpu.memory_space<vmem>>, vector<16xf32>,
    %get3A_300 = arith.constant 144 : index
    %get3A_301 = tpu.vector_load %arg9[%get3A_300] {strides = array<i32>} : memref<512xf32, #tpu.memory_space<vmem>>, vector<16xf32>,
    %get3A_302 = arith.constant 144 : index
    %get3A_303 = tpu.vector_load %arg8[%get3A_302] {strides = array<i32>} : memref<512xf32, #tpu.memory_space<vmem>>, vector<16xf32>,
    %sub3A_304 = arith.subf %get3A_301, %get3A_303 : vector<16xf32>
    %swap3A_305 = arith.constant 144 : index
    %swap3A_306 = tpu.vector_load %arg9[%swap3A_305] {strides = array<i32>} : memref<512xf32, #tpu.memory_space<vmem>>, vector<16xf32>,
    tpu.vector_store %arg9[%swap3A_305], %sub3A_304 {strides = array<i32>} : memref<512xf32, #tpu.memory_space<vmem>>, vector<16xf32>,
    %get3A_307 = arith.constant 160 : index
    %get3A_308 = tpu.vector_load %arg9[%get3A_307] {strides = array<i32>} : memref<512xf32, #tpu.memory_space<vmem>>, vector<16xf32>,
    %get3A_309 = arith.constant 160 : index
    %get3A_310 = tpu.vector_load %arg8[%get3A_309] {strides = array<i32>} : memref<512xf32, #tpu.memory_space<vmem>>, vector<16xf32>,
    %sub3A_311 = arith.subf %get3A_308, %get3A_310 : vector<16xf32>
    %swap3A_312 = arith.constant 160 : index
    %swap3A_313 = tpu.vector_load %arg9[%swap3A_312] {strides = array<i32>} : memref<512xf32, #tpu.memory_space<vmem>>, vector<16xf32>,
    tpu.vector_store %arg9[%swap3A_312], %sub3A_311 {strides = array<i32>} : memref<512xf32, #tpu.memory_space<vmem>>, vector<16xf32>,
    %get3A_314 = arith.constant 176 : index
    %get3A_315 = tpu.vector_load %arg9[%get3A_314] {strides = array<i32>} : memref<512xf32, #tpu.memory_space<vmem>>, vector<16xf32>,
    %get3A_316 = arith.constant 176 : index
    %get3A_317 = tpu.vector_load %arg8[%get3A_316] {strides = array<i32>} : memref<512xf32, #tpu.memory_space<vmem>>, vector<16xf32>,
    %sub3A_318 = arith.subf %get3A_315, %get3A_317 : vector<16xf32>
    %swap3A_319 = arith.constant 176 : index
    %swap3A_320 = tpu.vector_load %arg9[%swap3A_319] {strides = array<i32>} : memref<512xf32, #tpu.memory_space<vmem>>, vector<16xf32>,
    tpu.vector_store %arg9[%swap3A_319], %sub3A_318 {strides = array<i32>} : memref<512xf32, #tpu.memory_space<vmem>>, vector<16xf32>,
    %get3A_321 = arith.constant 192 : index
    %get3A_322 = tpu.vector_load %arg9[%get3A_321] {strides = array<i32>} : memref<512xf32, #tpu.memory_space<vmem>>, vector<16xf32>,
    %get3A_323 = arith.constant 192 : index
    %get3A_324 = tpu.vector_load %arg8[%get3A_323] {strides = array<i32>} : memref<512xf32, #tpu.memory_space<vmem>>, vector<16xf32>,
    %sub3A_325 = arith.subf %get3A_322, %get3A_324 : vector<16xf32>
    %swap3A_326 = arith.constant 192 : index
    %swap3A_327 = tpu.vector_load %arg9[%swap3A_326] {strides = array<i32>} : memref<512xf32, #tpu.memory_space<vmem>>, vector<16xf32>,
    tpu.vector_store %arg9[%swap3A_326], %sub3A_325 {strides = array<i32>} : memref<512xf32, #tpu.memory_space<vmem>>, vector<16xf32>,
    %get3A_328 = arith.constant 208 : index
    %get3A_329 = tpu.vector_load %arg9[%get3A_328] {strides = array<i32>} : memref<512xf32, #tpu.memory_space<vmem>>, vector<16xf32>,
    %get3A_330 = arith.constant 208 : index
    %get3A_331 = tpu.vector_load %arg8[%get3A_330] {strides = array<i32>} : memref<512xf32, #tpu.memory_space<vmem>>, vector<16xf32>,
    %sub3A_332 = arith.subf %get3A_329, %get3A_331 : vector<16xf32>
    %swap3A_333 = arith.constant 208 : index
    %swap3A_334 = tpu.vector_load %arg9[%swap3A_333] {strides = array<i32>} : memref<512xf32, #tpu.memory_space<vmem>>, vector<16xf32>,
    tpu.vector_store %arg9[%swap3A_333], %sub3A_332 {strides = array<i32>} : memref<512xf32, #tpu.memory_space<vmem>>, vector<16xf32>,
    %get3A_335 = arith.constant 224 : index
    %get3A_336 = tpu.vector_load %arg9[%get3A_335] {strides = array<i32>} : memref<512xf32, #tpu.memory_space<vmem>>, vector<16xf32>,
    %get3A_337 = arith.constant 224 : index
    %get3A_338 = tpu.vector_load %arg8[%get3A_337] {strides = array<i32>} : memref<512xf32, #tpu.memory_space<vmem>>, vector<16xf32>,
    %sub3A_339 = arith.subf %get3A_336, %get3A_338 : vector<16xf32>
    %swap3A_340 = arith.constant 224 : index
    %swap3A_341 = tpu.vector_load %arg9[%swap3A_340] {strides = array<i32>} : memref<512xf32, #tpu.memory_space<vmem>>, vector<16xf32>,
    tpu.vector_store %arg9[%swap3A_340], %sub3A_339 {strides = array<i32>} : memref<512xf32, #tpu.memory_space<vmem>>, vector<16xf32>,
    %get3A_342 = arith.constant 240 : index
    %get3A_343 = tpu.vector_load %arg9[%get3A_342] {strides = array<i32>} : memref<512xf32, #tpu.memory_space<vmem>>, vector<16xf32>,
    %get3A_344 = arith.constant 240 : index
    %get3A_345 = tpu.vector_load %arg8[%get3A_344] {strides = array<i32>} : memref<512xf32, #tpu.memory_space<vmem>>, vector<16xf32>,
    %sub3A_346 = arith.subf %get3A_343, %get3A_345 : vector<16xf32>
    %swap3A_347 = arith.constant 240 : index
    %swap3A_348 = tpu.vector_load %arg9[%swap3A_347] {strides = array<i32>} : memref<512xf32, #tpu.memory_space<vmem>>, vector<16xf32>,
    tpu.vector_store %arg9[%swap3A_347], %sub3A_346 {strides = array<i32>} : memref<512xf32, #tpu.memory_space<vmem>>, vector<16xf32>,
    %get3A_349 = arith.constant 256 : index
    %get3A_350 = tpu.vector_load %arg9[%get3A_349] {strides = array<i32>} : memref<512xf32, #tpu.memory_space<vmem>>, vector<16xf32>,
    %get3A_351 = arith.constant 256 : index
    %get3A_352 = tpu.vector_load %arg8[%get3A_351] {strides = array<i32>} : memref<512xf32, #tpu.memory_space<vmem>>, vector<16xf32>,
    %sub3A_353 = arith.subf %get3A_350, %get3A_352 : vector<16xf32>
    %swap3A_354 = arith.constant 256 : index
    %swap3A_355 = tpu.vector_load %arg9[%swap3A_354] {strides = array<i32>} : memref<512xf32, #tpu.memory_space<vmem>>, vector<16xf32>,
    tpu.vector_store %arg9[%swap3A_354], %sub3A_353 {strides = array<i32>} : memref<512xf32, #tpu.memory_space<vmem>>, vector<16xf32>,
    %get3A_356 = arith.constant 272 : index
    %get3A_357 = tpu.vector_load %arg9[%get3A_356] {strides = array<i32>} : memref<512xf32, #tpu.memory_space<vmem>>, vector<16xf32>,
    %get3A_358 = arith.constant 272 : index
    %get3A_359 = tpu.vector_load %arg8[%get3A_358] {strides = array<i32>} : memref<512xf32, #tpu.memory_space<vmem>>, vector<16xf32>,
    %sub3A_360 = arith.subf %get3A_357, %get3A_359 : vector<16xf32>
    %swap3A_361 = arith.constant 272 : index
    %swap3A_362 = tpu.vector_load %arg9[%swap3A_361] {strides = array<i32>} : memref<512xf32, #tpu.memory_space<vmem>>, vector<16xf32>,
    tpu.vector_store %arg9[%swap3A_361], %sub3A_360 {strides = array<i32>} : memref<512xf32, #tpu.memory_space<vmem>>, vector<16xf32>,
    %get3A_363 = arith.constant 288 : index
    %get3A_364 = tpu.vector_load %arg9[%get3A_363] {strides = array<i32>} : memref<512xf32, #tpu.memory_space<vmem>>, vector<16xf32>,
    %get3A_365 = arith.constant 288 : index
    %get3A_366 = tpu.vector_load %arg8[%get3A_365] {strides = array<i32>} : memref<512xf32, #tpu.memory_space<vmem>>, vector<16xf32>,
    %sub3A_367 = arith.subf %get3A_364, %get3A_366 : vector<16xf32>
    %swap3A_368 = arith.constant 288 : index
    %swap3A_369 = tpu.vector_load %arg9[%swap3A_368] {strides = array<i32>} : memref<512xf32, #tpu.memory_space<vmem>>, vector<16xf32>,
    tpu.vector_store %arg9[%swap3A_368], %sub3A_367 {strides = array<i32>} : memref<512xf32, #tpu.memory_space<vmem>>, vector<16xf32>,
    %get3A_370 = arith.constant 304 : index
    %get3A_371 = tpu.vector_load %arg9[%get3A_370] {strides = array<i32>} : memref<512xf32, #tpu.memory_space<vmem>>, vector<16xf32>,
    %get3A_372 = arith.constant 304 : index
    %get3A_373 = tpu.vector_load %arg8[%get3A_372] {strides = array<i32>} : memref<512xf32, #tpu.memory_space<vmem>>, vector<16xf32>,
    %sub3A_374 = arith.subf %get3A_371, %get3A_373 : vector<16xf32>
    %swap3A_375 = arith.constant 304 : index
    %swap3A_376 = tpu.vector_load %arg9[%swap3A_375] {strides = array<i32>} : memref<512xf32, #tpu.memory_space<vmem>>, vector<16xf32>,
    tpu.vector_store %arg9[%swap3A_375], %sub3A_374 {strides = array<i32>} : memref<512xf32, #tpu.memory_space<vmem>>, vector<16xf32>,
    %get3A_377 = arith.constant 320 : index
    %get3A_378 = tpu.vector_load %arg9[%get3A_377] {strides = array<i32>} : memref<512xf32, #tpu.memory_space<vmem>>, vector<16xf32>,
    %get3A_379 = arith.constant 320 : index
    %get3A_380 = tpu.vector_load %arg8[%get3A_379] {strides = array<i32>} : memref<512xf32, #tpu.memory_space<vmem>>, vector<16xf32>,
    %sub3A_381 = arith.subf %get3A_378, %get3A_380 : vector<16xf32>
    %swap3A_382 = arith.constant 320 : index
    %swap3A_383 = tpu.vector_load %arg9[%swap3A_382] {strides = array<i32>} : memref<512xf32, #tpu.memory_space<vmem>>, vector<16xf32>,
    tpu.vector_store %arg9[%swap3A_382], %sub3A_381 {strides = array<i32>} : memref<512xf32, #tpu.memory_space<vmem>>, vector<16xf32>,
    %get3A_384 = arith.constant 336 : index
    %get3A_385 = tpu.vector_load %arg9[%get3A_384] {strides = array<i32>} : memref<512xf32, #tpu.memory_space<vmem>>, vector<16xf32>,
    %get3A_386 = arith.constant 336 : index
    %get3A_387 = tpu.vector_load %arg8[%get3A_386] {strides = array<i32>} : memref<512xf32, #tpu.memory_space<vmem>>, vector<16xf32>,
    %sub3A_388 = arith.subf %get3A_385, %get3A_387 : vector<16xf32>
    %swap3A_389 = arith.constant 336 : index
    %swap3A_390 = tpu.vector_load %arg9[%swap3A_389] {strides = array<i32>} : memref<512xf32, #tpu.memory_space<vmem>>, vector<16xf32>,
    tpu.vector_store %arg9[%swap3A_389], %sub3A_388 {strides = array<i32>} : memref<512xf32, #tpu.memory_space<vmem>>, vector<16xf32>,
    %get3A_391 = arith.constant 352 : index
    %get3A_392 = tpu.vector_load %arg9[%get3A_391] {strides = array<i32>} : memref<512xf32, #tpu.memory_space<vmem>>, vector<16xf32>,
    %get3A_393 = arith.constant 352 : index
    %get3A_394 = tpu.vector_load %arg8[%get3A_393] {strides = array<i32>} : memref<512xf32, #tpu.memory_space<vmem>>, vector<16xf32>,
    %sub3A_395 = arith.subf %get3A_392, %get3A_394 : vector<16xf32>
    %swap3A_396 = arith.constant 352 : index
    %swap3A_397 = tpu.vector_load %arg9[%swap3A_396] {strides = array<i32>} : memref<512xf32, #tpu.memory_space<vmem>>, vector<16xf32>,
    tpu.vector_store %arg9[%swap3A_396], %sub3A_395 {strides = array<i32>} : memref<512xf32, #tpu.memory_space<vmem>>, vector<16xf32>,
    %get3A_398 = arith.constant 368 : index
    %get3A_399 = tpu.vector_load %arg9[%get3A_398] {strides = array<i32>} : memref<512xf32, #tpu.memory_space<vmem>>, vector<16xf32>,
    %get3A_400 = arith.constant 368 : index
    %get3A_401 = tpu.vector_load %arg8[%get3A_400] {strides = array<i32>} : memref<512xf32, #tpu.memory_space<vmem>>, vector<16xf32>,
    %sub3A_402 = arith.subf %get3A_399, %get3A_401 : vector<16xf32>
    %swap3A_403 = arith.constant 368 : index
    %swap3A_404 = tpu.vector_load %arg9[%swap3A_403] {strides = array<i32>} : memref<512xf32, #tpu.memory_space<vmem>>, vector<16xf32>,
    tpu.vector_store %arg9[%swap3A_403], %sub3A_402 {strides = array<i32>} : memref<512xf32, #tpu.memory_space<vmem>>, vector<16xf32>,
    %get3A_405 = arith.constant 384 : index
    %get3A_406 = tpu.vector_load %arg9[%get3A_405] {strides = array<i32>} : memref<512xf32, #tpu.memory_space<vmem>>, vector<16xf32>,
    %get3A_407 = arith.constant 384 : index
    %get3A_408 = tpu.vector_load %arg8[%get3A_407] {strides = array<i32>} : memref<512xf32, #tpu.memory_space<vmem>>, vector<16xf32>,
    %sub3A_409 = arith.subf %get3A_406, %get3A_408 : vector<16xf32>
    %swap3A_410 = arith.constant 384 : index
    %swap3A_411 = tpu.vector_load %arg9[%swap3A_410] {strides = array<i32>} : memref<512xf32, #tpu.memory_space<vmem>>, vector<16xf32>,
    tpu.vector_store %arg9[%swap3A_410], %sub3A_409 {strides = array<i32>} : memref<512xf32, #tpu.memory_space<vmem>>, vector<16xf32>,
    %get3A_412 = arith.constant 400 : index
    %get3A_413 = tpu.vector_load %arg9[%get3A_412] {strides = array<i32>} : memref<512xf32, #tpu.memory_space<vmem>>, vector<16xf32>,
    %get3A_414 = arith.constant 400 : index
    %get3A_415 = tpu.vector_load %arg8[%get3A_414] {strides = array<i32>} : memref<512xf32, #tpu.memory_space<vmem>>, vector<16xf32>,
    %sub3A_416 = arith.subf %get3A_413, %get3A_415 : vector<16xf32>
    %swap3A_417 = arith.constant 400 : index
    %swap3A_418 = tpu.vector_load %arg9[%swap3A_417] {strides = array<i32>} : memref<512xf32, #tpu.memory_space<vmem>>, vector<16xf32>,
    tpu.vector_store %arg9[%swap3A_417], %sub3A_416 {strides = array<i32>} : memref<512xf32, #tpu.memory_space<vmem>>, vector<16xf32>,
    %get3A_419 = arith.constant 416 : index
    %get3A_420 = tpu.vector_load %arg9[%get3A_419] {strides = array<i32>} : memref<512xf32, #tpu.memory_space<vmem>>, vector<16xf32>,
    %get3A_421 = arith.constant 416 : index
    %get3A_422 = tpu.vector_load %arg8[%get3A_421] {strides = array<i32>} : memref<512xf32, #tpu.memory_space<vmem>>, vector<16xf32>,
    %sub3A_423 = arith.subf %get3A_420, %get3A_422 : vector<16xf32>
    %swap3A_424 = arith.constant 416 : index
    %swap3A_425 = tpu.vector_load %arg9[%swap3A_424] {strides = array<i32>} : memref<512xf32, #tpu.memory_space<vmem>>, vector<16xf32>,
    tpu.vector_store %arg9[%swap3A_424], %sub3A_423 {strides = array<i32>} : memref<512xf32, #tpu.memory_space<vmem>>, vector<16xf32>,
    %get3A_426 = arith.constant 432 : index
    %get3A_427 = tpu.vector_load %arg9[%get3A_426] {strides = array<i32>} : memref<512xf32, #tpu.memory_space<vmem>>, vector<16xf32>,
    %get3A_428 = arith.constant 432 : index
    %get3A_429 = tpu.vector_load %arg8[%get3A_428] {strides = array<i32>} : memref<512xf32, #tpu.memory_space<vmem>>, vector<16xf32>,
    %sub3A_430 = arith.subf %get3A_427, %get3A_429 : vector<16xf32>
    %swap3A_431 = arith.constant 432 : index
    %swap3A_432 = tpu.vector_load %arg9[%swap3A_431] {strides = array<i32>} : memref<512xf32, #tpu.memory_space<vmem>>, vector<16xf32>,
    tpu.vector_store %arg9[%swap3A_431], %sub3A_430 {strides = array<i32>} : memref<512xf32, #tpu.memory_space<vmem>>, vector<16xf32>,
    %get3A_433 = arith.constant 448 : index
    %get3A_434 = tpu.vector_load %arg9[%get3A_433] {strides = array<i32>} : memref<512xf32, #tpu.memory_space<vmem>>, vector<16xf32>,
    %get3A_435 = arith.constant 448 : index
    %get3A_436 = tpu.vector_load %arg8[%get3A_435] {strides = array<i32>} : memref<512xf32, #tpu.memory_space<vmem>>, vector<16xf32>,
    %sub3A_437 = arith.subf %get3A_434, %get3A_436 : vector<16xf32>
    %swap3A_438 = arith.constant 448 : index
    %swap3A_439 = tpu.vector_load %arg9[%swap3A_438] {strides = array<i32>} : memref<512xf32, #tpu.memory_space<vmem>>, vector<16xf32>,
    tpu.vector_store %arg9[%swap3A_438], %sub3A_437 {strides = array<i32>} : memref<512xf32, #tpu.memory_space<vmem>>, vector<16xf32>,
    %get3A_440 = arith.constant 464 : index
    %get3A_441 = tpu.vector_load %arg9[%get3A_440] {strides = array<i32>} : memref<512xf32, #tpu.memory_space<vmem>>, vector<16xf32>,
    %get3A_442 = arith.constant 464 : index
    %get3A_443 = tpu.vector_load %arg8[%get3A_442] {strides = array<i32>} : memref<512xf32, #tpu.memory_space<vmem>>, vector<16xf32>,
    %sub3A_444 = arith.subf %get3A_441, %get3A_443 : vector<16xf32>
    %swap3A_445 = arith.constant 464 : index
    %swap3A_446 = tpu.vector_load %arg9[%swap3A_445] {strides = array<i32>} : memref<512xf32, #tpu.memory_space<vmem>>, vector<16xf32>,
    tpu.vector_store %arg9[%swap3A_445], %sub3A_444 {strides = array<i32>} : memref<512xf32, #tpu.memory_space<vmem>>, vector<16xf32>,
    %get3A_447 = arith.constant 480 : index
    %get3A_448 = tpu.vector_load %arg9[%get3A_447] {strides = array<i32>} : memref<512xf32, #tpu.memory_space<vmem>>, vector<16xf32>,
    %get3A_449 = arith.constant 480 : index
    %get3A_450 = tpu.vector_load %arg8[%get3A_449] {strides = array<i32>} : memref<512xf32, #tpu.memory_space<vmem>>, vector<16xf32>,
    %sub3A_451 = arith.subf %get3A_448, %get3A_450 : vector<16xf32>
    %swap3A_452 = arith.constant 480 : index
    %swap3A_453 = tpu.vector_load %arg9[%swap3A_452] {strides = array<i32>} : memref<512xf32, #tpu.memory_space<vmem>>, vector<16xf32>,
    tpu.vector_store %arg9[%swap3A_452], %sub3A_451 {strides = array<i32>} : memref<512xf32, #tpu.memory_space<vmem>>, vector<16xf32>,
    %get3A_454 = arith.constant 496 : index
    %get3A_455 = tpu.vector_load %arg9[%get3A_454] {strides = array<i32>} : memref<512xf32, #tpu.memory_space<vmem>>, vector<16xf32>,
    %get3A_456 = arith.constant 496 : index
    %get3A_457 = tpu.vector_load %arg8[%get3A_456] {strides = array<i32>} : memref<512xf32, #tpu.memory_space<vmem>>, vector<16xf32>,
    %sub3A_458 = arith.subf %get3A_455, %get3A_457 : vector<16xf32>
    %swap3A_459 = arith.constant 496 : index
    %swap3A_460 = tpu.vector_load %arg9[%swap3A_459] {strides = array<i32>} : memref<512xf32, #tpu.memory_space<vmem>>, vector<16xf32>,
    tpu.vector_store %arg9[%swap3A_459], %sub3A_458 {strides = array<i32>} : memref<512xf32, #tpu.memory_space<vmem>>, vector<16xf32>,
    "tpu.region"() ({
      %run_scoped3A = tpu.sem_alloc : memref<!tpu.dma_semaphore, #tpu.memory_space<semaphore_mem>>
      %dma_start3A_1011 = arith.constant 0 : i32
      %dma_start3A_1012 = tpu.memref_slice %arg16[%arg1, %dma_start3A_1011] : memref<16x512xf32, #tpu.memory_space<vmem_shared>> -> memref<1x512xf32, #tpu.memory_space<vmem_shared>>
      %dma_start3A_1013 = tpu.memref_squeeze %dma_start3A_1012 : memref<1x512xf32, #tpu.memory_space<vmem_shared>> -> memref<512xf32, #tpu.memory_space<vmem_shared>>
      %dma_start3A_1014 = arith.constant 0 : i32
      %dma_start3A_1015 = tpu.memref_slice %arg16[%arg1, %dma_start3A_1014] : memref<16x512xf32, #tpu.memory_space<vmem_shared>> -> memref<1x512xf32, #tpu.memory_space<vmem_shared>>
      %dma_start3A_1016 = tpu.memref_squeeze %dma_start3A_1015 : memref<1x512xf32, #tpu.memory_space<vmem_shared>> -> memref<512xf32, #tpu.memory_space<vmem_shared>>
      tpu.enqueue_dma source(%arg9 : memref<512xf32, #tpu.memory_space<vmem>>) target(%dma_start3A_1016 : memref<512xf32, #tpu.memory_space<vmem_shared>>) target_semaphore(%run_scoped3A : memref<!tpu.dma_semaphore, #tpu.memory_space<semaphore_mem>>)
      %dma_wait3A_1017 = arith.constant 0 : i32
      %dma_wait3A_1018 = tpu.memref_slice %arg16[%arg1, %dma_wait3A_1017] : memref<16x512xf32, #tpu.memory_space<vmem_shared>> -> memref<1x512xf32, #tpu.memory_space<vmem_shared>>
      %dma_wait3A_1019 = tpu.memref_squeeze %dma_wait3A_1018 : memref<1x512xf32, #tpu.memory_space<vmem_shared>> -> memref<512xf32, #tpu.memory_space<vmem_shared>>
      %dma_wait3A_1020 = arith.constant 0 : i32
      %dma_wait3A_1021 = tpu.memref_slice %arg16[%arg1, %dma_wait3A_1020] : memref<16x512xf32, #tpu.memory_space<vmem_shared>> -> memref<1x512xf32, #tpu.memory_space<vmem_shared>>
      %dma_wait3A_1022 = tpu.memref_squeeze %dma_wait3A_1021 : memref<1x512xf32, #tpu.memory_space<vmem_shared>> -> memref<512xf32, #tpu.memory_space<vmem_shared>>
      tpu.wait_dma2 semaphore(%run_scoped3A : memref<!tpu.dma_semaphore, #tpu.memory_space<semaphore_mem>>) src(%arg9 : memref<512xf32, #tpu.memory_space<vmem>>) dst(%dma_wait3A_1022 : memref<512xf32, #tpu.memory_space<vmem_shared>>)
      tpu.yield
    }) : () -> ()
    %barrier3A = arith.constant 0 : index
    tpu.barrier barrier_id(%barrier3A)
    %mul3A_461 = arith.constant 32 : i32
    %mul3A_462 = arith.muli %arg1, %mul3A_461 : i32
    %dma_start3A_463 = arith.constant 0 : i32
    %dma_start3A_464 = arith.constant 0 : i32
    %dma_start3A_465 = tpu.memref_slice %arg19[%dma_start3A_464] : memref<512xf32, #tpu.memory_space<vmem>> -> memref<32xf32, #tpu.memory_space<vmem>>
    %dma_start3A_466 = tpu.memref_slice %arg16[%dma_start3A_463, %mul3A_462] : memref<16x512xf32, #tpu.memory_space<vmem_shared>> -> memref<1x32xf32, #tpu.memory_space<vmem_shared>>
    %dma_start3A_467 = tpu.memref_squeeze %dma_start3A_466 : memref<1x32xf32, #tpu.memory_space<vmem_shared>> -> memref<32xf32, #tpu.memory_space<vmem_shared>>
    %dma_start3A_468 = arith.constant 0 : i32
    %dma_start3A_469 = tpu.memref_slice %arg19[%dma_start3A_468] : memref<512xf32, #tpu.memory_space<vmem>> -> memref<32xf32, #tpu.memory_space<vmem>>
    %dma_start3A_470 = tpu.memref_slice %arg16[%dma_start3A_463, %mul3A_462] : memref<16x512xf32, #tpu.memory_space<vmem_shared>> -> memref<1x32xf32, #tpu.memory_space<vmem_shared>>
    %dma_start3A_471 = tpu.memref_squeeze %dma_start3A_470 : memref<1x32xf32, #tpu.memory_space<vmem_shared>> -> memref<32xf32, #tpu.memory_space<vmem_shared>>
    tpu.enqueue_dma source(%dma_start3A_471 : memref<32xf32, #tpu.memory_space<vmem_shared>>) target(%dma_start3A_469 : memref<32xf32, #tpu.memory_space<vmem>>) target_semaphore(%arg15 : memref<!tpu.dma_semaphore, #tpu.memory_space<semaphore_mem>>)
    %mul3A_472 = arith.constant 32 : i32
    %mul3A_473 = arith.muli %arg1, %mul3A_472 : i32
    %dma_start3A_474 = arith.constant 1 : i32
    %dma_start3A_475 = arith.constant 32 : i32
    %dma_start3A_476 = tpu.memref_slice %arg19[%dma_start3A_475] : memref<512xf32, #tpu.memory_space<vmem>> -> memref<32xf32, #tpu.memory_space<vmem>>
    %dma_start3A_477 = tpu.memref_slice %arg16[%dma_start3A_474, %mul3A_473] : memref<16x512xf32, #tpu.memory_space<vmem_shared>> -> memref<1x32xf32, #tpu.memory_space<vmem_shared>>
    %dma_start3A_478 = tpu.memref_squeeze %dma_start3A_477 : memref<1x32xf32, #tpu.memory_space<vmem_shared>> -> memref<32xf32, #tpu.memory_space<vmem_shared>>
    %dma_start3A_479 = arith.constant 32 : i32
    %dma_start3A_480 = tpu.memref_slice %arg19[%dma_start3A_479] : memref<512xf32, #tpu.memory_space<vmem>> -> memref<32xf32, #tpu.memory_space<vmem>>
    %dma_start3A_481 = tpu.memref_slice %arg16[%dma_start3A_474, %mul3A_473] : memref<16x512xf32, #tpu.memory_space<vmem_shared>> -> memref<1x32xf32, #tpu.memory_space<vmem_shared>>
    %dma_start3A_482 = tpu.memref_squeeze %dma_start3A_481 : memref<1x32xf32, #tpu.memory_space<vmem_shared>> -> memref<32xf32, #tpu.memory_space<vmem_shared>>
    tpu.enqueue_dma source(%dma_start3A_482 : memref<32xf32, #tpu.memory_space<vmem_shared>>) target(%dma_start3A_480 : memref<32xf32, #tpu.memory_space<vmem>>) target_semaphore(%arg15 : memref<!tpu.dma_semaphore, #tpu.memory_space<semaphore_mem>>)
    %mul3A_483 = arith.constant 32 : i32
    %mul3A_484 = arith.muli %arg1, %mul3A_483 : i32
    %dma_start3A_485 = arith.constant 2 : i32
    %dma_start3A_486 = arith.constant 64 : i32
    %dma_start3A_487 = tpu.memref_slice %arg19[%dma_start3A_486] : memref<512xf32, #tpu.memory_space<vmem>> -> memref<32xf32, #tpu.memory_space<vmem>>
    %dma_start3A_488 = tpu.memref_slice %arg16[%dma_start3A_485, %mul3A_484] : memref<16x512xf32, #tpu.memory_space<vmem_shared>> -> memref<1x32xf32, #tpu.memory_space<vmem_shared>>
    %dma_start3A_489 = tpu.memref_squeeze %dma_start3A_488 : memref<1x32xf32, #tpu.memory_space<vmem_shared>> -> memref<32xf32, #tpu.memory_space<vmem_shared>>
    %dma_start3A_490 = arith.constant 64 : i32
    %dma_start3A_491 = tpu.memref_slice %arg19[%dma_start3A_490] : memref<512xf32, #tpu.memory_space<vmem>> -> memref<32xf32, #tpu.memory_space<vmem>>
    %dma_start3A_492 = tpu.memref_slice %arg16[%dma_start3A_485, %mul3A_484] : memref<16x512xf32, #tpu.memory_space<vmem_shared>> -> memref<1x32xf32, #tpu.memory_space<vmem_shared>>
    %dma_start3A_493 = tpu.memref_squeeze %dma_start3A_492 : memref<1x32xf32, #tpu.memory_space<vmem_shared>> -> memref<32xf32, #tpu.memory_space<vmem_shared>>
    tpu.enqueue_dma source(%dma_start3A_493 : memref<32xf32, #tpu.memory_space<vmem_shared>>) target(%dma_start3A_491 : memref<32xf32, #tpu.memory_space<vmem>>) target_semaphore(%arg15 : memref<!tpu.dma_semaphore, #tpu.memory_space<semaphore_mem>>)
    %mul3A_494 = arith.constant 32 : i32
    %mul3A_495 = arith.muli %arg1, %mul3A_494 : i32
    %dma_start3A_496 = arith.constant 3 : i32
    %dma_start3A_497 = arith.constant 96 : i32
    %dma_start3A_498 = tpu.memref_slice %arg19[%dma_start3A_497] : memref<512xf32, #tpu.memory_space<vmem>> -> memref<32xf32, #tpu.memory_space<vmem>>
    %dma_start3A_499 = tpu.memref_slice %arg16[%dma_start3A_496, %mul3A_495] : memref<16x512xf32, #tpu.memory_space<vmem_shared>> -> memref<1x32xf32, #tpu.memory_space<vmem_shared>>
    %dma_start3A_500 = tpu.memref_squeeze %dma_start3A_499 : memref<1x32xf32, #tpu.memory_space<vmem_shared>> -> memref<32xf32, #tpu.memory_space<vmem_shared>>
    %dma_start3A_501 = arith.constant 96 : i32
    %dma_start3A_502 = tpu.memref_slice %arg19[%dma_start3A_501] : memref<512xf32, #tpu.memory_space<vmem>> -> memref<32xf32, #tpu.memory_space<vmem>>
    %dma_start3A_503 = tpu.memref_slice %arg16[%dma_start3A_496, %mul3A_495] : memref<16x512xf32, #tpu.memory_space<vmem_shared>> -> memref<1x32xf32, #tpu.memory_space<vmem_shared>>
    %dma_start3A_504 = tpu.memref_squeeze %dma_start3A_503 : memref<1x32xf32, #tpu.memory_space<vmem_shared>> -> memref<32xf32, #tpu.memory_space<vmem_shared>>
    tpu.enqueue_dma source(%dma_start3A_504 : memref<32xf32, #tpu.memory_space<vmem_shared>>) target(%dma_start3A_502 : memref<32xf32, #tpu.memory_space<vmem>>) target_semaphore(%arg15 : memref<!tpu.dma_semaphore, #tpu.memory_space<semaphore_mem>>)
    %mul3A_505 = arith.constant 32 : i32
    %mul3A_506 = arith.muli %arg1, %mul3A_505 : i32
    %dma_start3A_507 = arith.constant 4 : i32
    %dma_start3A_508 = arith.constant 128 : i32
    %dma_start3A_509 = tpu.memref_slice %arg19[%dma_start3A_508] : memref<512xf32, #tpu.memory_space<vmem>> -> memref<32xf32, #tpu.memory_space<vmem>>
    %dma_start3A_510 = tpu.memref_slice %arg16[%dma_start3A_507, %mul3A_506] : memref<16x512xf32, #tpu.memory_space<vmem_shared>> -> memref<1x32xf32, #tpu.memory_space<vmem_shared>>
    %dma_start3A_511 = tpu.memref_squeeze %dma_start3A_510 : memref<1x32xf32, #tpu.memory_space<vmem_shared>> -> memref<32xf32, #tpu.memory_space<vmem_shared>>
    %dma_start3A_512 = arith.constant 128 : i32
    %dma_start3A_513 = tpu.memref_slice %arg19[%dma_start3A_512] : memref<512xf32, #tpu.memory_space<vmem>> -> memref<32xf32, #tpu.memory_space<vmem>>
    %dma_start3A_514 = tpu.memref_slice %arg16[%dma_start3A_507, %mul3A_506] : memref<16x512xf32, #tpu.memory_space<vmem_shared>> -> memref<1x32xf32, #tpu.memory_space<vmem_shared>>
    %dma_start3A_515 = tpu.memref_squeeze %dma_start3A_514 : memref<1x32xf32, #tpu.memory_space<vmem_shared>> -> memref<32xf32, #tpu.memory_space<vmem_shared>>
    tpu.enqueue_dma source(%dma_start3A_515 : memref<32xf32, #tpu.memory_space<vmem_shared>>) target(%dma_start3A_513 : memref<32xf32, #tpu.memory_space<vmem>>) target_semaphore(%arg15 : memref<!tpu.dma_semaphore, #tpu.memory_space<semaphore_mem>>)
    %mul3A_516 = arith.constant 32 : i32
    %mul3A_517 = arith.muli %arg1, %mul3A_516 : i32
    %dma_start3A_518 = arith.constant 5 : i32
    %dma_start3A_519 = arith.constant 160 : i32
    %dma_start3A_520 = tpu.memref_slice %arg19[%dma_start3A_519] : memref<512xf32, #tpu.memory_space<vmem>> -> memref<32xf32, #tpu.memory_space<vmem>>
    %dma_start3A_521 = tpu.memref_slice %arg16[%dma_start3A_518, %mul3A_517] : memref<16x512xf32, #tpu.memory_space<vmem_shared>> -> memref<1x32xf32, #tpu.memory_space<vmem_shared>>
    %dma_start3A_522 = tpu.memref_squeeze %dma_start3A_521 : memref<1x32xf32, #tpu.memory_space<vmem_shared>> -> memref<32xf32, #tpu.memory_space<vmem_shared>>
    %dma_start3A_523 = arith.constant 160 : i32
    %dma_start3A_524 = tpu.memref_slice %arg19[%dma_start3A_523] : memref<512xf32, #tpu.memory_space<vmem>> -> memref<32xf32, #tpu.memory_space<vmem>>
    %dma_start3A_525 = tpu.memref_slice %arg16[%dma_start3A_518, %mul3A_517] : memref<16x512xf32, #tpu.memory_space<vmem_shared>> -> memref<1x32xf32, #tpu.memory_space<vmem_shared>>
    %dma_start3A_526 = tpu.memref_squeeze %dma_start3A_525 : memref<1x32xf32, #tpu.memory_space<vmem_shared>> -> memref<32xf32, #tpu.memory_space<vmem_shared>>
    tpu.enqueue_dma source(%dma_start3A_526 : memref<32xf32, #tpu.memory_space<vmem_shared>>) target(%dma_start3A_524 : memref<32xf32, #tpu.memory_space<vmem>>) target_semaphore(%arg15 : memref<!tpu.dma_semaphore, #tpu.memory_space<semaphore_mem>>)
    %mul3A_527 = arith.constant 32 : i32
    %mul3A_528 = arith.muli %arg1, %mul3A_527 : i32
    %dma_start3A_529 = arith.constant 6 : i32
    %dma_start3A_530 = arith.constant 192 : i32
    %dma_start3A_531 = tpu.memref_slice %arg19[%dma_start3A_530] : memref<512xf32, #tpu.memory_space<vmem>> -> memref<32xf32, #tpu.memory_space<vmem>>
    %dma_start3A_532 = tpu.memref_slice %arg16[%dma_start3A_529, %mul3A_528] : memref<16x512xf32, #tpu.memory_space<vmem_shared>> -> memref<1x32xf32, #tpu.memory_space<vmem_shared>>
    %dma_start3A_533 = tpu.memref_squeeze %dma_start3A_532 : memref<1x32xf32, #tpu.memory_space<vmem_shared>> -> memref<32xf32, #tpu.memory_space<vmem_shared>>
    %dma_start3A_534 = arith.constant 192 : i32
    %dma_start3A_535 = tpu.memref_slice %arg19[%dma_start3A_534] : memref<512xf32, #tpu.memory_space<vmem>> -> memref<32xf32, #tpu.memory_space<vmem>>
    %dma_start3A_536 = tpu.memref_slice %arg16[%dma_start3A_529, %mul3A_528] : memref<16x512xf32, #tpu.memory_space<vmem_shared>> -> memref<1x32xf32, #tpu.memory_space<vmem_shared>>
    %dma_start3A_537 = tpu.memref_squeeze %dma_start3A_536 : memref<1x32xf32, #tpu.memory_space<vmem_shared>> -> memref<32xf32, #tpu.memory_space<vmem_shared>>
    tpu.enqueue_dma source(%dma_start3A_537 : memref<32xf32, #tpu.memory_space<vmem_shared>>) target(%dma_start3A_535 : memref<32xf32, #tpu.memory_space<vmem>>) target_semaphore(%arg15 : memref<!tpu.dma_semaphore, #tpu.memory_space<semaphore_mem>>)
    %mul3A_538 = arith.constant 32 : i32
    %mul3A_539 = arith.muli %arg1, %mul3A_538 : i32
    %dma_start3A_540 = arith.constant 7 : i32
    %dma_start3A_541 = arith.constant 224 : i32
    %dma_start3A_542 = tpu.memref_slice %arg19[%dma_start3A_541] : memref<512xf32, #tpu.memory_space<vmem>> -> memref<32xf32, #tpu.memory_space<vmem>>
    %dma_start3A_543 = tpu.memref_slice %arg16[%dma_start3A_540, %mul3A_539] : memref<16x512xf32, #tpu.memory_space<vmem_shared>> -> memref<1x32xf32, #tpu.memory_space<vmem_shared>>
    %dma_start3A_544 = tpu.memref_squeeze %dma_start3A_543 : memref<1x32xf32, #tpu.memory_space<vmem_shared>> -> memref<32xf32, #tpu.memory_space<vmem_shared>>
    %dma_start3A_545 = arith.constant 224 : i32
    %dma_start3A_546 = tpu.memref_slice %arg19[%dma_start3A_545] : memref<512xf32, #tpu.memory_space<vmem>> -> memref<32xf32, #tpu.memory_space<vmem>>
    %dma_start3A_547 = tpu.memref_slice %arg16[%dma_start3A_540, %mul3A_539] : memref<16x512xf32, #tpu.memory_space<vmem_shared>> -> memref<1x32xf32, #tpu.memory_space<vmem_shared>>
    %dma_start3A_548 = tpu.memref_squeeze %dma_start3A_547 : memref<1x32xf32, #tpu.memory_space<vmem_shared>> -> memref<32xf32, #tpu.memory_space<vmem_shared>>
    tpu.enqueue_dma source(%dma_start3A_548 : memref<32xf32, #tpu.memory_space<vmem_shared>>) target(%dma_start3A_546 : memref<32xf32, #tpu.memory_space<vmem>>) target_semaphore(%arg15 : memref<!tpu.dma_semaphore, #tpu.memory_space<semaphore_mem>>)
    %mul3A_549 = arith.constant 32 : i32
    %mul3A_550 = arith.muli %arg1, %mul3A_549 : i32
    %dma_start3A_551 = arith.constant 8 : i32
    %dma_start3A_552 = arith.constant 256 : i32
    %dma_start3A_553 = tpu.memref_slice %arg19[%dma_start3A_552] : memref<512xf32, #tpu.memory_space<vmem>> -> memref<32xf32, #tpu.memory_space<vmem>>
    %dma_start3A_554 = tpu.memref_slice %arg16[%dma_start3A_551, %mul3A_550] : memref<16x512xf32, #tpu.memory_space<vmem_shared>> -> memref<1x32xf32, #tpu.memory_space<vmem_shared>>
    %dma_start3A_555 = tpu.memref_squeeze %dma_start3A_554 : memref<1x32xf32, #tpu.memory_space<vmem_shared>> -> memref<32xf32, #tpu.memory_space<vmem_shared>>
    %dma_start3A_556 = arith.constant 256 : i32
    %dma_start3A_557 = tpu.memref_slice %arg19[%dma_start3A_556] : memref<512xf32, #tpu.memory_space<vmem>> -> memref<32xf32, #tpu.memory_space<vmem>>
    %dma_start3A_558 = tpu.memref_slice %arg16[%dma_start3A_551, %mul3A_550] : memref<16x512xf32, #tpu.memory_space<vmem_shared>> -> memref<1x32xf32, #tpu.memory_space<vmem_shared>>
    %dma_start3A_559 = tpu.memref_squeeze %dma_start3A_558 : memref<1x32xf32, #tpu.memory_space<vmem_shared>> -> memref<32xf32, #tpu.memory_space<vmem_shared>>
    tpu.enqueue_dma source(%dma_start3A_559 : memref<32xf32, #tpu.memory_space<vmem_shared>>) target(%dma_start3A_557 : memref<32xf32, #tpu.memory_space<vmem>>) target_semaphore(%arg15 : memref<!tpu.dma_semaphore, #tpu.memory_space<semaphore_mem>>)
    %mul3A_560 = arith.constant 32 : i32
    %mul3A_561 = arith.muli %arg1, %mul3A_560 : i32
    %dma_start3A_562 = arith.constant 9 : i32
    %dma_start3A_563 = arith.constant 288 : i32
    %dma_start3A_564 = tpu.memref_slice %arg19[%dma_start3A_563] : memref<512xf32, #tpu.memory_space<vmem>> -> memref<32xf32, #tpu.memory_space<vmem>>
    %dma_start3A_565 = tpu.memref_slice %arg16[%dma_start3A_562, %mul3A_561] : memref<16x512xf32, #tpu.memory_space<vmem_shared>> -> memref<1x32xf32, #tpu.memory_space<vmem_shared>>
    %dma_start3A_566 = tpu.memref_squeeze %dma_start3A_565 : memref<1x32xf32, #tpu.memory_space<vmem_shared>> -> memref<32xf32, #tpu.memory_space<vmem_shared>>
    %dma_start3A_567 = arith.constant 288 : i32
    %dma_start3A_568 = tpu.memref_slice %arg19[%dma_start3A_567] : memref<512xf32, #tpu.memory_space<vmem>> -> memref<32xf32, #tpu.memory_space<vmem>>
    %dma_start3A_569 = tpu.memref_slice %arg16[%dma_start3A_562, %mul3A_561] : memref<16x512xf32, #tpu.memory_space<vmem_shared>> -> memref<1x32xf32, #tpu.memory_space<vmem_shared>>
    %dma_start3A_570 = tpu.memref_squeeze %dma_start3A_569 : memref<1x32xf32, #tpu.memory_space<vmem_shared>> -> memref<32xf32, #tpu.memory_space<vmem_shared>>
    tpu.enqueue_dma source(%dma_start3A_570 : memref<32xf32, #tpu.memory_space<vmem_shared>>) target(%dma_start3A_568 : memref<32xf32, #tpu.memory_space<vmem>>) target_semaphore(%arg15 : memref<!tpu.dma_semaphore, #tpu.memory_space<semaphore_mem>>)
    %mul3A_571 = arith.constant 32 : i32
    %mul3A_572 = arith.muli %arg1, %mul3A_571 : i32
    %dma_start3A_573 = arith.constant 10 : i32
    %dma_start3A_574 = arith.constant 320 : i32
    %dma_start3A_575 = tpu.memref_slice %arg19[%dma_start3A_574] : memref<512xf32, #tpu.memory_space<vmem>> -> memref<32xf32, #tpu.memory_space<vmem>>
    %dma_start3A_576 = tpu.memref_slice %arg16[%dma_start3A_573, %mul3A_572] : memref<16x512xf32, #tpu.memory_space<vmem_shared>> -> memref<1x32xf32, #tpu.memory_space<vmem_shared>>
    %dma_start3A_577 = tpu.memref_squeeze %dma_start3A_576 : memref<1x32xf32, #tpu.memory_space<vmem_shared>> -> memref<32xf32, #tpu.memory_space<vmem_shared>>
    %dma_start3A_578 = arith.constant 320 : i32
    %dma_start3A_579 = tpu.memref_slice %arg19[%dma_start3A_578] : memref<512xf32, #tpu.memory_space<vmem>> -> memref<32xf32, #tpu.memory_space<vmem>>
    %dma_start3A_580 = tpu.memref_slice %arg16[%dma_start3A_573, %mul3A_572] : memref<16x512xf32, #tpu.memory_space<vmem_shared>> -> memref<1x32xf32, #tpu.memory_space<vmem_shared>>
    %dma_start3A_581 = tpu.memref_squeeze %dma_start3A_580 : memref<1x32xf32, #tpu.memory_space<vmem_shared>> -> memref<32xf32, #tpu.memory_space<vmem_shared>>
    tpu.enqueue_dma source(%dma_start3A_581 : memref<32xf32, #tpu.memory_space<vmem_shared>>) target(%dma_start3A_579 : memref<32xf32, #tpu.memory_space<vmem>>) target_semaphore(%arg15 : memref<!tpu.dma_semaphore, #tpu.memory_space<semaphore_mem>>)
    %mul3A_582 = arith.constant 32 : i32
    %mul3A_583 = arith.muli %arg1, %mul3A_582 : i32
    %dma_start3A_584 = arith.constant 11 : i32
    %dma_start3A_585 = arith.constant 352 : i32
    %dma_start3A_586 = tpu.memref_slice %arg19[%dma_start3A_585] : memref<512xf32, #tpu.memory_space<vmem>> -> memref<32xf32, #tpu.memory_space<vmem>>
    %dma_start3A_587 = tpu.memref_slice %arg16[%dma_start3A_584, %mul3A_583] : memref<16x512xf32, #tpu.memory_space<vmem_shared>> -> memref<1x32xf32, #tpu.memory_space<vmem_shared>>
    %dma_start3A_588 = tpu.memref_squeeze %dma_start3A_587 : memref<1x32xf32, #tpu.memory_space<vmem_shared>> -> memref<32xf32, #tpu.memory_space<vmem_shared>>
    %dma_start3A_589 = arith.constant 352 : i32
    %dma_start3A_590 = tpu.memref_slice %arg19[%dma_start3A_589] : memref<512xf32, #tpu.memory_space<vmem>> -> memref<32xf32, #tpu.memory_space<vmem>>
    %dma_start3A_591 = tpu.memref_slice %arg16[%dma_start3A_584, %mul3A_583] : memref<16x512xf32, #tpu.memory_space<vmem_shared>> -> memref<1x32xf32, #tpu.memory_space<vmem_shared>>
    %dma_start3A_592 = tpu.memref_squeeze %dma_start3A_591 : memref<1x32xf32, #tpu.memory_space<vmem_shared>> -> memref<32xf32, #tpu.memory_space<vmem_shared>>
    tpu.enqueue_dma source(%dma_start3A_592 : memref<32xf32, #tpu.memory_space<vmem_shared>>) target(%dma_start3A_590 : memref<32xf32, #tpu.memory_space<vmem>>) target_semaphore(%arg15 : memref<!tpu.dma_semaphore, #tpu.memory_space<semaphore_mem>>)
    %mul3A_593 = arith.constant 32 : i32
    %mul3A_594 = arith.muli %arg1, %mul3A_593 : i32
    %dma_start3A_595 = arith.constant 12 : i32
    %dma_start3A_596 = arith.constant 384 : i32
    %dma_start3A_597 = tpu.memref_slice %arg19[%dma_start3A_596] : memref<512xf32, #tpu.memory_space<vmem>> -> memref<32xf32, #tpu.memory_space<vmem>>
    %dma_start3A_598 = tpu.memref_slice %arg16[%dma_start3A_595, %mul3A_594] : memref<16x512xf32, #tpu.memory_space<vmem_shared>> -> memref<1x32xf32, #tpu.memory_space<vmem_shared>>
    %dma_start3A_599 = tpu.memref_squeeze %dma_start3A_598 : memref<1x32xf32, #tpu.memory_space<vmem_shared>> -> memref<32xf32, #tpu.memory_space<vmem_shared>>
    %dma_start3A_600 = arith.constant 384 : i32
    %dma_start3A_601 = tpu.memref_slice %arg19[%dma_start3A_600] : memref<512xf32, #tpu.memory_space<vmem>> -> memref<32xf32, #tpu.memory_space<vmem>>
    %dma_start3A_602 = tpu.memref_slice %arg16[%dma_start3A_595, %mul3A_594] : memref<16x512xf32, #tpu.memory_space<vmem_shared>> -> memref<1x32xf32, #tpu.memory_space<vmem_shared>>
    %dma_start3A_603 = tpu.memref_squeeze %dma_start3A_602 : memref<1x32xf32, #tpu.memory_space<vmem_shared>> -> memref<32xf32, #tpu.memory_space<vmem_shared>>
    tpu.enqueue_dma source(%dma_start3A_603 : memref<32xf32, #tpu.memory_space<vmem_shared>>) target(%dma_start3A_601 : memref<32xf32, #tpu.memory_space<vmem>>) target_semaphore(%arg15 : memref<!tpu.dma_semaphore, #tpu.memory_space<semaphore_mem>>)
    %mul3A_604 = arith.constant 32 : i32
    %mul3A_605 = arith.muli %arg1, %mul3A_604 : i32
    %dma_start3A_606 = arith.constant 13 : i32
    %dma_start3A_607 = arith.constant 416 : i32
    %dma_start3A_608 = tpu.memref_slice %arg19[%dma_start3A_607] : memref<512xf32, #tpu.memory_space<vmem>> -> memref<32xf32, #tpu.memory_space<vmem>>
    %dma_start3A_609 = tpu.memref_slice %arg16[%dma_start3A_606, %mul3A_605] : memref<16x512xf32, #tpu.memory_space<vmem_shared>> -> memref<1x32xf32, #tpu.memory_space<vmem_shared>>
    %dma_start3A_610 = tpu.memref_squeeze %dma_start3A_609 : memref<1x32xf32, #tpu.memory_space<vmem_shared>> -> memref<32xf32, #tpu.memory_space<vmem_shared>>
    %dma_start3A_611 = arith.constant 416 : i32
    %dma_start3A_612 = tpu.memref_slice %arg19[%dma_start3A_611] : memref<512xf32, #tpu.memory_space<vmem>> -> memref<32xf32, #tpu.memory_space<vmem>>
    %dma_start3A_613 = tpu.memref_slice %arg16[%dma_start3A_606, %mul3A_605] : memref<16x512xf32, #tpu.memory_space<vmem_shared>> -> memref<1x32xf32, #tpu.memory_space<vmem_shared>>
    %dma_start3A_614 = tpu.memref_squeeze %dma_start3A_613 : memref<1x32xf32, #tpu.memory_space<vmem_shared>> -> memref<32xf32, #tpu.memory_space<vmem_shared>>
    tpu.enqueue_dma source(%dma_start3A_614 : memref<32xf32, #tpu.memory_space<vmem_shared>>) target(%dma_start3A_612 : memref<32xf32, #tpu.memory_space<vmem>>) target_semaphore(%arg15 : memref<!tpu.dma_semaphore, #tpu.memory_space<semaphore_mem>>)
    %mul3A_615 = arith.constant 32 : i32
    %mul3A_616 = arith.muli %arg1, %mul3A_615 : i32
    %dma_start3A_617 = arith.constant 14 : i32
    %dma_start3A_618 = arith.constant 448 : i32
    %dma_start3A_619 = tpu.memref_slice %arg19[%dma_start3A_618] : memref<512xf32, #tpu.memory_space<vmem>> -> memref<32xf32, #tpu.memory_space<vmem>>
    %dma_start3A_620 = tpu.memref_slice %arg16[%dma_start3A_617, %mul3A_616] : memref<16x512xf32, #tpu.memory_space<vmem_shared>> -> memref<1x32xf32, #tpu.memory_space<vmem_shared>>
    %dma_start3A_621 = tpu.memref_squeeze %dma_start3A_620 : memref<1x32xf32, #tpu.memory_space<vmem_shared>> -> memref<32xf32, #tpu.memory_space<vmem_shared>>
    %dma_start3A_622 = arith.constant 448 : i32
    %dma_start3A_623 = tpu.memref_slice %arg19[%dma_start3A_622] : memref<512xf32, #tpu.memory_space<vmem>> -> memref<32xf32, #tpu.memory_space<vmem>>
    %dma_start3A_624 = tpu.memref_slice %arg16[%dma_start3A_617, %mul3A_616] : memref<16x512xf32, #tpu.memory_space<vmem_shared>> -> memref<1x32xf32, #tpu.memory_space<vmem_shared>>
    %dma_start3A_625 = tpu.memref_squeeze %dma_start3A_624 : memref<1x32xf32, #tpu.memory_space<vmem_shared>> -> memref<32xf32, #tpu.memory_space<vmem_shared>>
    tpu.enqueue_dma source(%dma_start3A_625 : memref<32xf32, #tpu.memory_space<vmem_shared>>) target(%dma_start3A_623 : memref<32xf32, #tpu.memory_space<vmem>>) target_semaphore(%arg15 : memref<!tpu.dma_semaphore, #tpu.memory_space<semaphore_mem>>)
    %mul3A_626 = arith.constant 32 : i32
    %mul3A_627 = arith.muli %arg1, %mul3A_626 : i32
    %dma_start3A_628 = arith.constant 15 : i32
    %dma_start3A_629 = arith.constant 480 : i32
    %dma_start3A_630 = tpu.memref_slice %arg19[%dma_start3A_629] : memref<512xf32, #tpu.memory_space<vmem>> -> memref<32xf32, #tpu.memory_space<vmem>>
    %dma_start3A_631 = tpu.memref_slice %arg16[%dma_start3A_628, %mul3A_627] : memref<16x512xf32, #tpu.memory_space<vmem_shared>> -> memref<1x32xf32, #tpu.memory_space<vmem_shared>>
    %dma_start3A_632 = tpu.memref_squeeze %dma_start3A_631 : memref<1x32xf32, #tpu.memory_space<vmem_shared>> -> memref<32xf32, #tpu.memory_space<vmem_shared>>
    %dma_start3A_633 = arith.constant 480 : i32
    %dma_start3A_634 = tpu.memref_slice %arg19[%dma_start3A_633] : memref<512xf32, #tpu.memory_space<vmem>> -> memref<32xf32, #tpu.memory_space<vmem>>
    %dma_start3A_635 = tpu.memref_slice %arg16[%dma_start3A_628, %mul3A_627] : memref<16x512xf32, #tpu.memory_space<vmem_shared>> -> memref<1x32xf32, #tpu.memory_space<vmem_shared>>
    %dma_start3A_636 = tpu.memref_squeeze %dma_start3A_635 : memref<1x32xf32, #tpu.memory_space<vmem_shared>> -> memref<32xf32, #tpu.memory_space<vmem_shared>>
    tpu.enqueue_dma source(%dma_start3A_636 : memref<32xf32, #tpu.memory_space<vmem_shared>>) target(%dma_start3A_634 : memref<32xf32, #tpu.memory_space<vmem>>) target_semaphore(%arg15 : memref<!tpu.dma_semaphore, #tpu.memory_space<semaphore_mem>>)
    %dma_wait3A_637 = arith.constant 0 : i32
    %dma_wait3A_638 = arith.constant 0 : i32
    %dma_wait3A_639 = tpu.memref_slice %arg19[%dma_wait3A_638] : memref<512xf32, #tpu.memory_space<vmem>> -> memref<32xf32, #tpu.memory_space<vmem>>
    %dma_wait3A_640 = tpu.memref_slice %arg16[%dma_wait3A_637, %mul3A_462] : memref<16x512xf32, #tpu.memory_space<vmem_shared>> -> memref<1x32xf32, #tpu.memory_space<vmem_shared>>
    %dma_wait3A_641 = tpu.memref_squeeze %dma_wait3A_640 : memref<1x32xf32, #tpu.memory_space<vmem_shared>> -> memref<32xf32, #tpu.memory_space<vmem_shared>>
    %dma_wait3A_642 = arith.constant 0 : i32
    %dma_wait3A_643 = tpu.memref_slice %arg19[%dma_wait3A_642] : memref<512xf32, #tpu.memory_space<vmem>> -> memref<32xf32, #tpu.memory_space<vmem>>
    %dma_wait3A_644 = tpu.memref_slice %arg16[%dma_wait3A_637, %mul3A_462] : memref<16x512xf32, #tpu.memory_space<vmem_shared>> -> memref<1x32xf32, #tpu.memory_space<vmem_shared>>
    %dma_wait3A_645 = tpu.memref_squeeze %dma_wait3A_644 : memref<1x32xf32, #tpu.memory_space<vmem_shared>> -> memref<32xf32, #tpu.memory_space<vmem_shared>>
    tpu.wait_dma2 semaphore(%arg15 : memref<!tpu.dma_semaphore, #tpu.memory_space<semaphore_mem>>) src(%dma_wait3A_645 : memref<32xf32, #tpu.memory_space<vmem_shared>>) dst(%dma_wait3A_643 : memref<32xf32, #tpu.memory_space<vmem>>)
    %dma_wait3A_646 = arith.constant 1 : i32
    %dma_wait3A_647 = arith.constant 32 : i32
    %dma_wait3A_648 = tpu.memref_slice %arg19[%dma_wait3A_647] : memref<512xf32, #tpu.memory_space<vmem>> -> memref<32xf32, #tpu.memory_space<vmem>>
    %dma_wait3A_649 = tpu.memref_slice %arg16[%dma_wait3A_646, %mul3A_473] : memref<16x512xf32, #tpu.memory_space<vmem_shared>> -> memref<1x32xf32, #tpu.memory_space<vmem_shared>>
    %dma_wait3A_650 = tpu.memref_squeeze %dma_wait3A_649 : memref<1x32xf32, #tpu.memory_space<vmem_shared>> -> memref<32xf32, #tpu.memory_space<vmem_shared>>
    %dma_wait3A_651 = arith.constant 32 : i32
    %dma_wait3A_652 = tpu.memref_slice %arg19[%dma_wait3A_651] : memref<512xf32, #tpu.memory_space<vmem>> -> memref<32xf32, #tpu.memory_space<vmem>>
    %dma_wait3A_653 = tpu.memref_slice %arg16[%dma_wait3A_646, %mul3A_473] : memref<16x512xf32, #tpu.memory_space<vmem_shared>> -> memref<1x32xf32, #tpu.memory_space<vmem_shared>>
    %dma_wait3A_654 = tpu.memref_squeeze %dma_wait3A_653 : memref<1x32xf32, #tpu.memory_space<vmem_shared>> -> memref<32xf32, #tpu.memory_space<vmem_shared>>
    tpu.wait_dma2 semaphore(%arg15 : memref<!tpu.dma_semaphore, #tpu.memory_space<semaphore_mem>>) src(%dma_wait3A_654 : memref<32xf32, #tpu.memory_space<vmem_shared>>) dst(%dma_wait3A_652 : memref<32xf32, #tpu.memory_space<vmem>>)
    %dma_wait3A_655 = arith.constant 2 : i32
    %dma_wait3A_656 = arith.constant 64 : i32
    %dma_wait3A_657 = tpu.memref_slice %arg19[%dma_wait3A_656] : memref<512xf32, #tpu.memory_space<vmem>> -> memref<32xf32, #tpu.memory_space<vmem>>
    %dma_wait3A_658 = tpu.memref_slice %arg16[%dma_wait3A_655, %mul3A_484] : memref<16x512xf32, #tpu.memory_space<vmem_shared>> -> memref<1x32xf32, #tpu.memory_space<vmem_shared>>
    %dma_wait3A_659 = tpu.memref_squeeze %dma_wait3A_658 : memref<1x32xf32, #tpu.memory_space<vmem_shared>> -> memref<32xf32, #tpu.memory_space<vmem_shared>>
    %dma_wait3A_660 = arith.constant 64 : i32
    %dma_wait3A_661 = tpu.memref_slice %arg19[%dma_wait3A_660] : memref<512xf32, #tpu.memory_space<vmem>> -> memref<32xf32, #tpu.memory_space<vmem>>
    %dma_wait3A_662 = tpu.memref_slice %arg16[%dma_wait3A_655, %mul3A_484] : memref<16x512xf32, #tpu.memory_space<vmem_shared>> -> memref<1x32xf32, #tpu.memory_space<vmem_shared>>
    %dma_wait3A_663 = tpu.memref_squeeze %dma_wait3A_662 : memref<1x32xf32, #tpu.memory_space<vmem_shared>> -> memref<32xf32, #tpu.memory_space<vmem_shared>>
    tpu.wait_dma2 semaphore(%arg15 : memref<!tpu.dma_semaphore, #tpu.memory_space<semaphore_mem>>) src(%dma_wait3A_663 : memref<32xf32, #tpu.memory_space<vmem_shared>>) dst(%dma_wait3A_661 : memref<32xf32, #tpu.memory_space<vmem>>)
    %dma_wait3A_664 = arith.constant 3 : i32
    %dma_wait3A_665 = arith.constant 96 : i32
    %dma_wait3A_666 = tpu.memref_slice %arg19[%dma_wait3A_665] : memref<512xf32, #tpu.memory_space<vmem>> -> memref<32xf32, #tpu.memory_space<vmem>>
    %dma_wait3A_667 = tpu.memref_slice %arg16[%dma_wait3A_664, %mul3A_495] : memref<16x512xf32, #tpu.memory_space<vmem_shared>> -> memref<1x32xf32, #tpu.memory_space<vmem_shared>>
    %dma_wait3A_668 = tpu.memref_squeeze %dma_wait3A_667 : memref<1x32xf32, #tpu.memory_space<vmem_shared>> -> memref<32xf32, #tpu.memory_space<vmem_shared>>
    %dma_wait3A_669 = arith.constant 96 : i32
    %dma_wait3A_670 = tpu.memref_slice %arg19[%dma_wait3A_669] : memref<512xf32, #tpu.memory_space<vmem>> -> memref<32xf32, #tpu.memory_space<vmem>>
    %dma_wait3A_671 = tpu.memref_slice %arg16[%dma_wait3A_664, %mul3A_495] : memref<16x512xf32, #tpu.memory_space<vmem_shared>> -> memref<1x32xf32, #tpu.memory_space<vmem_shared>>
    %dma_wait3A_672 = tpu.memref_squeeze %dma_wait3A_671 : memref<1x32xf32, #tpu.memory_space<vmem_shared>> -> memref<32xf32, #tpu.memory_space<vmem_shared>>
    tpu.wait_dma2 semaphore(%arg15 : memref<!tpu.dma_semaphore, #tpu.memory_space<semaphore_mem>>) src(%dma_wait3A_672 : memref<32xf32, #tpu.memory_space<vmem_shared>>) dst(%dma_wait3A_670 : memref<32xf32, #tpu.memory_space<vmem>>)
    %dma_wait3A_673 = arith.constant 4 : i32
    %dma_wait3A_674 = arith.constant 128 : i32
    %dma_wait3A_675 = tpu.memref_slice %arg19[%dma_wait3A_674] : memref<512xf32, #tpu.memory_space<vmem>> -> memref<32xf32, #tpu.memory_space<vmem>>
    %dma_wait3A_676 = tpu.memref_slice %arg16[%dma_wait3A_673, %mul3A_506] : memref<16x512xf32, #tpu.memory_space<vmem_shared>> -> memref<1x32xf32, #tpu.memory_space<vmem_shared>>
    %dma_wait3A_677 = tpu.memref_squeeze %dma_wait3A_676 : memref<1x32xf32, #tpu.memory_space<vmem_shared>> -> memref<32xf32, #tpu.memory_space<vmem_shared>>
    %dma_wait3A_678 = arith.constant 128 : i32
    %dma_wait3A_679 = tpu.memref_slice %arg19[%dma_wait3A_678] : memref<512xf32, #tpu.memory_space<vmem>> -> memref<32xf32, #tpu.memory_space<vmem>>
    %dma_wait3A_680 = tpu.memref_slice %arg16[%dma_wait3A_673, %mul3A_506] : memref<16x512xf32, #tpu.memory_space<vmem_shared>> -> memref<1x32xf32, #tpu.memory_space<vmem_shared>>
    %dma_wait3A_681 = tpu.memref_squeeze %dma_wait3A_680 : memref<1x32xf32, #tpu.memory_space<vmem_shared>> -> memref<32xf32, #tpu.memory_space<vmem_shared>>
    tpu.wait_dma2 semaphore(%arg15 : memref<!tpu.dma_semaphore, #tpu.memory_space<semaphore_mem>>) src(%dma_wait3A_681 : memref<32xf32, #tpu.memory_space<vmem_shared>>) dst(%dma_wait3A_679 : memref<32xf32, #tpu.memory_space<vmem>>)
    %dma_wait3A_682 = arith.constant 5 : i32
    %dma_wait3A_683 = arith.constant 160 : i32
    %dma_wait3A_684 = tpu.memref_slice %arg19[%dma_wait3A_683] : memref<512xf32, #tpu.memory_space<vmem>> -> memref<32xf32, #tpu.memory_space<vmem>>
    %dma_wait3A_685 = tpu.memref_slice %arg16[%dma_wait3A_682, %mul3A_517] : memref<16x512xf32, #tpu.memory_space<vmem_shared>> -> memref<1x32xf32, #tpu.memory_space<vmem_shared>>
    %dma_wait3A_686 = tpu.memref_squeeze %dma_wait3A_685 : memref<1x32xf32, #tpu.memory_space<vmem_shared>> -> memref<32xf32, #tpu.memory_space<vmem_shared>>
    %dma_wait3A_687 = arith.constant 160 : i32
    %dma_wait3A_688 = tpu.memref_slice %arg19[%dma_wait3A_687] : memref<512xf32, #tpu.memory_space<vmem>> -> memref<32xf32, #tpu.memory_space<vmem>>
    %dma_wait3A_689 = tpu.memref_slice %arg16[%dma_wait3A_682, %mul3A_517] : memref<16x512xf32, #tpu.memory_space<vmem_shared>> -> memref<1x32xf32, #tpu.memory_space<vmem_shared>>
    %dma_wait3A_690 = tpu.memref_squeeze %dma_wait3A_689 : memref<1x32xf32, #tpu.memory_space<vmem_shared>> -> memref<32xf32, #tpu.memory_space<vmem_shared>>
    tpu.wait_dma2 semaphore(%arg15 : memref<!tpu.dma_semaphore, #tpu.memory_space<semaphore_mem>>) src(%dma_wait3A_690 : memref<32xf32, #tpu.memory_space<vmem_shared>>) dst(%dma_wait3A_688 : memref<32xf32, #tpu.memory_space<vmem>>)
    %dma_wait3A_691 = arith.constant 6 : i32
    %dma_wait3A_692 = arith.constant 192 : i32
    %dma_wait3A_693 = tpu.memref_slice %arg19[%dma_wait3A_692] : memref<512xf32, #tpu.memory_space<vmem>> -> memref<32xf32, #tpu.memory_space<vmem>>
    %dma_wait3A_694 = tpu.memref_slice %arg16[%dma_wait3A_691, %mul3A_528] : memref<16x512xf32, #tpu.memory_space<vmem_shared>> -> memref<1x32xf32, #tpu.memory_space<vmem_shared>>
    %dma_wait3A_695 = tpu.memref_squeeze %dma_wait3A_694 : memref<1x32xf32, #tpu.memory_space<vmem_shared>> -> memref<32xf32, #tpu.memory_space<vmem_shared>>
    %dma_wait3A_696 = arith.constant 192 : i32
    %dma_wait3A_697 = tpu.memref_slice %arg19[%dma_wait3A_696] : memref<512xf32, #tpu.memory_space<vmem>> -> memref<32xf32, #tpu.memory_space<vmem>>
    %dma_wait3A_698 = tpu.memref_slice %arg16[%dma_wait3A_691, %mul3A_528] : memref<16x512xf32, #tpu.memory_space<vmem_shared>> -> memref<1x32xf32, #tpu.memory_space<vmem_shared>>
    %dma_wait3A_699 = tpu.memref_squeeze %dma_wait3A_698 : memref<1x32xf32, #tpu.memory_space<vmem_shared>> -> memref<32xf32, #tpu.memory_space<vmem_shared>>
    tpu.wait_dma2 semaphore(%arg15 : memref<!tpu.dma_semaphore, #tpu.memory_space<semaphore_mem>>) src(%dma_wait3A_699 : memref<32xf32, #tpu.memory_space<vmem_shared>>) dst(%dma_wait3A_697 : memref<32xf32, #tpu.memory_space<vmem>>)
    %dma_wait3A_700 = arith.constant 7 : i32
    %dma_wait3A_701 = arith.constant 224 : i32
    %dma_wait3A_702 = tpu.memref_slice %arg19[%dma_wait3A_701] : memref<512xf32, #tpu.memory_space<vmem>> -> memref<32xf32, #tpu.memory_space<vmem>>
    %dma_wait3A_703 = tpu.memref_slice %arg16[%dma_wait3A_700, %mul3A_539] : memref<16x512xf32, #tpu.memory_space<vmem_shared>> -> memref<1x32xf32, #tpu.memory_space<vmem_shared>>
    %dma_wait3A_704 = tpu.memref_squeeze %dma_wait3A_703 : memref<1x32xf32, #tpu.memory_space<vmem_shared>> -> memref<32xf32, #tpu.memory_space<vmem_shared>>
    %dma_wait3A_705 = arith.constant 224 : i32
    %dma_wait3A_706 = tpu.memref_slice %arg19[%dma_wait3A_705] : memref<512xf32, #tpu.memory_space<vmem>> -> memref<32xf32, #tpu.memory_space<vmem>>
    %dma_wait3A_707 = tpu.memref_slice %arg16[%dma_wait3A_700, %mul3A_539] : memref<16x512xf32, #tpu.memory_space<vmem_shared>> -> memref<1x32xf32, #tpu.memory_space<vmem_shared>>
    %dma_wait3A_708 = tpu.memref_squeeze %dma_wait3A_707 : memref<1x32xf32, #tpu.memory_space<vmem_shared>> -> memref<32xf32, #tpu.memory_space<vmem_shared>>
    tpu.wait_dma2 semaphore(%arg15 : memref<!tpu.dma_semaphore, #tpu.memory_space<semaphore_mem>>) src(%dma_wait3A_708 : memref<32xf32, #tpu.memory_space<vmem_shared>>) dst(%dma_wait3A_706 : memref<32xf32, #tpu.memory_space<vmem>>)
    %dma_wait3A_709 = arith.constant 8 : i32
    %dma_wait3A_710 = arith.constant 256 : i32
    %dma_wait3A_711 = tpu.memref_slice %arg19[%dma_wait3A_710] : memref<512xf32, #tpu.memory_space<vmem>> -> memref<32xf32, #tpu.memory_space<vmem>>
    %dma_wait3A_712 = tpu.memref_slice %arg16[%dma_wait3A_709, %mul3A_550] : memref<16x512xf32, #tpu.memory_space<vmem_shared>> -> memref<1x32xf32, #tpu.memory_space<vmem_shared>>
    %dma_wait3A_713 = tpu.memref_squeeze %dma_wait3A_712 : memref<1x32xf32, #tpu.memory_space<vmem_shared>> -> memref<32xf32, #tpu.memory_space<vmem_shared>>
    %dma_wait3A_714 = arith.constant 256 : i32
    %dma_wait3A_715 = tpu.memref_slice %arg19[%dma_wait3A_714] : memref<512xf32, #tpu.memory_space<vmem>> -> memref<32xf32, #tpu.memory_space<vmem>>
    %dma_wait3A_716 = tpu.memref_slice %arg16[%dma_wait3A_709, %mul3A_550] : memref<16x512xf32, #tpu.memory_space<vmem_shared>> -> memref<1x32xf32, #tpu.memory_space<vmem_shared>>
    %dma_wait3A_717 = tpu.memref_squeeze %dma_wait3A_716 : memref<1x32xf32, #tpu.memory_space<vmem_shared>> -> memref<32xf32, #tpu.memory_space<vmem_shared>>
    tpu.wait_dma2 semaphore(%arg15 : memref<!tpu.dma_semaphore, #tpu.memory_space<semaphore_mem>>) src(%dma_wait3A_717 : memref<32xf32, #tpu.memory_space<vmem_shared>>) dst(%dma_wait3A_715 : memref<32xf32, #tpu.memory_space<vmem>>)
    %dma_wait3A_718 = arith.constant 9 : i32
    %dma_wait3A_719 = arith.constant 288 : i32
    %dma_wait3A_720 = tpu.memref_slice %arg19[%dma_wait3A_719] : memref<512xf32, #tpu.memory_space<vmem>> -> memref<32xf32, #tpu.memory_space<vmem>>
    %dma_wait3A_721 = tpu.memref_slice %arg16[%dma_wait3A_718, %mul3A_561] : memref<16x512xf32, #tpu.memory_space<vmem_shared>> -> memref<1x32xf32, #tpu.memory_space<vmem_shared>>
    %dma_wait3A_722 = tpu.memref_squeeze %dma_wait3A_721 : memref<1x32xf32, #tpu.memory_space<vmem_shared>> -> memref<32xf32, #tpu.memory_space<vmem_shared>>
    %dma_wait3A_723 = arith.constant 288 : i32
    %dma_wait3A_724 = tpu.memref_slice %arg19[%dma_wait3A_723] : memref<512xf32, #tpu.memory_space<vmem>> -> memref<32xf32, #tpu.memory_space<vmem>>
    %dma_wait3A_725 = tpu.memref_slice %arg16[%dma_wait3A_718, %mul3A_561] : memref<16x512xf32, #tpu.memory_space<vmem_shared>> -> memref<1x32xf32, #tpu.memory_space<vmem_shared>>
    %dma_wait3A_726 = tpu.memref_squeeze %dma_wait3A_725 : memref<1x32xf32, #tpu.memory_space<vmem_shared>> -> memref<32xf32, #tpu.memory_space<vmem_shared>>
    tpu.wait_dma2 semaphore(%arg15 : memref<!tpu.dma_semaphore, #tpu.memory_space<semaphore_mem>>) src(%dma_wait3A_726 : memref<32xf32, #tpu.memory_space<vmem_shared>>) dst(%dma_wait3A_724 : memref<32xf32, #tpu.memory_space<vmem>>)
    %dma_wait3A_727 = arith.constant 10 : i32
    %dma_wait3A_728 = arith.constant 320 : i32
    %dma_wait3A_729 = tpu.memref_slice %arg19[%dma_wait3A_728] : memref<512xf32, #tpu.memory_space<vmem>> -> memref<32xf32, #tpu.memory_space<vmem>>
    %dma_wait3A_730 = tpu.memref_slice %arg16[%dma_wait3A_727, %mul3A_572] : memref<16x512xf32, #tpu.memory_space<vmem_shared>> -> memref<1x32xf32, #tpu.memory_space<vmem_shared>>
    %dma_wait3A_731 = tpu.memref_squeeze %dma_wait3A_730 : memref<1x32xf32, #tpu.memory_space<vmem_shared>> -> memref<32xf32, #tpu.memory_space<vmem_shared>>
    %dma_wait3A_732 = arith.constant 320 : i32
    %dma_wait3A_733 = tpu.memref_slice %arg19[%dma_wait3A_732] : memref<512xf32, #tpu.memory_space<vmem>> -> memref<32xf32, #tpu.memory_space<vmem>>
    %dma_wait3A_734 = tpu.memref_slice %arg16[%dma_wait3A_727, %mul3A_572] : memref<16x512xf32, #tpu.memory_space<vmem_shared>> -> memref<1x32xf32, #tpu.memory_space<vmem_shared>>
    %dma_wait3A_735 = tpu.memref_squeeze %dma_wait3A_734 : memref<1x32xf32, #tpu.memory_space<vmem_shared>> -> memref<32xf32, #tpu.memory_space<vmem_shared>>
    tpu.wait_dma2 semaphore(%arg15 : memref<!tpu.dma_semaphore, #tpu.memory_space<semaphore_mem>>) src(%dma_wait3A_735 : memref<32xf32, #tpu.memory_space<vmem_shared>>) dst(%dma_wait3A_733 : memref<32xf32, #tpu.memory_space<vmem>>)
    %dma_wait3A_736 = arith.constant 11 : i32
    %dma_wait3A_737 = arith.constant 352 : i32
    %dma_wait3A_738 = tpu.memref_slice %arg19[%dma_wait3A_737] : memref<512xf32, #tpu.memory_space<vmem>> -> memref<32xf32, #tpu.memory_space<vmem>>
    %dma_wait3A_739 = tpu.memref_slice %arg16[%dma_wait3A_736, %mul3A_583] : memref<16x512xf32, #tpu.memory_space<vmem_shared>> -> memref<1x32xf32, #tpu.memory_space<vmem_shared>>
    %dma_wait3A_740 = tpu.memref_squeeze %dma_wait3A_739 : memref<1x32xf32, #tpu.memory_space<vmem_shared>> -> memref<32xf32, #tpu.memory_space<vmem_shared>>
    %dma_wait3A_741 = arith.constant 352 : i32
    %dma_wait3A_742 = tpu.memref_slice %arg19[%dma_wait3A_741] : memref<512xf32, #tpu.memory_space<vmem>> -> memref<32xf32, #tpu.memory_space<vmem>>
    %dma_wait3A_743 = tpu.memref_slice %arg16[%dma_wait3A_736, %mul3A_583] : memref<16x512xf32, #tpu.memory_space<vmem_shared>> -> memref<1x32xf32, #tpu.memory_space<vmem_shared>>
    %dma_wait3A_744 = tpu.memref_squeeze %dma_wait3A_743 : memref<1x32xf32, #tpu.memory_space<vmem_shared>> -> memref<32xf32, #tpu.memory_space<vmem_shared>>
    tpu.wait_dma2 semaphore(%arg15 : memref<!tpu.dma_semaphore, #tpu.memory_space<semaphore_mem>>) src(%dma_wait3A_744 : memref<32xf32, #tpu.memory_space<vmem_shared>>) dst(%dma_wait3A_742 : memref<32xf32, #tpu.memory_space<vmem>>)
    %dma_wait3A_745 = arith.constant 12 : i32
    %dma_wait3A_746 = arith.constant 384 : i32
    %dma_wait3A_747 = tpu.memref_slice %arg19[%dma_wait3A_746] : memref<512xf32, #tpu.memory_space<vmem>> -> memref<32xf32, #tpu.memory_space<vmem>>
    %dma_wait3A_748 = tpu.memref_slice %arg16[%dma_wait3A_745, %mul3A_594] : memref<16x512xf32, #tpu.memory_space<vmem_shared>> -> memref<1x32xf32, #tpu.memory_space<vmem_shared>>
    %dma_wait3A_749 = tpu.memref_squeeze %dma_wait3A_748 : memref<1x32xf32, #tpu.memory_space<vmem_shared>> -> memref<32xf32, #tpu.memory_space<vmem_shared>>
    %dma_wait3A_750 = arith.constant 384 : i32
    %dma_wait3A_751 = tpu.memref_slice %arg19[%dma_wait3A_750] : memref<512xf32, #tpu.memory_space<vmem>> -> memref<32xf32, #tpu.memory_space<vmem>>
    %dma_wait3A_752 = tpu.memref_slice %arg16[%dma_wait3A_745, %mul3A_594] : memref<16x512xf32, #tpu.memory_space<vmem_shared>> -> memref<1x32xf32, #tpu.memory_space<vmem_shared>>
    %dma_wait3A_753 = tpu.memref_squeeze %dma_wait3A_752 : memref<1x32xf32, #tpu.memory_space<vmem_shared>> -> memref<32xf32, #tpu.memory_space<vmem_shared>>
    tpu.wait_dma2 semaphore(%arg15 : memref<!tpu.dma_semaphore, #tpu.memory_space<semaphore_mem>>) src(%dma_wait3A_753 : memref<32xf32, #tpu.memory_space<vmem_shared>>) dst(%dma_wait3A_751 : memref<32xf32, #tpu.memory_space<vmem>>)
    %dma_wait3A_754 = arith.constant 13 : i32
    %dma_wait3A_755 = arith.constant 416 : i32
    %dma_wait3A_756 = tpu.memref_slice %arg19[%dma_wait3A_755] : memref<512xf32, #tpu.memory_space<vmem>> -> memref<32xf32, #tpu.memory_space<vmem>>
    %dma_wait3A_757 = tpu.memref_slice %arg16[%dma_wait3A_754, %mul3A_605] : memref<16x512xf32, #tpu.memory_space<vmem_shared>> -> memref<1x32xf32, #tpu.memory_space<vmem_shared>>
    %dma_wait3A_758 = tpu.memref_squeeze %dma_wait3A_757 : memref<1x32xf32, #tpu.memory_space<vmem_shared>> -> memref<32xf32, #tpu.memory_space<vmem_shared>>
    %dma_wait3A_759 = arith.constant 416 : i32
    %dma_wait3A_760 = tpu.memref_slice %arg19[%dma_wait3A_759] : memref<512xf32, #tpu.memory_space<vmem>> -> memref<32xf32, #tpu.memory_space<vmem>>
    %dma_wait3A_761 = tpu.memref_slice %arg16[%dma_wait3A_754, %mul3A_605] : memref<16x512xf32, #tpu.memory_space<vmem_shared>> -> memref<1x32xf32, #tpu.memory_space<vmem_shared>>
    %dma_wait3A_762 = tpu.memref_squeeze %dma_wait3A_761 : memref<1x32xf32, #tpu.memory_space<vmem_shared>> -> memref<32xf32, #tpu.memory_space<vmem_shared>>
    tpu.wait_dma2 semaphore(%arg15 : memref<!tpu.dma_semaphore, #tpu.memory_space<semaphore_mem>>) src(%dma_wait3A_762 : memref<32xf32, #tpu.memory_space<vmem_shared>>) dst(%dma_wait3A_760 : memref<32xf32, #tpu.memory_space<vmem>>)
    %dma_wait3A_763 = arith.constant 14 : i32
    %dma_wait3A_764 = arith.constant 448 : i32
    %dma_wait3A_765 = tpu.memref_slice %arg19[%dma_wait3A_764] : memref<512xf32, #tpu.memory_space<vmem>> -> memref<32xf32, #tpu.memory_space<vmem>>
    %dma_wait3A_766 = tpu.memref_slice %arg16[%dma_wait3A_763, %mul3A_616] : memref<16x512xf32, #tpu.memory_space<vmem_shared>> -> memref<1x32xf32, #tpu.memory_space<vmem_shared>>
    %dma_wait3A_767 = tpu.memref_squeeze %dma_wait3A_766 : memref<1x32xf32, #tpu.memory_space<vmem_shared>> -> memref<32xf32, #tpu.memory_space<vmem_shared>>
    %dma_wait3A_768 = arith.constant 448 : i32
    %dma_wait3A_769 = tpu.memref_slice %arg19[%dma_wait3A_768] : memref<512xf32, #tpu.memory_space<vmem>> -> memref<32xf32, #tpu.memory_space<vmem>>
    %dma_wait3A_770 = tpu.memref_slice %arg16[%dma_wait3A_763, %mul3A_616] : memref<16x512xf32, #tpu.memory_space<vmem_shared>> -> memref<1x32xf32, #tpu.memory_space<vmem_shared>>
    %dma_wait3A_771 = tpu.memref_squeeze %dma_wait3A_770 : memref<1x32xf32, #tpu.memory_space<vmem_shared>> -> memref<32xf32, #tpu.memory_space<vmem_shared>>
    tpu.wait_dma2 semaphore(%arg15 : memref<!tpu.dma_semaphore, #tpu.memory_space<semaphore_mem>>) src(%dma_wait3A_771 : memref<32xf32, #tpu.memory_space<vmem_shared>>) dst(%dma_wait3A_769 : memref<32xf32, #tpu.memory_space<vmem>>)
    %dma_wait3A_772 = arith.constant 15 : i32
    %dma_wait3A_773 = arith.constant 480 : i32
    %dma_wait3A_774 = tpu.memref_slice %arg19[%dma_wait3A_773] : memref<512xf32, #tpu.memory_space<vmem>> -> memref<32xf32, #tpu.memory_space<vmem>>
    %dma_wait3A_775 = tpu.memref_slice %arg16[%dma_wait3A_772, %mul3A_627] : memref<16x512xf32, #tpu.memory_space<vmem_shared>> -> memref<1x32xf32, #tpu.memory_space<vmem_shared>>
    %dma_wait3A_776 = tpu.memref_squeeze %dma_wait3A_775 : memref<1x32xf32, #tpu.memory_space<vmem_shared>> -> memref<32xf32, #tpu.memory_space<vmem_shared>>
    %dma_wait3A_777 = arith.constant 480 : i32
    %dma_wait3A_778 = tpu.memref_slice %arg19[%dma_wait3A_777] : memref<512xf32, #tpu.memory_space<vmem>> -> memref<32xf32, #tpu.memory_space<vmem>>
    %dma_wait3A_779 = tpu.memref_slice %arg16[%dma_wait3A_772, %mul3A_627] : memref<16x512xf32, #tpu.memory_space<vmem_shared>> -> memref<1x32xf32, #tpu.memory_space<vmem_shared>>
    %dma_wait3A_780 = tpu.memref_squeeze %dma_wait3A_779 : memref<1x32xf32, #tpu.memory_space<vmem_shared>> -> memref<32xf32, #tpu.memory_space<vmem_shared>>
    tpu.wait_dma2 semaphore(%arg15 : memref<!tpu.dma_semaphore, #tpu.memory_space<semaphore_mem>>) src(%dma_wait3A_780 : memref<32xf32, #tpu.memory_space<vmem_shared>>) dst(%dma_wait3A_778 : memref<32xf32, #tpu.memory_space<vmem>>)
    %swap3A_781 = arith.constant 0 : index
    %swap3A_782 = tpu.vector_load %arg18[%swap3A_781] {strides = array<i32>} : memref<32xf32, #tpu.memory_space<vmem>>, vector<16xf32>,
    tpu.vector_store %arg18[%swap3A_781], %broadcast_in_dim3A_10 {strides = array<i32>} : memref<32xf32, #tpu.memory_space<vmem>>, vector<16xf32>,
    %swap3A_783 = arith.constant 16 : index
    %swap3A_784 = tpu.vector_load %arg18[%swap3A_783] {strides = array<i32>} : memref<32xf32, #tpu.memory_space<vmem>>, vector<16xf32>,
    tpu.vector_store %arg18[%swap3A_783], %broadcast_in_dim3A_10 {strides = array<i32>} : memref<32xf32, #tpu.memory_space<vmem>>, vector<16xf32>,
    %get3A_785 = arith.constant 0 : index
    %get3A_786 = tpu.vector_load %arg18[%get3A_785] {strides = array<i32>} : memref<32xf32, #tpu.memory_space<vmem>>, vector<16xf32>,
    %get3A_787 = arith.constant 0 : index
    %get3A_788 = tpu.vector_load %arg19[%get3A_787] {strides = array<i32>} : memref<512xf32, #tpu.memory_space<vmem>>, vector<16xf32>,
    %add3A_789 = arith.addf %get3A_786, %get3A_788 : vector<16xf32>
    %swap3A_790 = arith.constant 0 : index
    %swap3A_791 = tpu.vector_load %arg18[%swap3A_790] {strides = array<i32>} : memref<32xf32, #tpu.memory_space<vmem>>, vector<16xf32>,
    tpu.vector_store %arg18[%swap3A_790], %add3A_789 {strides = array<i32>} : memref<32xf32, #tpu.memory_space<vmem>>, vector<16xf32>,
    %get3A_792 = arith.constant 16 : index
    %get3A_793 = tpu.vector_load %arg18[%get3A_792] {strides = array<i32>} : memref<32xf32, #tpu.memory_space<vmem>>, vector<16xf32>,
    %get3A_794 = arith.constant 16 : index
    %get3A_795 = tpu.vector_load %arg19[%get3A_794] {strides = array<i32>} : memref<512xf32, #tpu.memory_space<vmem>>, vector<16xf32>,
    %add3A_796 = arith.addf %get3A_793, %get3A_795 : vector<16xf32>
    %swap3A_797 = arith.constant 16 : index
    %swap3A_798 = tpu.vector_load %arg18[%swap3A_797] {strides = array<i32>} : memref<32xf32, #tpu.memory_space<vmem>>, vector<16xf32>,
    tpu.vector_store %arg18[%swap3A_797], %add3A_796 {strides = array<i32>} : memref<32xf32, #tpu.memory_space<vmem>>, vector<16xf32>,
    %get3A_799 = arith.constant 0 : index
    %get3A_800 = tpu.vector_load %arg18[%get3A_799] {strides = array<i32>} : memref<32xf32, #tpu.memory_space<vmem>>, vector<16xf32>,
    %get3A_801 = arith.constant 32 : index
    %get3A_802 = tpu.vector_load %arg19[%get3A_801] {strides = array<i32>} : memref<512xf32, #tpu.memory_space<vmem>>, vector<16xf32>,
    %add3A_803 = arith.addf %get3A_800, %get3A_802 : vector<16xf32>
    %swap3A_804 = arith.constant 0 : index
    %swap3A_805 = tpu.vector_load %arg18[%swap3A_804] {strides = array<i32>} : memref<32xf32, #tpu.memory_space<vmem>>, vector<16xf32>,
    tpu.vector_store %arg18[%swap3A_804], %add3A_803 {strides = array<i32>} : memref<32xf32, #tpu.memory_space<vmem>>, vector<16xf32>,
    %get3A_806 = arith.constant 16 : index
    %get3A_807 = tpu.vector_load %arg18[%get3A_806] {strides = array<i32>} : memref<32xf32, #tpu.memory_space<vmem>>, vector<16xf32>,
    %get3A_808 = arith.constant 48 : index
    %get3A_809 = tpu.vector_load %arg19[%get3A_808] {strides = array<i32>} : memref<512xf32, #tpu.memory_space<vmem>>, vector<16xf32>,
    %add3A_810 = arith.addf %get3A_807, %get3A_809 : vector<16xf32>
    %swap3A_811 = arith.constant 16 : index
    %swap3A_812 = tpu.vector_load %arg18[%swap3A_811] {strides = array<i32>} : memref<32xf32, #tpu.memory_space<vmem>>, vector<16xf32>,
    tpu.vector_store %arg18[%swap3A_811], %add3A_810 {strides = array<i32>} : memref<32xf32, #tpu.memory_space<vmem>>, vector<16xf32>,
    %get3A_813 = arith.constant 0 : index
    %get3A_814 = tpu.vector_load %arg18[%get3A_813] {strides = array<i32>} : memref<32xf32, #tpu.memory_space<vmem>>, vector<16xf32>,
    %get3A_815 = arith.constant 64 : index
    %get3A_816 = tpu.vector_load %arg19[%get3A_815] {strides = array<i32>} : memref<512xf32, #tpu.memory_space<vmem>>, vector<16xf32>,
    %add3A_817 = arith.addf %get3A_814, %get3A_816 : vector<16xf32>
    %swap3A_818 = arith.constant 0 : index
    %swap3A_819 = tpu.vector_load %arg18[%swap3A_818] {strides = array<i32>} : memref<32xf32, #tpu.memory_space<vmem>>, vector<16xf32>,
    tpu.vector_store %arg18[%swap3A_818], %add3A_817 {strides = array<i32>} : memref<32xf32, #tpu.memory_space<vmem>>, vector<16xf32>,
    %get3A_820 = arith.constant 16 : index
    %get3A_821 = tpu.vector_load %arg18[%get3A_820] {strides = array<i32>} : memref<32xf32, #tpu.memory_space<vmem>>, vector<16xf32>,
    %get3A_822 = arith.constant 80 : index
    %get3A_823 = tpu.vector_load %arg19[%get3A_822] {strides = array<i32>} : memref<512xf32, #tpu.memory_space<vmem>>, vector<16xf32>,
    %add3A_824 = arith.addf %get3A_821, %get3A_823 : vector<16xf32>
    %swap3A_825 = arith.constant 16 : index
    %swap3A_826 = tpu.vector_load %arg18[%swap3A_825] {strides = array<i32>} : memref<32xf32, #tpu.memory_space<vmem>>, vector<16xf32>,
    tpu.vector_store %arg18[%swap3A_825], %add3A_824 {strides = array<i32>} : memref<32xf32, #tpu.memory_space<vmem>>, vector<16xf32>,
    %get3A_827 = arith.constant 0 : index
    %get3A_828 = tpu.vector_load %arg18[%get3A_827] {strides = array<i32>} : memref<32xf32, #tpu.memory_space<vmem>>, vector<16xf32>,
    %get3A_829 = arith.constant 96 : index
    %get3A_830 = tpu.vector_load %arg19[%get3A_829] {strides = array<i32>} : memref<512xf32, #tpu.memory_space<vmem>>, vector<16xf32>,
    %add3A_831 = arith.addf %get3A_828, %get3A_830 : vector<16xf32>
    %swap3A_832 = arith.constant 0 : index
    %swap3A_833 = tpu.vector_load %arg18[%swap3A_832] {strides = array<i32>} : memref<32xf32, #tpu.memory_space<vmem>>, vector<16xf32>,
    tpu.vector_store %arg18[%swap3A_832], %add3A_831 {strides = array<i32>} : memref<32xf32, #tpu.memory_space<vmem>>, vector<16xf32>,
    %get3A_834 = arith.constant 16 : index
    %get3A_835 = tpu.vector_load %arg18[%get3A_834] {strides = array<i32>} : memref<32xf32, #tpu.memory_space<vmem>>, vector<16xf32>,
    %get3A_836 = arith.constant 112 : index
    %get3A_837 = tpu.vector_load %arg19[%get3A_836] {strides = array<i32>} : memref<512xf32, #tpu.memory_space<vmem>>, vector<16xf32>,
    %add3A_838 = arith.addf %get3A_835, %get3A_837 : vector<16xf32>
    %swap3A_839 = arith.constant 16 : index
    %swap3A_840 = tpu.vector_load %arg18[%swap3A_839] {strides = array<i32>} : memref<32xf32, #tpu.memory_space<vmem>>, vector<16xf32>,
    tpu.vector_store %arg18[%swap3A_839], %add3A_838 {strides = array<i32>} : memref<32xf32, #tpu.memory_space<vmem>>, vector<16xf32>,
    %get3A_841 = arith.constant 0 : index
    %get3A_842 = tpu.vector_load %arg18[%get3A_841] {strides = array<i32>} : memref<32xf32, #tpu.memory_space<vmem>>, vector<16xf32>,
    %get3A_843 = arith.constant 128 : index
    %get3A_844 = tpu.vector_load %arg19[%get3A_843] {strides = array<i32>} : memref<512xf32, #tpu.memory_space<vmem>>, vector<16xf32>,
    %add3A_845 = arith.addf %get3A_842, %get3A_844 : vector<16xf32>
    %swap3A_846 = arith.constant 0 : index
    %swap3A_847 = tpu.vector_load %arg18[%swap3A_846] {strides = array<i32>} : memref<32xf32, #tpu.memory_space<vmem>>, vector<16xf32>,
    tpu.vector_store %arg18[%swap3A_846], %add3A_845 {strides = array<i32>} : memref<32xf32, #tpu.memory_space<vmem>>, vector<16xf32>,
    %get3A_848 = arith.constant 16 : index
    %get3A_849 = tpu.vector_load %arg18[%get3A_848] {strides = array<i32>} : memref<32xf32, #tpu.memory_space<vmem>>, vector<16xf32>,
    %get3A_850 = arith.constant 144 : index
    %get3A_851 = tpu.vector_load %arg19[%get3A_850] {strides = array<i32>} : memref<512xf32, #tpu.memory_space<vmem>>, vector<16xf32>,
    %add3A_852 = arith.addf %get3A_849, %get3A_851 : vector<16xf32>
    %swap3A_853 = arith.constant 16 : index
    %swap3A_854 = tpu.vector_load %arg18[%swap3A_853] {strides = array<i32>} : memref<32xf32, #tpu.memory_space<vmem>>, vector<16xf32>,
    tpu.vector_store %arg18[%swap3A_853], %add3A_852 {strides = array<i32>} : memref<32xf32, #tpu.memory_space<vmem>>, vector<16xf32>,
    %get3A_855 = arith.constant 0 : index
    %get3A_856 = tpu.vector_load %arg18[%get3A_855] {strides = array<i32>} : memref<32xf32, #tpu.memory_space<vmem>>, vector<16xf32>,
    %get3A_857 = arith.constant 160 : index
    %get3A_858 = tpu.vector_load %arg19[%get3A_857] {strides = array<i32>} : memref<512xf32, #tpu.memory_space<vmem>>, vector<16xf32>,
    %add3A_859 = arith.addf %get3A_856, %get3A_858 : vector<16xf32>
    %swap3A_860 = arith.constant 0 : index
    %swap3A_861 = tpu.vector_load %arg18[%swap3A_860] {strides = array<i32>} : memref<32xf32, #tpu.memory_space<vmem>>, vector<16xf32>,
    tpu.vector_store %arg18[%swap3A_860], %add3A_859 {strides = array<i32>} : memref<32xf32, #tpu.memory_space<vmem>>, vector<16xf32>,
    %get3A_862 = arith.constant 16 : index
    %get3A_863 = tpu.vector_load %arg18[%get3A_862] {strides = array<i32>} : memref<32xf32, #tpu.memory_space<vmem>>, vector<16xf32>,
    %get3A_864 = arith.constant 176 : index
    %get3A_865 = tpu.vector_load %arg19[%get3A_864] {strides = array<i32>} : memref<512xf32, #tpu.memory_space<vmem>>, vector<16xf32>,
    %add3A_866 = arith.addf %get3A_863, %get3A_865 : vector<16xf32>
    %swap3A_867 = arith.constant 16 : index
    %swap3A_868 = tpu.vector_load %arg18[%swap3A_867] {strides = array<i32>} : memref<32xf32, #tpu.memory_space<vmem>>, vector<16xf32>,
    tpu.vector_store %arg18[%swap3A_867], %add3A_866 {strides = array<i32>} : memref<32xf32, #tpu.memory_space<vmem>>, vector<16xf32>,
    %get3A_869 = arith.constant 0 : index
    %get3A_870 = tpu.vector_load %arg18[%get3A_869] {strides = array<i32>} : memref<32xf32, #tpu.memory_space<vmem>>, vector<16xf32>,
    %get3A_871 = arith.constant 192 : index
    %get3A_872 = tpu.vector_load %arg19[%get3A_871] {strides = array<i32>} : memref<512xf32, #tpu.memory_space<vmem>>, vector<16xf32>,
    %add3A_873 = arith.addf %get3A_870, %get3A_872 : vector<16xf32>
    %swap3A_874 = arith.constant 0 : index
    %swap3A_875 = tpu.vector_load %arg18[%swap3A_874] {strides = array<i32>} : memref<32xf32, #tpu.memory_space<vmem>>, vector<16xf32>,
    tpu.vector_store %arg18[%swap3A_874], %add3A_873 {strides = array<i32>} : memref<32xf32, #tpu.memory_space<vmem>>, vector<16xf32>,
    %get3A_876 = arith.constant 16 : index
    %get3A_877 = tpu.vector_load %arg18[%get3A_876] {strides = array<i32>} : memref<32xf32, #tpu.memory_space<vmem>>, vector<16xf32>,
    %get3A_878 = arith.constant 208 : index
    %get3A_879 = tpu.vector_load %arg19[%get3A_878] {strides = array<i32>} : memref<512xf32, #tpu.memory_space<vmem>>, vector<16xf32>,
    %add3A_880 = arith.addf %get3A_877, %get3A_879 : vector<16xf32>
    %swap3A_881 = arith.constant 16 : index
    %swap3A_882 = tpu.vector_load %arg18[%swap3A_881] {strides = array<i32>} : memref<32xf32, #tpu.memory_space<vmem>>, vector<16xf32>,
    tpu.vector_store %arg18[%swap3A_881], %add3A_880 {strides = array<i32>} : memref<32xf32, #tpu.memory_space<vmem>>, vector<16xf32>,
    %get3A_883 = arith.constant 0 : index
    %get3A_884 = tpu.vector_load %arg18[%get3A_883] {strides = array<i32>} : memref<32xf32, #tpu.memory_space<vmem>>, vector<16xf32>,
    %get3A_885 = arith.constant 224 : index
    %get3A_886 = tpu.vector_load %arg19[%get3A_885] {strides = array<i32>} : memref<512xf32, #tpu.memory_space<vmem>>, vector<16xf32>,
    %add3A_887 = arith.addf %get3A_884, %get3A_886 : vector<16xf32>
    %swap3A_888 = arith.constant 0 : index
    %swap3A_889 = tpu.vector_load %arg18[%swap3A_888] {strides = array<i32>} : memref<32xf32, #tpu.memory_space<vmem>>, vector<16xf32>,
    tpu.vector_store %arg18[%swap3A_888], %add3A_887 {strides = array<i32>} : memref<32xf32, #tpu.memory_space<vmem>>, vector<16xf32>,
    %get3A_890 = arith.constant 16 : index
    %get3A_891 = tpu.vector_load %arg18[%get3A_890] {strides = array<i32>} : memref<32xf32, #tpu.memory_space<vmem>>, vector<16xf32>,
    %get3A_892 = arith.constant 240 : index
    %get3A_893 = tpu.vector_load %arg19[%get3A_892] {strides = array<i32>} : memref<512xf32, #tpu.memory_space<vmem>>, vector<16xf32>,
    %add3A_894 = arith.addf %get3A_891, %get3A_893 : vector<16xf32>
    %swap3A_895 = arith.constant 16 : index
    %swap3A_896 = tpu.vector_load %arg18[%swap3A_895] {strides = array<i32>} : memref<32xf32, #tpu.memory_space<vmem>>, vector<16xf32>,
    tpu.vector_store %arg18[%swap3A_895], %add3A_894 {strides = array<i32>} : memref<32xf32, #tpu.memory_space<vmem>>, vector<16xf32>,
    %get3A_897 = arith.constant 0 : index
    %get3A_898 = tpu.vector_load %arg18[%get3A_897] {strides = array<i32>} : memref<32xf32, #tpu.memory_space<vmem>>, vector<16xf32>,
    %get3A_899 = arith.constant 256 : index
    %get3A_900 = tpu.vector_load %arg19[%get3A_899] {strides = array<i32>} : memref<512xf32, #tpu.memory_space<vmem>>, vector<16xf32>,
    %add3A_901 = arith.addf %get3A_898, %get3A_900 : vector<16xf32>
    %swap3A_902 = arith.constant 0 : index
    %swap3A_903 = tpu.vector_load %arg18[%swap3A_902] {strides = array<i32>} : memref<32xf32, #tpu.memory_space<vmem>>, vector<16xf32>,
    tpu.vector_store %arg18[%swap3A_902], %add3A_901 {strides = array<i32>} : memref<32xf32, #tpu.memory_space<vmem>>, vector<16xf32>,
    %get3A_904 = arith.constant 16 : index
    %get3A_905 = tpu.vector_load %arg18[%get3A_904] {strides = array<i32>} : memref<32xf32, #tpu.memory_space<vmem>>, vector<16xf32>,
    %get3A_906 = arith.constant 272 : index
    %get3A_907 = tpu.vector_load %arg19[%get3A_906] {strides = array<i32>} : memref<512xf32, #tpu.memory_space<vmem>>, vector<16xf32>,
    %add3A_908 = arith.addf %get3A_905, %get3A_907 : vector<16xf32>
    %swap3A_909 = arith.constant 16 : index
    %swap3A_910 = tpu.vector_load %arg18[%swap3A_909] {strides = array<i32>} : memref<32xf32, #tpu.memory_space<vmem>>, vector<16xf32>,
    tpu.vector_store %arg18[%swap3A_909], %add3A_908 {strides = array<i32>} : memref<32xf32, #tpu.memory_space<vmem>>, vector<16xf32>,
    %get3A_911 = arith.constant 0 : index
    %get3A_912 = tpu.vector_load %arg18[%get3A_911] {strides = array<i32>} : memref<32xf32, #tpu.memory_space<vmem>>, vector<16xf32>,
    %get3A_913 = arith.constant 288 : index
    %get3A_914 = tpu.vector_load %arg19[%get3A_913] {strides = array<i32>} : memref<512xf32, #tpu.memory_space<vmem>>, vector<16xf32>,
    %add3A_915 = arith.addf %get3A_912, %get3A_914 : vector<16xf32>
    %swap3A_916 = arith.constant 0 : index
    %swap3A_917 = tpu.vector_load %arg18[%swap3A_916] {strides = array<i32>} : memref<32xf32, #tpu.memory_space<vmem>>, vector<16xf32>,
    tpu.vector_store %arg18[%swap3A_916], %add3A_915 {strides = array<i32>} : memref<32xf32, #tpu.memory_space<vmem>>, vector<16xf32>,
    %get3A_918 = arith.constant 16 : index
    %get3A_919 = tpu.vector_load %arg18[%get3A_918] {strides = array<i32>} : memref<32xf32, #tpu.memory_space<vmem>>, vector<16xf32>,
    %get3A_920 = arith.constant 304 : index
    %get3A_921 = tpu.vector_load %arg19[%get3A_920] {strides = array<i32>} : memref<512xf32, #tpu.memory_space<vmem>>, vector<16xf32>,
    %add3A_922 = arith.addf %get3A_919, %get3A_921 : vector<16xf32>
    %swap3A_923 = arith.constant 16 : index
    %swap3A_924 = tpu.vector_load %arg18[%swap3A_923] {strides = array<i32>} : memref<32xf32, #tpu.memory_space<vmem>>, vector<16xf32>,
    tpu.vector_store %arg18[%swap3A_923], %add3A_922 {strides = array<i32>} : memref<32xf32, #tpu.memory_space<vmem>>, vector<16xf32>,
    %get3A_925 = arith.constant 0 : index
    %get3A_926 = tpu.vector_load %arg18[%get3A_925] {strides = array<i32>} : memref<32xf32, #tpu.memory_space<vmem>>, vector<16xf32>,
    %get3A_927 = arith.constant 320 : index
    %get3A_928 = tpu.vector_load %arg19[%get3A_927] {strides = array<i32>} : memref<512xf32, #tpu.memory_space<vmem>>, vector<16xf32>,
    %add3A_929 = arith.addf %get3A_926, %get3A_928 : vector<16xf32>
    %swap3A_930 = arith.constant 0 : index
    %swap3A_931 = tpu.vector_load %arg18[%swap3A_930] {strides = array<i32>} : memref<32xf32, #tpu.memory_space<vmem>>, vector<16xf32>,
    tpu.vector_store %arg18[%swap3A_930], %add3A_929 {strides = array<i32>} : memref<32xf32, #tpu.memory_space<vmem>>, vector<16xf32>,
    %get3A_932 = arith.constant 16 : index
    %get3A_933 = tpu.vector_load %arg18[%get3A_932] {strides = array<i32>} : memref<32xf32, #tpu.memory_space<vmem>>, vector<16xf32>,
    %get3A_934 = arith.constant 336 : index
    %get3A_935 = tpu.vector_load %arg19[%get3A_934] {strides = array<i32>} : memref<512xf32, #tpu.memory_space<vmem>>, vector<16xf32>,
    %add3A_936 = arith.addf %get3A_933, %get3A_935 : vector<16xf32>
    %swap3A_937 = arith.constant 16 : index
    %swap3A_938 = tpu.vector_load %arg18[%swap3A_937] {strides = array<i32>} : memref<32xf32, #tpu.memory_space<vmem>>, vector<16xf32>,
    tpu.vector_store %arg18[%swap3A_937], %add3A_936 {strides = array<i32>} : memref<32xf32, #tpu.memory_space<vmem>>, vector<16xf32>,
    %get3A_939 = arith.constant 0 : index
    %get3A_940 = tpu.vector_load %arg18[%get3A_939] {strides = array<i32>} : memref<32xf32, #tpu.memory_space<vmem>>, vector<16xf32>,
    %get3A_941 = arith.constant 352 : index
    %get3A_942 = tpu.vector_load %arg19[%get3A_941] {strides = array<i32>} : memref<512xf32, #tpu.memory_space<vmem>>, vector<16xf32>,
    %add3A_943 = arith.addf %get3A_940, %get3A_942 : vector<16xf32>
    %swap3A_944 = arith.constant 0 : index
    %swap3A_945 = tpu.vector_load %arg18[%swap3A_944] {strides = array<i32>} : memref<32xf32, #tpu.memory_space<vmem>>, vector<16xf32>,
    tpu.vector_store %arg18[%swap3A_944], %add3A_943 {strides = array<i32>} : memref<32xf32, #tpu.memory_space<vmem>>, vector<16xf32>,
    %get3A_946 = arith.constant 16 : index
    %get3A_947 = tpu.vector_load %arg18[%get3A_946] {strides = array<i32>} : memref<32xf32, #tpu.memory_space<vmem>>, vector<16xf32>,
    %get3A_948 = arith.constant 368 : index
    %get3A_949 = tpu.vector_load %arg19[%get3A_948] {strides = array<i32>} : memref<512xf32, #tpu.memory_space<vmem>>, vector<16xf32>,
    %add3A_950 = arith.addf %get3A_947, %get3A_949 : vector<16xf32>
    %swap3A_951 = arith.constant 16 : index
    %swap3A_952 = tpu.vector_load %arg18[%swap3A_951] {strides = array<i32>} : memref<32xf32, #tpu.memory_space<vmem>>, vector<16xf32>,
    tpu.vector_store %arg18[%swap3A_951], %add3A_950 {strides = array<i32>} : memref<32xf32, #tpu.memory_space<vmem>>, vector<16xf32>,
    %get3A_953 = arith.constant 0 : index
    %get3A_954 = tpu.vector_load %arg18[%get3A_953] {strides = array<i32>} : memref<32xf32, #tpu.memory_space<vmem>>, vector<16xf32>,
    %get3A_955 = arith.constant 384 : index
    %get3A_956 = tpu.vector_load %arg19[%get3A_955] {strides = array<i32>} : memref<512xf32, #tpu.memory_space<vmem>>, vector<16xf32>,
    %add3A_957 = arith.addf %get3A_954, %get3A_956 : vector<16xf32>
    %swap3A_958 = arith.constant 0 : index
    %swap3A_959 = tpu.vector_load %arg18[%swap3A_958] {strides = array<i32>} : memref<32xf32, #tpu.memory_space<vmem>>, vector<16xf32>,
    tpu.vector_store %arg18[%swap3A_958], %add3A_957 {strides = array<i32>} : memref<32xf32, #tpu.memory_space<vmem>>, vector<16xf32>,
    %get3A_960 = arith.constant 16 : index
    %get3A_961 = tpu.vector_load %arg18[%get3A_960] {strides = array<i32>} : memref<32xf32, #tpu.memory_space<vmem>>, vector<16xf32>,
    %get3A_962 = arith.constant 400 : index
    %get3A_963 = tpu.vector_load %arg19[%get3A_962] {strides = array<i32>} : memref<512xf32, #tpu.memory_space<vmem>>, vector<16xf32>,
    %add3A_964 = arith.addf %get3A_961, %get3A_963 : vector<16xf32>
    %swap3A_965 = arith.constant 16 : index
    %swap3A_966 = tpu.vector_load %arg18[%swap3A_965] {strides = array<i32>} : memref<32xf32, #tpu.memory_space<vmem>>, vector<16xf32>,
    tpu.vector_store %arg18[%swap3A_965], %add3A_964 {strides = array<i32>} : memref<32xf32, #tpu.memory_space<vmem>>, vector<16xf32>,
    %get3A_967 = arith.constant 0 : index
    %get3A_968 = tpu.vector_load %arg18[%get3A_967] {strides = array<i32>} : memref<32xf32, #tpu.memory_space<vmem>>, vector<16xf32>,
    %get3A_969 = arith.constant 416 : index
    %get3A_970 = tpu.vector_load %arg19[%get3A_969] {strides = array<i32>} : memref<512xf32, #tpu.memory_space<vmem>>, vector<16xf32>,
    %add3A_971 = arith.addf %get3A_968, %get3A_970 : vector<16xf32>
    %swap3A_972 = arith.constant 0 : index
    %swap3A_973 = tpu.vector_load %arg18[%swap3A_972] {strides = array<i32>} : memref<32xf32, #tpu.memory_space<vmem>>, vector<16xf32>,
    tpu.vector_store %arg18[%swap3A_972], %add3A_971 {strides = array<i32>} : memref<32xf32, #tpu.memory_space<vmem>>, vector<16xf32>,
    %get3A_974 = arith.constant 16 : index
    %get3A_975 = tpu.vector_load %arg18[%get3A_974] {strides = array<i32>} : memref<32xf32, #tpu.memory_space<vmem>>, vector<16xf32>,
    %get3A_976 = arith.constant 432 : index
    %get3A_977 = tpu.vector_load %arg19[%get3A_976] {strides = array<i32>} : memref<512xf32, #tpu.memory_space<vmem>>, vector<16xf32>,
    %add3A_978 = arith.addf %get3A_975, %get3A_977 : vector<16xf32>
    %swap3A_979 = arith.constant 16 : index
    %swap3A_980 = tpu.vector_load %arg18[%swap3A_979] {strides = array<i32>} : memref<32xf32, #tpu.memory_space<vmem>>, vector<16xf32>,
    tpu.vector_store %arg18[%swap3A_979], %add3A_978 {strides = array<i32>} : memref<32xf32, #tpu.memory_space<vmem>>, vector<16xf32>,
    %get3A_981 = arith.constant 0 : index
    %get3A_982 = tpu.vector_load %arg18[%get3A_981] {strides = array<i32>} : memref<32xf32, #tpu.memory_space<vmem>>, vector<16xf32>,
    %get3A_983 = arith.constant 448 : index
    %get3A_984 = tpu.vector_load %arg19[%get3A_983] {strides = array<i32>} : memref<512xf32, #tpu.memory_space<vmem>>, vector<16xf32>,
    %add3A_985 = arith.addf %get3A_982, %get3A_984 : vector<16xf32>
    %swap3A_986 = arith.constant 0 : index
    %swap3A_987 = tpu.vector_load %arg18[%swap3A_986] {strides = array<i32>} : memref<32xf32, #tpu.memory_space<vmem>>, vector<16xf32>,
    tpu.vector_store %arg18[%swap3A_986], %add3A_985 {strides = array<i32>} : memref<32xf32, #tpu.memory_space<vmem>>, vector<16xf32>,
    %get3A_988 = arith.constant 16 : index
    %get3A_989 = tpu.vector_load %arg18[%get3A_988] {strides = array<i32>} : memref<32xf32, #tpu.memory_space<vmem>>, vector<16xf32>,
    %get3A_990 = arith.constant 464 : index
    %get3A_991 = tpu.vector_load %arg19[%get3A_990] {strides = array<i32>} : memref<512xf32, #tpu.memory_space<vmem>>, vector<16xf32>,
    %add3A_992 = arith.addf %get3A_989, %get3A_991 : vector<16xf32>
    %swap3A_993 = arith.constant 16 : index
    %swap3A_994 = tpu.vector_load %arg18[%swap3A_993] {strides = array<i32>} : memref<32xf32, #tpu.memory_space<vmem>>, vector<16xf32>,
    tpu.vector_store %arg18[%swap3A_993], %add3A_992 {strides = array<i32>} : memref<32xf32, #tpu.memory_space<vmem>>, vector<16xf32>,
    %get3A_995 = arith.constant 0 : index
    %get3A_996 = tpu.vector_load %arg18[%get3A_995] {strides = array<i32>} : memref<32xf32, #tpu.memory_space<vmem>>, vector<16xf32>,
    %get3A_997 = arith.constant 480 : index
    %get3A_998 = tpu.vector_load %arg19[%get3A_997] {strides = array<i32>} : memref<512xf32, #tpu.memory_space<vmem>>, vector<16xf32>,
    %add3A_999 = arith.addf %get3A_996, %get3A_998 : vector<16xf32>
    %swap3A_1000 = arith.constant 0 : index
    %swap3A_1001 = tpu.vector_load %arg18[%swap3A_1000] {strides = array<i32>} : memref<32xf32, #tpu.memory_space<vmem>>, vector<16xf32>,
    tpu.vector_store %arg18[%swap3A_1000], %add3A_999 {strides = array<i32>} : memref<32xf32, #tpu.memory_space<vmem>>, vector<16xf32>,
    %get3A_1002 = arith.constant 16 : index
    %get3A_1003 = tpu.vector_load %arg18[%get3A_1002] {strides = array<i32>} : memref<32xf32, #tpu.memory_space<vmem>>, vector<16xf32>,
    %get3A_1004 = arith.constant 496 : index
    %get3A_1005 = tpu.vector_load %arg19[%get3A_1004] {strides = array<i32>} : memref<512xf32, #tpu.memory_space<vmem>>, vector<16xf32>,
    %add3A_1006 = arith.addf %get3A_1003, %get3A_1005 : vector<16xf32>
    %swap3A_1007 = arith.constant 16 : index
    %swap3A_1008 = tpu.vector_load %arg18[%swap3A_1007] {strides = array<i32>} : memref<32xf32, #tpu.memory_space<vmem>>, vector<16xf32>,
    tpu.vector_store %arg18[%swap3A_1007], %add3A_1006 {strides = array<i32>} : memref<32xf32, #tpu.memory_space<vmem>>, vector<16xf32>,
    %mul3A_1009 = arith.constant 32 : i32
    %mul3A_1010 = arith.muli %arg1, %mul3A_1009 : i32
    "tpu.region"() ({
      %run_scoped3A = tpu.sem_alloc : memref<!tpu.dma_semaphore, #tpu.memory_space<semaphore_mem>>
      %dma_start3A_1011 = tpu.memref_slice %arg7[%arg0, %mul3A_1010] : memref<2x512xf32, #tpu.memory_space<hbm>> -> memref<1x32xf32, #tpu.memory_space<hbm>>
      %dma_start3A_1012 = tpu.memref_squeeze %dma_start3A_1011 : memref<1x32xf32, #tpu.memory_space<hbm>> -> memref<32xf32, #tpu.memory_space<hbm>>
      %dma_start3A_1013 = tpu.memref_slice %arg7[%arg0, %mul3A_1010] : memref<2x512xf32, #tpu.memory_space<hbm>> -> memref<1x32xf32, #tpu.memory_space<hbm>>
      %dma_start3A_1014 = tpu.memref_squeeze %dma_start3A_1013 : memref<1x32xf32, #tpu.memory_space<hbm>> -> memref<32xf32, #tpu.memory_space<hbm>>
      tpu.enqueue_dma source(%arg18 : memref<32xf32, #tpu.memory_space<vmem>>) target(%dma_start3A_1014 : memref<32xf32, #tpu.memory_space<hbm>>) target_semaphore(%run_scoped3A : memref<!tpu.dma_semaphore, #tpu.memory_space<semaphore_mem>>)
      %dma_wait3A_1015 = tpu.memref_slice %arg7[%arg0, %mul3A_1010] : memref<2x512xf32, #tpu.memory_space<hbm>> -> memref<1x32xf32, #tpu.memory_space<hbm>>
      %dma_wait3A_1016 = tpu.memref_squeeze %dma_wait3A_1015 : memref<1x32xf32, #tpu.memory_space<hbm>> -> memref<32xf32, #tpu.memory_space<hbm>>
      %dma_wait3A_1017 = tpu.memref_slice %arg7[%arg0, %mul3A_1010] : memref<2x512xf32, #tpu.memory_space<hbm>> -> memref<1x32xf32, #tpu.memory_space<hbm>>
      %dma_wait3A_1018 = tpu.memref_squeeze %dma_wait3A_1017 : memref<1x32xf32, #tpu.memory_space<hbm>> -> memref<32xf32, #tpu.memory_space<hbm>>
      tpu.wait_dma2 semaphore(%run_scoped3A : memref<!tpu.dma_semaphore, #tpu.memory_space<semaphore_mem>>) src(%arg18 : memref<32xf32, #tpu.memory_space<vmem>>) dst(%dma_wait3A_1018 : memref<32xf32, #tpu.memory_space<hbm>>)
      tpu.yield
    }) : () -> ()
    return
  }
}

</mosaic_0001>

<sc_bundles>
// kernel: kernel.3.cloned.1.call-start
scs
__scs_entry_jumppad:
0x0: {  	(pc) =	sbr.rel $0x88, $3  }
0x1: {  	(tag) =	ssettag $0x0;
	lr =	simm.s32 $0x1  }
0x2: {  	[smem:$0x3F9B] =	sst lr;
	_ =	strace $0xD0000000  }
0x3: {  	_ = 	snop  }
0x4: {  	_ = 	snop  }
0x5: {  	_ = 	snop  }
0x6: {  	_ = 	snop  }
0x7: {  	_ = 	snop  }
__scs_overlays_trampoline_lowered:
0x8: {  	[smem:$0x3FAA] =	sst s0  }
0x9: {  	[smem:$0x3FAB] =	sst s1  }
0xa: {  	[smem:$0x3FAC] =	sst s2  }
0xb: {  	[smem:$0x3FAD] =	sst s3  }
0xc: {  	[smem:$0x3FAE] =	sst s4  }
0xd: {  	[smem:$0x3FAF] =	sst s5  }
0xe: {  	[smem:$0x3FB0] =	sst s6  }
0xf: {  	[smem:$0x3FB1] =	sst s7  }
0x10: {  	[smem:$0x3FB2] =	sst s8  }
0x11: {  	[smem:$0x3FB3] =	sst s9;
	s0 =	simm.s32 @!p0 $0x0  }
0x12: {  	s1 =	sld [smem:$0x3F99];
	s0 =	simm.s32 @p0 $0x1  }
0x13: {  	[smem:$0x3FB4] =	sst s0;
	s0 =	simm.s32 @!p1 $0x0  }
0x14: {  	s2 =	sld [smem:$0x3F98];
	s0 =	simm.s32 @p1 $0x1  }
0x15: {  	[smem:$0x3FB5] =	sst s0;
	s0 =	simm.s32 @!p2 $0x0  }
0x16: {  	s3 =	sld [smem:$0x3FDB];
	s0 =	simm.s32 @p2 $0x1  }
0x17: {  	s4 =	simm.s32 $0x1BF5;
	[smem:$0x3FB7] =	sst s0  }
0x18: {  	s0 =	sld [smem:$0x3F9A];
	_ =	swait.ge [sflag:s4], $0x0  }
0x19: {  	s7 =	sld [smem:$0x3F9B]  }
0x1a: {  	s8 =	sadd.s32 $0xFFFFE003, lr  }
0x1b: {  	s9 =	sadd.s32 $0xFFFFFEF7, lr;
	s5 =	simm.s32 $0xFFFFFFFF;
	p2 =	slt.u32 s8, $0xFFFFF086  }
0x1c: {  	p1 =	slt.u32 s9, $0xF7A;
	s5 =	simm.s32 @!p2 $0x0  }
0x1d: {  	s5 =	simm.s32 @p1 $0x1;
	p0 =	seq.s32 s7, s2  }
0x1e: {  	s7 =	smul.u32 @!p0 $0xF7A, s2;
	p2 =	seq.s32 @!p0 s5, $0x0  }
0x1f: {  	s9 =	smul.u32 $0xF7A, s1;
	s8 =	simm.s32 @!p0 $0x1BF5;
	p2 =	por !p2, p0  }
0x20: {  	[sflag:s8] =	ssyncset.s32 @!p0 $0xFFFFF086;
	s6 =	sadd.s32 @!p0 s3, s7;
	s7 =	simm.s32 @!p0 $0x108  }
0x21: {  	s3 =	sadd.s32 s3, s9;
	s6 =	sadd.s32 @!p0 $0x88, s6;
	s7 =	simm.s32 @p2 $0x1082  }
0x22: {  	[simem:s7], [sflag:s8] =	dma.local @!p0 [hbm:s6], $0xF7A  }
0x23: {  	s9 =	sor.u32 $0xD0000000, s2;
	s6 =	simm.s32 $0x108;
	_ =	swait.ge @!p0 [sflag:s8], $0x0  }
0x24: {  	s3 =	sadd.s32 $0x88, s3;
	s6 =	simm.s32 @!p1 $0x1082;
	[sflag:s4] =	ssyncset.s32 $0xFFFFF086  }
0x25: {  	[simem:s6], [sflag:s4] =	dma.local [hbm:s3], $0xF7A  }
0x26: {  	[smem:$0x3F9B] =	sst s1;
	(tag) =	ssettag s2;
	_ =	strace s9  }
0x27: {  	s1 =	sld [smem:$0x3FAB]  }
0x28: {  	s2 =	sld [smem:$0x3FAC]  }
0x29: {  	s4 =	sld [smem:$0x3FAE]  }
0x2a: {  	p0 =	seq.s32 s5, $0x0;
	s5 =	sld [smem:$0x3FAF]  }
0x2b: {  	s6 =	sld [smem:$0x3FB0]  }
0x2c: {  	s7 =	sld [smem:$0x3FB1]  }
0x2d: {  	s3 =	simm.s32 $0x108;
	s8 =	sld [smem:$0x3FB2]  }
0x2e: {  	s3 =	simm.s32 @!p0 $0x1082;
	s9 =	sld [smem:$0x3FB3]  }
0x2f: {  	lr =	sadd.s32 s0, s3;
	s0 =	sld [smem:$0x3FAA]  }
0x30: {  	s3 =	sld [smem:$0x3FAD]  }
0x31: {  	[smem:$0x3FB6] =	sst s10  }
0x32: {  	s10 =	sld [smem:$0x3FB4];
	_ =	sdelay $0x3  }
0x33: {  	p0 =	seq.s32 s10, $0x1;
	s10 =	sld [smem:$0x3FB6];
	_ =	sdelay $0x3  }
0x34: {  	[smem:$0x3FB6] =	sst s10  }
0x35: {  	s10 =	sld [smem:$0x3FB5];
	_ =	sdelay $0x3  }
0x36: {  	p1 =	seq.s32 s10, $0x1;
	s10 =	sld [smem:$0x3FB6];
	_ =	sdelay $0x3  }
0x37: {  	[smem:$0x3FB6] =	sst s10  }
0x38: {  	s10 =	sld [smem:$0x3FB7]  }
0x39: {  	_ = 	snop;
	(pc) =	sbr.ind lr, $3  }
0x3a: {  	_ = 	snop  }
0x3b: {  	_ = 	snop  }
0x3c: {  	p2 =	seq.s32 s10, $0x1;
	s10 =	sld [smem:$0x3FB6]  }
0x3d: {  	_ =	shalt  }
0x3e: {  	_ =	shalt  }
0x3f: {  	_ =	shalt  }
0x40: {  	_ =	shalt  }
0x41: {  	_ =	shalt  }
0x42: {  	_ =	shalt  }
0x43: {  	_ =	shalt  }
0x44: {  	_ =	shalt  }
0x45: {  	_ =	shalt  }
0x46: {  	_ =	shalt  }
0x47: {  	_ =	shalt  }
0x48: {  	_ =	shalt  }
0x49: {  	_ =	shalt  }
0x4a: {  	_ =	shalt  }
0x4b: {  	_ =	shalt  }
0x4c: {  	_ =	shalt  }
0x4d: {  	_ =	shalt  }
0x4e: {  	_ =	shalt  }
0x4f: {  	_ =	shalt  }
0x50: {  	_ =	shalt  }
0x51: {  	_ =	shalt  }
0x52: {  	_ =	shalt  }
0x53: {  	_ =	shalt  }
0x54: {  	_ =	shalt  }
0x55: {  	_ =	shalt  }
0x56: {  	_ =	shalt  }
0x57: {  	_ =	shalt  }
0x58: {  	_ =	shalt  }
0x59: {  	_ =	shalt  }
0x5a: {  	_ =	shalt  }
0x5b: {  	_ =	shalt  }
0x5c: {  	_ =	shalt  }
0x5d: {  	_ =	shalt  }
0x5e: {  	_ =	shalt  }
0x5f: {  	_ =	shalt  }
0x60: {  	_ =	shalt  }
0x61: {  	_ =	shalt  }
0x62: {  	_ =	shalt  }
0x63: {  	_ =	shalt  }
0x64: {  	_ =	shalt  }
0x65: {  	_ =	shalt  }
0x66: {  	_ =	shalt  }
0x67: {  	_ =	shalt  }
0x68: {  	_ =	shalt  }
0x69: {  	_ =	shalt  }
0x6a: {  	_ =	shalt  }
0x6b: {  	_ =	shalt  }
0x6c: {  	_ =	shalt  }
0x6d: {  	_ =	shalt  }
0x6e: {  	_ =	shalt  }
0x6f: {  	_ =	shalt  }
0x70: {  	_ =	shalt  }
0x71: {  	_ =	shalt  }
0x72: {  	_ =	shalt  }
0x73: {  	_ =	shalt  }
0x74: {  	_ =	shalt  }
0x75: {  	_ =	shalt  }
0x76: {  	_ =	shalt  }
0x77: {  	_ =	shalt  }
0x78: {  	_ =	shalt  }
0x79: {  	_ =	shalt  }
0x7a: {  	_ =	shalt  }
0x7b: {  	_ =	shalt  }
0x7c: {  	_ =	shalt  }
0x7d: {  	_ =	shalt  }
0x7e: {  	_ =	shalt  }
0x7f: {  	_ =	shalt  }
0x80: {  	_ =	shalt  }
0x81: {  	_ =	shalt  }
0x82: {  	_ =	shalt  }
0x83: {  	_ =	shalt  }
0x84: {  	_ =	shalt  }
0x85: {  	_ =	shalt  }
0x86: {  	_ =	shalt  }
0x87: {  	_ =	shalt  }
.Lfunc_end0:
.L_simem_size_0:
called_computation_lowered:
.L_overlay_start_0:
0x88: {  	s2 =	sld [smem:$0x3FD9]  }
0x89: {  	s3 =	sld [smem:$0x3FFE];
	_ =	sdelay $0x1  }
0x8a: {  	s1 =	srdreg.scid  }
0x8b: {  	s0 =	sand.u32 $0x1, s1  }
0x8c: {  	s17 =	sshll.u32 s0, $0xA;
	s2 =	sadd.s32 s3, s2  }
0x8d: {  	s2 =	sadd.s32 s2, s17  }
0x8e: {  	[smem:$0x3FC2] =	sst s2  }
0x8f: {  	_ = 	snop  }
0x90: {  	s2 =	sld [smem:$0x3FC9]  }
0x91: {  	s18 =	sld [smem:$0x3FC8]  }
0x92: {  	s4 =	sld [smem:$0x3FC7]  }
0x93: {  	s5 =	sld [smem:$0x3FC6]  }
0x94: {  	s6 =	sld [smem:$0x3FC5];
	(tm) =	ssettm $0x1  }
0x95: {  	s7 =	sld [smem:$0x3FFB];
	_ =	sdelay $0x3  }
0x96: {  	_ =	strace s7  }
0x97: {  	s7 =	sld [smem:$0x3FFC];
	_ =	sdelay $0x3  }
0x98: {  	_ =	strace s7  }
0x99: {  	s7 =	sld [smem:$0x3FFD];
	_ =	sdelay $0x3  }
0x9a: {  	_ =	strace s7  }
0x9b: {  	_ =	strace $0x8FFFFFFF  }
0x9c: {  	s19 =	sld [smem:$0x3FDB];
	_ =	sdelay $0x1  }
0x9d: {  	s8 =	simm.s32 $_scs_section_size  }
0x9e: {  	s9 =	simm.s32 $_size__tile_overlayer_lowered;
	s10 =	simm.s32 $_tile_overlayer_lowered  }
0x9f: {  	s22 =	simm.s32 $0x1BFF;
	s21 =	sshll.u32 s10, $0x1;
	s7 =	sadd.s32 s8, s19  }
0xa0: {  	s11 =	simm.s32 $0x0;
	s20 =	sshll.u32 s9, $0x1;
	s9 =	sadd.s32 s21, s7  }
0xa1: {  	[timem:s11], [sflag:s22] =	dma.local [hbm:s9], s20  }
0xa2: {  	_ =	swait.ge [sflag:s22], s20  }
0xa3: {  	s8 =	ssub.s32 $0x0, s20;
	[sflag:s22] =	ssyncset.done $0x0  }
0xa4: {  	[sflag:s22] =	ssyncadd.s32 s8;
	_ =	sdelay $0x1  }
0xa5: {  	s23 =	simm.s32 $0x1B8B  }
0xa6: {  	_ =	swait.ge [sflag:s23], $0x1  }
0xa7: {  	[sflag:s23] =	ssyncset.done $0x0  }
0xa8: {  	s25 =	simm.s32 $0x1B8E;
	s24 =	sld [smem:$0x3FFE];
	[sflag:s23] =	ssyncadd.s32 $0xFFFFFFFF  }
0xa9: {  	s26 =	simm.s32 $execute0_lowered;
	[smem:$0x3FD2] =	sst s25  }
0xaa: {  	s9 =	sshll.u32 s26, $0x1;
	_ =	strace $0x80000046;
	[dreg:$0x1] =	wrdreg $0xFFFFFFFF  }
0xab: {  	s28 =	simm.s32 $_size_execute0_lowered;
	s7 =	sadd.s32 s7, s9;
	[dreg:$0x0] =	wrdreg $0x0  }
0xac: {  	s9 =	sshll.u32 s28, $0x1;
	[dreg:$0x2] =	wrdreg s7  }
0xad: {  	[dreg:$0x3] =	wrdreg s9  }
0xae: {  	[dreg:$0x4] =	wrdreg $0xC0  }
0xaf: {  	_ =	task [dreg:s11], $0x5FFFF  }
0xb0: {  	[dreg:$0x1] =	wrdreg $0xFFFFFFFF  }
0xb1: {  	[dreg:$0x0] =	wrdreg $0x60  }
0xb2: {  	[dreg:$0x2] =	wrdreg s2  }
0xb3: {  	[dreg:$0x3] =	wrdreg s18  }
0xb4: {  	[dreg:$0x4] =	wrdreg s4  }
0xb5: {  	[dreg:$0x5] =	wrdreg s5  }
0xb6: {  	[dreg:$0x6] =	wrdreg s6  }
0xb7: {  	[dreg:$0x7] =	wrdreg s24  }
0xb8: {  	[dreg:$0x8] =	wrdreg $0xA2800  }
0xb9: {  	[dreg:$0x9] =	wrdreg $0x9  }
0xba: {  	_ =	task.clear_ibuf [dreg:s11], $0xAFFFF;
	_ =	strace $0x90000046  }
0xbb: {  	s29 =	simm.s32 $0x9;
	_ =	strace $0x80000048  }
0xbc: {  	_ =	swait.ge [sflag:s29], $0x1  }
0xbd: {  	[sflag:s29] =	ssyncadd.s32 $0xFFFFFFFF  }
0xbe: {  	_ =	strace $0x90000048  }
0xbf: {  	_ =	sfence  }
0xc0: {  	s30 =	sld [smem:$0x0];
	_ =	sdelay $0x2  }
0xc1: {  	s31 =	sshll.u32 s1, $0xD;
	s1 =	sshrl.u32 s1, $0x2  }
0xc2: {  	s3 =	sand.u32 $0x4000, s31;
	s1 =	sadd.s32 s1, s30  }
0xc3: {  	s0 =	sor.u32 s3, s0;
	s1 =	sshll.u32 s1, $0x11  }
0xc4: {  	s0 =	sor.u32 s1, s0  }
0xc5: {  	s0 =	sadd.s32 $0x8F2B, s0  }
0xc6: {  	[sflag:s0] =	ssyncadd.remote.s32 $0x1  }
0xc7: {  	_ =	sfence.sel $0xFFFF  }
0xc8: {  	[dreg:$0x0] =	wrdreg $0xFFFFFFFF;
	(pc) =	sbr.abs _section_cstart, $3  }
0xc9: {  	[dreg:$0x1] =	wrdreg $0xFFFFFFFF  }
0xca: {  	_ =	task.clear_ibuf [dreg:s11], $0x2FFFF;
	_ =	strace $0x9FFFFFFF  }
0xcb: {  	(tm) =	ssettm $0x7FFFFFFF  }
tec
execute0_lowered:
.L_overlay_start_1:
0x0: {  	(tag) =	ssettag $0x1  }
0x1: {  	s0 =	rddreg [dreg:$0x0]  }
0x2: {  	s1 =	rddreg [dreg:$0x1]  }
0x3: {  	s2 =	rddreg [dreg:$0x2]  }
0x4: {  	s3 =	rddreg [dreg:$0x5]  }
0x5: {  	s5 =	rddreg [dreg:$0x6];
	s4 =	simm.s32 $0x0;
	s6 =	srdreg.scid  }
0x6: {  	s12 =	stileid.u32;
	[smem:$0x7FF] =	sst s4  }
0x7: {  	s6 =	sand.u32 $0x1, s6;
	s8 =	sshrl.u32 s12, $0x2;
	s11 =	sshll.u32 s12, $0x1  }
0x8: {  	s9 =	sshll.u32 s8, $0x8;
	s10 =	sshll.u32 s6, $0x7;
	s19 =	sor.u32 s6, s11  }
0x9: {  	s7 =	sshll.u32 s12, $0x5;
	s9 =	sor.u32 s10, s9;
	s10 =	smul.u32 $0xC350, s19  }
0xa: {  	s7 =	sand.u32 $0x60, s7;
	s6 =	ssub.s32 $0x2, s6;
	_ =	strace $0x80000047  }
0xb: {  	s11 =	simm.s32 $0x480;
	s20 =	sshrl.u32 s6, $0x1;
	s21 =	sshrl.u32 s10, $0x3  }
0xc: {  	s9 =	sor.u32 s7, s9;
	s6 =	ssub.s32 s6, s20;
	s10 =	sadd.s32 s0, s21  }
0xd: {  	s9 =	sshrl.u32 s9, $0x3;
	s22 =	sadd.s32 s1, s21;
	[dreg:$0x8] =	wrdreg s10  }
0xe: {  	s23 =	sadd.s32 $0x4E2, s21;
	s24 =	sadd.s32 s2, s21;
	[dreg:$0x9] =	wrdreg s22  }
0xf: {  	s3 =	sadd.s32 s9, s3;
	[dreg:$0xa] =	wrdreg s24;
	s25 =	sadd.s32 s0, s23  }
0x10: {  	s26 =	sadd.s32 $0x9C4, s21;
	s13 =	sadd.s32 s1, s23;
	[dreg:$0xb] =	wrdreg s25  }
0x11: {  	s16 =	sadd.s32 $0xEA6, s21;
	s10 =	sadd.s32 s2, s23;
	[dreg:$0xc] =	wrdreg s13  }
0x12: {  	s9 =	sadd.s32 $0x1388, s21;
	s14 =	sadd.s32 s1, s26;
	[dreg:$0xd] =	wrdreg s10  }
0x13: {  	s21 =	sshll.u32 s12, $0x9;
	s15 =	sadd.s32 s2, s26;
	[dreg:$0xf] =	wrdreg s14  }
0x14: {  	s17 =	sadd.s32 s0, s16;
	s18 =	sadd.s32 s1, s16;
	[dreg:$0x10] =	wrdreg s15  }
0x15: {  	v0 =	vimm.s32 $0x8000000E;
	vm0 =	vcmask $0x300;
	s19 =	sadd.s32 s1, s9;
	s20 =	sadd.s32 s2, s9;
	[dreg:$0x11] =	wrdreg s17  }
0x16: {  	v0 =	vsel vm0, $0x8000000F, v0;
	vm0 =	vcmask $0x704;
	s22 =	sshll.u32 s8, $0xA;
	s23 =	sshll.u32 s12, $0x7;
	[dreg:$0x12] =	wrdreg s18  }
0x17: {  	v0 =	vsel vm0, $0x80000000, v0;
	vm0 =	vcmask $0xB08;
	s12 =	simm.s32 $0x400;
	s13 =	sadd.s32 s0, s26;
	[dreg:$0x15] =	wrdreg s19  }
0x18: {  	v0 =	vsel vm0, $0x80000001, v0;
	vm0 =	vcmask $0xF0C;
	s10 =	sadd.s32 s2, s16;
	s0 =	sadd.s32 s0, s9;
	[dreg:$0x16] =	wrdreg s20  }
0x19: {  	v0 =	vsel vm0, $0x80000002, v0;
	vm0 =	vcmask $0x1310;
	s1 =	sadd.s32 s22, s5;
	s2 =	sand.u32 $0x380, s23;
	s26 =	sadd.s32 $0x400, s3  }
0x1a: {  	v0 =	vsel vm0, $0x80000003, v0;
	vm0 =	vcmask $0x1714;
	s9 =	simm.s32 $0x5380;
	s14 =	simm.s32 $0x1;
	s15 =	simm.s32 $0x7B00  }
0x1b: {  	v0 =	vsel vm0, $0x80000004, v0;
	vm0 =	vcmask $0x1B18;
	s16 =	simm.s32 $0xCF00;
	s17 =	simm.s32 $0x2C00;
	[dreg:$0xe] =	wrdreg s13  }
0x1c: {  	v0 =	vsel vm0, $0x80000005, v0;
	vm0 =	vcmask $0x1F1C;
	s18 =	simm.s32 $0x200;
	s19 =	simm.s32 $0x0;
	[dreg:$0x13] =	wrdreg s10  }
0x1d: {  	v0 =	vsel vm0, $0x80000006, v0;
	vm0 =	vcmask $0x2320;
	[dreg:$0x14] =	wrdreg s0;
	s0 =	sand.u32 $0x1000, s21;
	s20 =	sadd.s32 s7, s1  }
0x1e: {  	[dreg:$0x1a] =	wrdreg s26;
	v0 =	vsel vm0, $0x80000007, v0;
	s10 =	simm.s32 $0xA780;
	s13 =	simm.s32 $0x2  }
0x1f: {  	vm0 =	vcmask $0x2724;
	s26 =	sadd.s32 $0x180, s20;
	s28 =	sadd.s32 $0x200, s20;
	s29 =	sadd.s32 $0x280, s20  }
0x20: {  	s0 =	sadd.s32 s0, s5;
	s30 =	sadd.s32 $0x300, s20;
	s31 =	sadd.s32 $0x380, s20;
	v0 =	vsel vm0, $0x80000008, v0;
	vm0 =	vcmask $0x2B28  }
0x21: {  	s24 =	sadd.s32 $0x80, s20;
	s3 =	sadd.s32 $0x1080, s20;
	s1 =	sadd.s32 $0x1100, s20;
	v0 =	vsel vm0, $0x80000009, v0;
	vm0 =	vcmask $0x2F2C  }
0x22: {  	s25 =	sadd.s32 $0x100, s20;
	s5 =	sadd.s32 $0x1200, s20;
	s7 =	sadd.s32 $0x1300, s20;
	v0 =	vsel vm0, $0x8000000A, v0;
	vm0 =	vcmask $0x3330  }
0x23: {  	s8 =	sadd.s32 $0x1380, s20;
	s0 =	sadd.s32 s2, s0;
	[dreg:$0x18] =	wrdreg s24;
	v0 =	vsel vm0, $0x8000000B, v0;
	vm0 =	vcmask $0x3734  }
0x24: {  	vm1 =	vmmov $0x7fff;
	[dreg:$0x19] =	wrdreg s25;
	s25 =	smax.u32 s6, $0x1;
	s2 =	sadd.s32 $0x1180, s20;
	v1 =	vsel vm0, $0x8000000C, v0;
	vm0 =	vcmask $0x3B38  }
0x25: {  	s6 =	sadd.s32 $0x1280, s20;
	[dreg:$0x17] =	wrdreg s0;
	s0 =	sadd.s32 $0x1000, s20;
	v0 =	vimm.f32 $0.0e+00;
	v1 =	vsel vm0, $0x8000000D, v1;
	vm0 =	vcmask $0x3F3C  }
.LBB2_1:
0x26: {  	s21 =	rddreg [dreg:$0x8]  }
0x27: {  	[tilespmem:s9], [sflag:$0x1] =	stream.linear.gather [hbm4b:s21+s4], $0x2710, $0x38;
	[tilespmem:$0xF680] =	vst v63  }
0x28: {  	s23 =	rddreg [dreg:$0x9]  }
0x29: {  	[tilespmem:s10], [sflag:$0x1] =	stream.linear.gather [hbm4b:s23+s4], $0x2710, $0x38;
	[tilespmem:$0xF680] =	vst v63  }
0x2a: {  	s24 =	rddreg [dreg:$0xa]  }
0x2b: {  	[tilespmem:s11], [sflag:$0x1] =	stream.linear.gather [hbm4b:s24+s4], $0x2710, $0x38;
	[tilespmem:$0xF680] =	vst v63  }
0x2c: {  	s22 =	rddreg [dreg:$0x3]  }
0x2d: {  	[tilespmem:s12], [sflag:$0x2] =	stream.linear.gather [hbm4b:s22+s4], $0x80, $0x38;
	[tilespmem:$0xF680] =	vst v63  }
0x2e: {  	_ =	swait.ge [sflag:s13], $0x80  }
0x2f: {  	[sflag:s13] =	ssyncset.done $0x0  }
0x30: {  	[sflag:s13] =	ssyncadd.s32 $0xFFFFFF80  }
0x31: {  	s22 =	simm.s32 $0xA480;
	s23 =	rddreg [dreg:$0x4]  }
0x32: {  	[tilespmem:s22], [sflag:$0x2] =	stream.linear.gather [hbm4b:s23+s4], $0x1, $0x38;
	[tilespmem:$0xF680] =	vst v63  }
0x33: {  	_ =	swait.ge [sflag:s13], $0x1  }
0x34: {  	[sflag:s13] =	ssyncset.done $0x0  }
0x35: {  	[sflag:s13] =	ssyncadd.s32 $0xFFFFFFFF  }
0x36: {  	[tilespmem:$0x200] =	vst v0  }
0x37: {  	[tilespmem:$0x0] =	vst v0  }
0x38: {  	[tilespmem:$0x210] =	vst v0  }
0x39: {  	[tilespmem:$0x10] =	vst v0  }
0x3a: {  	[tilespmem:$0x220] =	vst v0  }
0x3b: {  	[tilespmem:$0x20] =	vst v0  }
0x3c: {  	[tilespmem:$0x230] =	vst v0  }
0x3d: {  	[tilespmem:$0x30] =	vst v0  }
0x3e: {  	[tilespmem:$0x240] =	vst v0  }
0x3f: {  	[tilespmem:$0x40] =	vst v0  }
0x40: {  	[tilespmem:$0x250] =	vst v0  }
0x41: {  	[tilespmem:$0x50] =	vst v0  }
0x42: {  	[tilespmem:$0x260] =	vst v0  }
0x43: {  	[tilespmem:$0x60] =	vst v0  }
0x44: {  	[tilespmem:$0x270] =	vst v0  }
0x45: {  	[tilespmem:$0x70] =	vst v0  }
0x46: {  	[tilespmem:$0x280] =	vst v0  }
0x47: {  	[tilespmem:$0x80] =	vst v0  }
0x48: {  	[tilespmem:$0x290] =	vst v0  }
0x49: {  	[tilespmem:$0x90] =	vst v0  }
0x4a: {  	[tilespmem:$0x2A0] =	vst v0  }
0x4b: {  	[tilespmem:$0xA0] =	vst v0  }
0x4c: {  	[tilespmem:$0x2B0] =	vst v0  }
0x4d: {  	[tilespmem:$0xB0] =	vst v0  }
0x4e: {  	[tilespmem:$0x2C0] =	vst v0  }
0x4f: {  	[tilespmem:$0xC0] =	vst v0  }
0x50: {  	[tilespmem:$0x2D0] =	vst v0  }
0x51: {  	[tilespmem:$0xD0] =	vst v0  }
0x52: {  	[tilespmem:$0x2E0] =	vst v0  }
0x53: {  	[tilespmem:$0xE0] =	vst v0  }
0x54: {  	[tilespmem:$0x2F0] =	vst v0  }
0x55: {  	[tilespmem:$0xF0] =	vst v0  }
0x56: {  	[tilespmem:$0x300] =	vst v0  }
0x57: {  	[tilespmem:$0x100] =	vst v0  }
0x58: {  	[tilespmem:$0x310] =	vst v0  }
0x59: {  	[tilespmem:$0x110] =	vst v0  }
0x5a: {  	[tilespmem:$0x320] =	vst v0  }
0x5b: {  	[tilespmem:$0x120] =	vst v0  }
0x5c: {  	[tilespmem:$0x330] =	vst v0  }
0x5d: {  	[tilespmem:$0x130] =	vst v0  }
0x5e: {  	[tilespmem:$0x340] =	vst v0  }
0x5f: {  	[tilespmem:$0x140] =	vst v0  }
0x60: {  	[tilespmem:$0x350] =	vst v0  }
0x61: {  	[tilespmem:$0x150] =	vst v0  }
0x62: {  	[tilespmem:$0x360] =	vst v0  }
0x63: {  	[tilespmem:$0x160] =	vst v0  }
0x64: {  	[tilespmem:$0x370] =	vst v0  }
0x65: {  	[tilespmem:$0x170] =	vst v0  }
0x66: {  	[tilespmem:$0x380] =	vst v0  }
0x67: {  	[tilespmem:$0x180] =	vst v0  }
0x68: {  	[tilespmem:$0x390] =	vst v0  }
0x69: {  	[tilespmem:$0x190] =	vst v0  }
0x6a: {  	[tilespmem:$0x3A0] =	vst v0  }
0x6b: {  	[tilespmem:$0x1A0] =	vst v0  }
0x6c: {  	[tilespmem:$0x3B0] =	vst v0  }
0x6d: {  	[tilespmem:$0x1B0] =	vst v0  }
0x6e: {  	[tilespmem:$0x3C0] =	vst v0  }
0x6f: {  	[tilespmem:$0x1C0] =	vst v0  }
0x70: {  	[tilespmem:$0x3D0] =	vst v0  }
0x71: {  	[tilespmem:$0x1D0] =	vst v0  }
0x72: {  	[tilespmem:$0x3E0] =	vst v0  }
0x73: {  	[tilespmem:$0x1E0] =	vst v0  }
0x74: {  	[tilespmem:$0x3F0] =	vst v0  }
0x75: {  	[tilespmem:$0x1F0] =	vst v0  }
0x76: {  	v2 =	vld.msk [tilespmem:$0xA480 ss:$0x0], $0xffff;
	_ =	swait.ge [sflag:s14], $0x2710  }
0x77: {  	[sflag:s14] =	ssyncset.done $0x0  }
0x78: {  	[sflag:s14] =	ssyncadd.s32 $0xFFFFD8F0  }
0x79: {  	_ =	swait.ge [sflag:s14], $0x2710  }
0x7a: {  	[sflag:s14] =	ssyncset.done $0x0  }
0x7b: {  	[sflag:s14] =	ssyncadd.s32 $0xFFFFD8F0  }
0x7c: {  	_ =	swait.ge [sflag:s14], $0x2710  }
0x7d: {  	[sflag:s14] =	ssyncset.done $0x0  }
0x7e: {  	s24 =	rddreg [dreg:$0xb];
	[sflag:s14] =	ssyncadd.s32 $0xFFFFD8F0  }
0x7f: {  	[tilespmem:s15], [sflag:$0x1] =	stream.linear.gather [hbm4b:s24+s4], $0x2710, $0x38;
	[tilespmem:$0xF680] =	vst v63  }
0x80: {  	s22 =	rddreg [dreg:$0xc]  }
0x81: {  	[tilespmem:s16], [sflag:$0x1] =	stream.linear.gather [hbm4b:s22+s4], $0x2710, $0x38;
	[tilespmem:$0xF680] =	vst v63  }
0x82: {  	s23 =	rddreg [dreg:$0xd];
	s24 =	simm.s32 $0x4A0  }
0x83: {  	[tilespmem:s17], [sflag:$0x1] =	stream.linear.gather [hbm4b:s23+s4], $0x2710, $0x38;
	[tilespmem:$0xF680] =	vst v63  }
0x84: {  	v4 =	vld [tilespmem:s24+$0xFFFFFFF0]  }
0x85: {  	v3 =	vld [tilespmem:s24+$0x0]  }
0x86: {  	s23 =	simm.s32 $0xA7A0;
	v7 =	vld [tilespmem:s24+$0xFFFFFFE0]  }
0x87: {  	v5 =	vld [tilespmem:s23+$0xFFFFFFF0]  }
0x88: {  	s21 =	simm.s32 $0x53A0  }
0x89: {  	v8 =	vld [tilespmem:s21+$0xFFFFFFE0];
	(xrf1) =	vsort.ascd.msk.u32 $0xffff, v1, v4  }
0x8a: {  	v11 =	vld [tilespmem:s23+$0x10];
	(xrf1) =	vsort.ascd.msk.u32 $0xffff, v1, v3  }
0x8b: {  	v10 =	vld [tilespmem:s23+$0xFFFFFFE0];
	(xrf1) =	vsort.ascd.msk.u32 $0xffff, v1, v7  }
0x8c: {  	v12 =	vld [tilespmem:s21+$0xFFFFFFF0]  }
0x8d: {  	v15 =	vld [tilespmem:s23+$0x20]  }
0x8e: {  	v6 =	vld [tilespmem:s24+$0x20]  }
0x8f: {  	v13 =	vld.idx.msk [tilespmem:v5+s12+$0x0], $0xffff  }
0x90: {  	v14 =	vld [tilespmem:s23+$0x0]  }
0x91: {  	v9 =	vld [tilespmem:s21+$0x10]  }
0x92: {  	v17 =	vld.idx.msk [tilespmem:v11+s12+$0x0], $0xffff;
	v11 =	vmul.f32 v12, v2  }
0x93: {  	v8 =	vmul.f32 v8, v2;
	v16 =	vld.idx.msk [tilespmem:v10+s12+$0x0], $0xffff  }
0x94: {  	v10 =	vld [tilespmem:s21+$0x20];
	(xrf1) =	vsort.ascd.msk.u32 $0xffff, v1, v6;
	v18 =	vadd.f32 v13, v11  }
0x95: {  	v5 =	vld [tilespmem:s24+$0x10]  }
0x96: {  	v19 =	vmul.f32 v9, v2;
	v12 =	vld [tilespmem:s21+$0x0];
	(xrf2) =	vadd.scan.msk.f32 $0xffff, v18  }
0x97: {  	v15 =	vld.idx.msk [tilespmem:v15+s12+$0x0], $0xffff;
	_, v9, _ =	vpop (xrf1)  }
0x98: {  	s22 =	simm.s32 $0x0;
	s23 =	simm.s32 $0xA7F0;
	s24 =	simm.s32 $0x4F0;
	v13 =	vadd.f32 v16, v8;
	v11 =	vld.idx.msk [tilespmem:v14+s12+$0x0], $0xffff;
	v14 =	vadd.f32 v17, v19;
	vm4 =	vne.s32 v4, v9;
	_, v8, _ =	vpop (xrf1)  }
.LBB2_2:
0x99: {  	v16 =	vld [tilespmem:s23+$0xFFFFFFF0];
	s22 =	sadd.s32 $0x5, s22;
	vm2 =	vne.s32 v3, v8;
	s21 =	sadd.s32 $0x50, s21;
	_, v17, _ =	vpop (xrf1)  }
0x9a: {  	vm6 =	vmor vm4, vm0;
	v18 =	vld [tilespmem:s21+$0x20];
	p0 =	slt.u32 s22, $0x26C;
	vm5 =	vne.s32 v7, v17;
	vm3 =	vmor vm2, vm0;
	(xrf2) =	vadd.scan.msk.f32 $0xffff, v13  }
0x9b: {  	vm2 =	vmand vm2, vm1;
	v13 =	vld [tilespmem:s21+$0xFFFFFFE0];
	v12 =	vmul.f32 v12, v2;
	(xrf1) =	vsort.ascd.msk.u32 $0xffff, v1, v5  }
0x9c: {  	v21 =	vmul.f32 v10, v2;
	vm7 =	vmor vm5, vm0;
	v19 =	vld [tilespmem:s21+$0x10]  }
0x9d: {  	v20 =	vld [tilespmem:s21+$0xFFFFFFF0];
	v11 =	vadd.f32 v11, v12;
	(xrf2) =	vadd.scan.msk.f32 $0xffff, v14  }
0x9e: {  	v22 =	vadd.f32 v15, v21;
	v12 =	vld [tilespmem:s23+$0xFFFFFFE0]  }
0x9f: {  	v15 =	vld [tilespmem:s23+$0x10];
	v10 =	vmov v18  }
0xa0: {  	vm4 =	vmand vm4, vm1;
	vm5 =	vmand vm5, vm1;
	v18 =	vld [tilespmem:s24+$0x0];
	v21, _, _ =	vpop (xrf2);
	(xrf2) =	vadd.scan.msk.f32 $0xffff, v22  }
0xa1: {  	[tilespmem:v4+s18+$0x0] =	vst.idx.add.f32.msk vm6, v21  }
0xa2: {  	v4 =	vld [tilespmem:s24+$0xFFFFFFF0];
	_, v14, _ =	vpop (xrf1)  }
0xa3: {  	v22 =	vld [tilespmem:s23+$0x20];
	vm6 =	vne.s32 v6, v14  }
0xa4: {  	v23 =	vld [tilespmem:s24+$0xFFFFFFE0];
	v24, _, _ =	vpop (xrf2);
	(xrf2) =	vadd.scan.msk.f32 $0xffff, v11  }
0xa5: {  	[tilespmem:v7+s18+$0x0] =	vst.idx.add.f32.msk vm7, v24;
	vm7 =	vmor vm6, vm0  }
0xa6: {  	v11 =	vld [tilespmem:s23+$0x0]  }
0xa7: {  	v25 =	vld [tilespmem:s24+$0x10];
	(xrf1) =	vsort.ascd.msk.u32 $0xffff, v1, v4;
	v26, _, _ =	vpop (xrf2)  }
0xa8: {  	vm6 =	vmand vm6, vm1;
	v15 =	vld.idx.msk [tilespmem:v15+s12+$0x0], $0xffff;
	(xrf1) =	vsort.ascd.msk.u32 $0xffff, v1, v18  }
0xa9: {  	v27 =	vld [tilespmem:s24+$0x20];
	(xrf1) =	vsort.ascd.msk.u32 $0xffff, v1, v23;
	_, v28, _ =	vpop (xrf1);
	v7 =	vmov v23  }
0xaa: {  	[tilespmem:v17+s4+$0x0] =	vst.idx.add.f32.msk vm5, v24;
	vm5 =	vne.s32 v5, v28;
	v17, _, _ =	vpop (xrf2)  }
0xab: {  	vm8 =	vmor vm5, vm0;
	[tilespmem:v6+s18+$0x0] =	vst.idx.add.f32.msk vm7, v17  }
0xac: {  	v20 =	vmul.f32 v20, v2;
	vm5 =	vmand vm5, vm1;
	v16 =	vld.idx.msk [tilespmem:v16+s12+$0x0], $0xffff  }
0xad: {  	v12 =	vld.idx.msk [tilespmem:v12+s12+$0x0], $0xffff  }
0xae: {  	[tilespmem:v9+s4+$0x0] =	vst.idx.add.f32.msk vm4, v21;
	v9, _, _ =	vpop (xrf2);
	v6 =	vmov v27  }
0xaf: {  	[tilespmem:v14+s4+$0x0] =	vst.idx.add.f32.msk vm6, v17  }
0xb0: {  	[tilespmem:v3+s18+$0x0] =	vst.idx.add.f32.msk vm3, v9;
	v3 =	vmov v18  }
0xb1: {  	v13 =	vmul.f32 v13, v2;
	[tilespmem:v5+s18+$0x0] =	vst.idx.add.f32.msk vm8, v26;
	v5 =	vmov v25  }
.Ltmp0:
0xb2: {  	v14 =	vadd.f32 v16, v20;
	(xrf1) =	vsort.ascd.msk.u32 $0xffff, v1, v6;
	[tilespmem:v8+s4+$0x0] =	vst.idx.add.f32.msk vm2, v9;
	(pc) =	sbr.rel @p0 .LBB2_2-.Ltmp0, $4  }
0xb3: {  	v13 =	vadd.f32 v12, v13;
	[tilespmem:v28+s4+$0x0] =	vst.idx.add.f32.msk vm5, v26  }
0xb4: {  	v16 =	vmul.f32 v19, v2;
	v12 =	vld [tilespmem:s21+$0x0];
	(xrf2) =	vadd.scan.msk.f32 $0xffff, v14  }
0xb5: {  	v11 =	vld.idx.msk [tilespmem:v11+s12+$0x0], $0xffff;
	_, v9, _ =	vpop (xrf1)  }
0xb6: {  	s23 =	sadd.s32 $0x50, s23;
	s24 =	sadd.s32 $0x50, s24;
	v14 =	vadd.f32 v15, v16;
	vm4 =	vne.s32 v4, v9;
	v15 =	vld.idx.msk [tilespmem:v22+s12+$0x0], $0xffff;
	_, v8, _ =	vpop (xrf1)  }
0xb7: {  	_ = 	snop  }
0xb8: {  	(xrf1) =	vsort.ascd.msk.u32 $0xffff, v1, v5  }
0xb9: {  	v10 =	vmul.f32 v10, v2;
	_ =	sdelay $0x1  }
0xba: {  	v10 =	vadd.f32 v15, v10;
	_ =	sdelay $0x1  }
0xbb: {  	(xrf2) =	vadd.scan.msk.f32 $0xffff, v13;
	v12 =	vmul.f32 v12, v2  }
0xbc: {  	(xrf2) =	vadd.scan.msk.f32 $0xffff, v14  }
0xbd: {  	(xrf2) =	vadd.scan.msk.f32 $0xffff, v10  }
0xbe: {  	v11 =	vadd.f32 v11, v12;
	_, v10, _ =	vpop (xrf1)  }
0xbf: {  	vm3 =	vmor vm4, vm0;
	vm2 =	vne.s32 v7, v10  }
0xc0: {  	(xrf2) =	vadd.scan.msk.f32 $0xffff, v11;
	_, v12, _ =	vpop (xrf1);
	vm5 =	vmor vm2, vm0  }
0xc1: {  	vm2 =	vmand vm2, vm1;
	vm6 =	vne.s32 v6, v12  }
0xc2: {  	vm7 =	vmor vm6, vm0  }
0xc3: {  	vm4 =	vmand vm4, vm1;
	v11, _, _ =	vpop (xrf2)  }
0xc4: {  	vm8 =	vne.s32 v3, v8;
	vm6 =	vmand vm6, vm1;
	_, v13, _ =	vpop (xrf1)  }
0xc5: {  	[tilespmem:v4+s18+$0x0] =	vst.idx.add.f32.msk vm3, v11;
	vm3 =	vmor vm8, vm0;
	v14, _, _ =	vpop (xrf2);
	vm9 =	vne.s32 v5, v13  }
0xc6: {  	v4, _, _ =	vpop (xrf2);
	[tilespmem:v7+s18+$0x0] =	vst.idx.add.f32.msk vm5, v14;
	vm5 =	vmor vm9, vm0  }
0xc7: {  	v7, _, _ =	vpop (xrf2);
	[tilespmem:v10+s4+$0x0] =	vst.idx.add.f32.msk vm2, v14;
	vm2 =	vmand vm8, vm1  }
0xc8: {  	[tilespmem:v6+s18+$0x0] =	vst.idx.add.f32.msk vm7, v7;
	vm7 =	vmand vm9, vm1  }
0xc9: {  	[tilespmem:v9+s4+$0x0] =	vst.idx.add.f32.msk vm4, v11  }
0xca: {  	v6, _, _ =	vpop (xrf2);
	[tilespmem:v12+s4+$0x0] =	vst.idx.add.f32.msk vm6, v7  }
0xcb: {  	[tilespmem:v3+s18+$0x0] =	vst.idx.add.f32.msk vm3, v6  }
0xcc: {  	[tilespmem:v5+s18+$0x0] =	vst.idx.add.f32.msk vm5, v4  }
0xcd: {  	[tilespmem:v8+s4+$0x0] =	vst.idx.add.f32.msk vm2, v6  }
0xce: {  	[tilespmem:v13+s4+$0x0] =	vst.idx.add.f32.msk vm7, v4  }
0xcf: {  	_ =	swait.ge [sflag:s14], $0x2710  }
0xd0: {  	[sflag:s14] =	ssyncset.done $0x0  }
0xd1: {  	[sflag:s14] =	ssyncadd.s32 $0xFFFFD8F0  }
0xd2: {  	_ =	swait.ge [sflag:s14], $0x2710  }
0xd3: {  	[sflag:s14] =	ssyncset.done $0x0  }
0xd4: {  	[sflag:s14] =	ssyncadd.s32 $0xFFFFD8F0  }
0xd5: {  	_ =	swait.ge [sflag:s14], $0x2710  }
0xd6: {  	[sflag:s14] =	ssyncset.done $0x0  }
0xd7: {  	s21 =	rddreg [dreg:$0xe];
	[sflag:s14] =	ssyncadd.s32 $0xFFFFD8F0  }
0xd8: {  	[tilespmem:s9], [sflag:$0x1] =	stream.linear.gather [hbm4b:s21+s4], $0x2710, $0x38;
	[tilespmem:$0xF680] =	vst v63  }
0xd9: {  	s23 =	rddreg [dreg:$0xf]  }
0xda: {  	[tilespmem:s10], [sflag:$0x1] =	stream.linear.gather [hbm4b:s23+s4], $0x2710, $0x38;
	[tilespmem:$0xF680] =	vst v63  }
0xdb: {  	s22 =	simm.s32 $0x2C20;
	s24 =	rddreg [dreg:$0x10]  }
0xdc: {  	[tilespmem:s11], [sflag:$0x1] =	stream.linear.gather [hbm4b:s24+s4], $0x2710, $0x38;
	[tilespmem:$0xF680] =	vst v63  }
0xdd: {  	v4 =	vld [tilespmem:s22+$0xFFFFFFF0]  }
0xde: {  	v3 =	vld [tilespmem:s22+$0x0]  }
0xdf: {  	s23 =	simm.s32 $0xCF20;
	v7 =	vld [tilespmem:s22+$0xFFFFFFE0]  }
0xe0: {  	v5 =	vld [tilespmem:s23+$0xFFFFFFF0]  }
0xe1: {  	s21 =	simm.s32 $0x7B20  }
0xe2: {  	v8 =	vld [tilespmem:s21+$0xFFFFFFE0];
	(xrf1) =	vsort.ascd.msk.u32 $0xffff, v1, v4  }
0xe3: {  	v11 =	vld [tilespmem:s23+$0x10];
	(xrf1) =	vsort.ascd.msk.u32 $0xffff, v1, v3  }
0xe4: {  	v10 =	vld [tilespmem:s23+$0xFFFFFFE0];
	(xrf1) =	vsort.ascd.msk.u32 $0xffff, v1, v7  }
0xe5: {  	v12 =	vld [tilespmem:s21+$0xFFFFFFF0]  }
0xe6: {  	v15 =	vld [tilespmem:s23+$0x20]  }
0xe7: {  	v6 =	vld [tilespmem:s22+$0x20]  }
0xe8: {  	v13 =	vld.idx.msk [tilespmem:v5+s12+$0x0], $0xffff  }
0xe9: {  	v14 =	vld [tilespmem:s23+$0x0]  }
0xea: {  	v9 =	vld [tilespmem:s21+$0x10]  }
0xeb: {  	v17 =	vld.idx.msk [tilespmem:v11+s12+$0x0], $0xffff;
	v11 =	vmul.f32 v12, v2  }
0xec: {  	v8 =	vmul.f32 v8, v2;
	v16 =	vld.idx.msk [tilespmem:v10+s12+$0x0], $0xffff  }
0xed: {  	v10 =	vld [tilespmem:s21+$0x20];
	(xrf1) =	vsort.ascd.msk.u32 $0xffff, v1, v6;
	v18 =	vadd.f32 v13, v11  }
0xee: {  	v5 =	vld [tilespmem:s22+$0x10]  }
0xef: {  	v19 =	vmul.f32 v9, v2;
	v12 =	vld [tilespmem:s21+$0x0];
	(xrf2) =	vadd.scan.msk.f32 $0xffff, v18  }
0xf0: {  	v15 =	vld.idx.msk [tilespmem:v15+s12+$0x0], $0xffff;
	_, v9, _ =	vpop (xrf1)  }
0xf1: {  	s24 =	simm.s32 $0x2C70;
	s23 =	simm.s32 $0xCF70;
	s22 =	simm.s32 $0x0;
	v13 =	vadd.f32 v16, v8;
	v11 =	vld.idx.msk [tilespmem:v14+s12+$0x0], $0xffff;
	v14 =	vadd.f32 v17, v19;
	vm4 =	vne.s32 v4, v9;
	_, v8, _ =	vpop (xrf1)  }
.LBB2_4:
0xf2: {  	v16 =	vld [tilespmem:s23+$0xFFFFFFF0];
	s22 =	sadd.s32 $0x5, s22;
	vm2 =	vne.s32 v3, v8;
	s21 =	sadd.s32 $0x50, s21;
	_, v17, _ =	vpop (xrf1)  }
0xf3: {  	vm6 =	vmor vm4, vm0;
	v18 =	vld [tilespmem:s21+$0x20];
	p0 =	slt.u32 s22, $0x26C;
	vm5 =	vne.s32 v7, v17;
	vm3 =	vmor vm2, vm0;
	(xrf2) =	vadd.scan.msk.f32 $0xffff, v13  }
0xf4: {  	vm2 =	vmand vm2, vm1;
	v13 =	vld [tilespmem:s21+$0xFFFFFFE0];
	v12 =	vmul.f32 v12, v2;
	(xrf1) =	vsort.ascd.msk.u32 $0xffff, v1, v5  }
0xf5: {  	v21 =	vmul.f32 v10, v2;
	vm7 =	vmor vm5, vm0;
	v19 =	vld [tilespmem:s21+$0x10]  }
0xf6: {  	v20 =	vld [tilespmem:s21+$0xFFFFFFF0];
	v11 =	vadd.f32 v11, v12;
	(xrf2) =	vadd.scan.msk.f32 $0xffff, v14  }
0xf7: {  	v22 =	vadd.f32 v15, v21;
	v12 =	vld [tilespmem:s23+$0xFFFFFFE0]  }
0xf8: {  	v15 =	vld [tilespmem:s23+$0x10];
	v10 =	vmov v18  }
0xf9: {  	vm4 =	vmand vm4, vm1;
	vm5 =	vmand vm5, vm1;
	v18 =	vld [tilespmem:s24+$0x0];
	v21, _, _ =	vpop (xrf2);
	(xrf2) =	vadd.scan.msk.f32 $0xffff, v22  }
0xfa: {  	[tilespmem:v4+s18+$0x0] =	vst.idx.add.f32.msk vm6, v21  }
0xfb: {  	v4 =	vld [tilespmem:s24+$0xFFFFFFF0];
	_, v14, _ =	vpop (xrf1)  }
0xfc: {  	v22 =	vld [tilespmem:s23+$0x20];
	vm6 =	vne.s32 v6, v14  }
0xfd: {  	v23 =	vld [tilespmem:s24+$0xFFFFFFE0];
	v24, _, _ =	vpop (xrf2);
	(xrf2) =	vadd.scan.msk.f32 $0xffff, v11  }
0xfe: {  	[tilespmem:v7+s18+$0x0] =	vst.idx.add.f32.msk vm7, v24;
	vm7 =	vmor vm6, vm0  }
0xff: {  	v11 =	vld [tilespmem:s23+$0x0]  }
0x100: {  	v25 =	vld [tilespmem:s24+$0x10];
	(xrf1) =	vsort.ascd.msk.u32 $0xffff, v1, v4;
	v26, _, _ =	vpop (xrf2)  }
0x101: {  	vm6 =	vmand vm6, vm1;
	v15 =	vld.idx.msk [tilespmem:v15+s12+$0x0], $0xffff;
	(xrf1) =	vsort.ascd.msk.u32 $0xffff, v1, v18  }
0x102: {  	v27 =	vld [tilespmem:s24+$0x20];
	(xrf1) =	vsort.ascd.msk.u32 $0xffff, v1, v23;
	_, v28, _ =	vpop (xrf1);
	v7 =	vmov v23  }
0x103: {  	[tilespmem:v17+s4+$0x0] =	vst.idx.add.f32.msk vm5, v24;
	vm5 =	vne.s32 v5, v28;
	v17, _, _ =	vpop (xrf2)  }
0x104: {  	vm8 =	vmor vm5, vm0;
	[tilespmem:v6+s18+$0x0] =	vst.idx.add.f32.msk vm7, v17  }
0x105: {  	v20 =	vmul.f32 v20, v2;
	vm5 =	vmand vm5, vm1;
	v16 =	vld.idx.msk [tilespmem:v16+s12+$0x0], $0xffff  }
0x106: {  	v12 =	vld.idx.msk [tilespmem:v12+s12+$0x0], $0xffff  }
0x107: {  	[tilespmem:v9+s4+$0x0] =	vst.idx.add.f32.msk vm4, v21;
	v9, _, _ =	vpop (xrf2);
	v6 =	vmov v27  }
0x108: {  	[tilespmem:v14+s4+$0x0] =	vst.idx.add.f32.msk vm6, v17  }
0x109: {  	[tilespmem:v3+s18+$0x0] =	vst.idx.add.f32.msk vm3, v9;
	v3 =	vmov v18  }
0x10a: {  	v13 =	vmul.f32 v13, v2;
	[tilespmem:v5+s18+$0x0] =	vst.idx.add.f32.msk vm8, v26;
	v5 =	vmov v25  }
.Ltmp1:
0x10b: {  	v14 =	vadd.f32 v16, v20;
	(xrf1) =	vsort.ascd.msk.u32 $0xffff, v1, v6;
	[tilespmem:v8+s4+$0x0] =	vst.idx.add.f32.msk vm2, v9;
	(pc) =	sbr.rel @p0 .LBB2_4-.Ltmp1, $4  }
0x10c: {  	v13 =	vadd.f32 v12, v13;
	[tilespmem:v28+s4+$0x0] =	vst.idx.add.f32.msk vm5, v26  }
0x10d: {  	v16 =	vmul.f32 v19, v2;
	v12 =	vld [tilespmem:s21+$0x0];
	(xrf2) =	vadd.scan.msk.f32 $0xffff, v14  }
0x10e: {  	v11 =	vld.idx.msk [tilespmem:v11+s12+$0x0], $0xffff;
	_, v9, _ =	vpop (xrf1)  }
0x10f: {  	s23 =	sadd.s32 $0x50, s23;
	s24 =	sadd.s32 $0x50, s24;
	v14 =	vadd.f32 v15, v16;
	vm4 =	vne.s32 v4, v9;
	v15 =	vld.idx.msk [tilespmem:v22+s12+$0x0], $0xffff;
	_, v8, _ =	vpop (xrf1)  }
0x110: {  	_ = 	snop  }
0x111: {  	(xrf1) =	vsort.ascd.msk.u32 $0xffff, v1, v5  }
0x112: {  	v10 =	vmul.f32 v10, v2;
	_ =	sdelay $0x1  }
0x113: {  	v10 =	vadd.f32 v15, v10;
	_ =	sdelay $0x1  }
0x114: {  	(xrf2) =	vadd.scan.msk.f32 $0xffff, v13;
	v12 =	vmul.f32 v12, v2  }
0x115: {  	(xrf2) =	vadd.scan.msk.f32 $0xffff, v14  }
0x116: {  	(xrf2) =	vadd.scan.msk.f32 $0xffff, v10  }
0x117: {  	v11 =	vadd.f32 v11, v12;
	_, v10, _ =	vpop (xrf1)  }
0x118: {  	vm3 =	vmor vm4, vm0;
	vm2 =	vne.s32 v7, v10  }
0x119: {  	(xrf2) =	vadd.scan.msk.f32 $0xffff, v11;
	_, v12, _ =	vpop (xrf1);
	vm5 =	vmor vm2, vm0  }
0x11a: {  	vm2 =	vmand vm2, vm1;
	vm6 =	vne.s32 v6, v12  }
0x11b: {  	vm7 =	vmor vm6, vm0  }
0x11c: {  	vm4 =	vmand vm4, vm1;
	v11, _, _ =	vpop (xrf2)  }
0x11d: {  	vm8 =	vne.s32 v3, v8;
	vm6 =	vmand vm6, vm1;
	_, v13, _ =	vpop (xrf1)  }
0x11e: {  	[tilespmem:v4+s18+$0x0] =	vst.idx.add.f32.msk vm3, v11;
	vm3 =	vmor vm8, vm0;
	v14, _, _ =	vpop (xrf2);
	vm9 =	vne.s32 v5, v13  }
0x11f: {  	v4, _, _ =	vpop (xrf2);
	[tilespmem:v7+s18+$0x0] =	vst.idx.add.f32.msk vm5, v14;
	vm5 =	vmor vm9, vm0  }
0x120: {  	v7, _, _ =	vpop (xrf2);
	[tilespmem:v10+s4+$0x0] =	vst.idx.add.f32.msk vm2, v14;
	vm2 =	vmand vm8, vm1  }
0x121: {  	[tilespmem:v6+s18+$0x0] =	vst.idx.add.f32.msk vm7, v7;
	vm7 =	vmand vm9, vm1  }
0x122: {  	[tilespmem:v9+s4+$0x0] =	vst.idx.add.f32.msk vm4, v11  }
0x123: {  	v6, _, _ =	vpop (xrf2);
	[tilespmem:v12+s4+$0x0] =	vst.idx.add.f32.msk vm6, v7  }
0x124: {  	[tilespmem:v3+s18+$0x0] =	vst.idx.add.f32.msk vm3, v6  }
0x125: {  	[tilespmem:v5+s18+$0x0] =	vst.idx.add.f32.msk vm5, v4  }
0x126: {  	[tilespmem:v8+s4+$0x0] =	vst.idx.add.f32.msk vm2, v6  }
0x127: {  	[tilespmem:v13+s4+$0x0] =	vst.idx.add.f32.msk vm7, v4  }
0x128: {  	_ =	swait.ge [sflag:s14], $0x2710  }
0x129: {  	[sflag:s14] =	ssyncset.done $0x0  }
0x12a: {  	[sflag:s14] =	ssyncadd.s32 $0xFFFFD8F0  }
0x12b: {  	_ =	swait.ge [sflag:s14], $0x2710  }
0x12c: {  	[sflag:s14] =	ssyncset.done $0x0  }
0x12d: {  	[sflag:s14] =	ssyncadd.s32 $0xFFFFD8F0  }
0x12e: {  	_ =	swait.ge [sflag:s14], $0x2710  }
0x12f: {  	[sflag:s14] =	ssyncset.done $0x0  }
0x130: {  	s21 =	rddreg [dreg:$0x11];
	[sflag:s14] =	ssyncadd.s32 $0xFFFFD8F0  }
0x131: {  	[tilespmem:s15], [sflag:$0x1] =	stream.linear.gather [hbm4b:s21+s4], $0x2710, $0x38;
	[tilespmem:$0xF680] =	vst v63  }
0x132: {  	s23 =	rddreg [dreg:$0x12]  }
0x133: {  	[tilespmem:s16], [sflag:$0x1] =	stream.linear.gather [hbm4b:s23+s4], $0x2710, $0x38;
	[tilespmem:$0xF680] =	vst v63  }
0x134: {  	s22 =	simm.s32 $0x4A0;
	s24 =	rddreg [dreg:$0x13]  }
0x135: {  	[tilespmem:s17], [sflag:$0x1] =	stream.linear.gather [hbm4b:s24+s4], $0x2710, $0x38;
	[tilespmem:$0xF680] =	vst v63  }
0x136: {  	v4 =	vld [tilespmem:s22+$0xFFFFFFF0]  }
0x137: {  	v3 =	vld [tilespmem:s22+$0x0]  }
0x138: {  	s23 =	simm.s32 $0xA7A0;
	v7 =	vld [tilespmem:s22+$0xFFFFFFE0]  }
0x139: {  	v5 =	vld [tilespmem:s23+$0xFFFFFFF0]  }
0x13a: {  	s21 =	simm.s32 $0x53A0  }
0x13b: {  	v8 =	vld [tilespmem:s21+$0xFFFFFFE0];
	(xrf1) =	vsort.ascd.msk.u32 $0xffff, v1, v4  }
0x13c: {  	v11 =	vld [tilespmem:s23+$0x10];
	(xrf1) =	vsort.ascd.msk.u32 $0xffff, v1, v3  }
0x13d: {  	v10 =	vld [tilespmem:s23+$0xFFFFFFE0];
	(xrf1) =	vsort.ascd.msk.u32 $0xffff, v1, v7  }
0x13e: {  	v12 =	vld [tilespmem:s21+$0xFFFFFFF0]  }
0x13f: {  	v15 =	vld [tilespmem:s23+$0x20]  }
0x140: {  	v6 =	vld [tilespmem:s22+$0x20]  }
0x141: {  	v13 =	vld.idx.msk [tilespmem:v5+s12+$0x0], $0xffff  }
0x142: {  	v14 =	vld [tilespmem:s23+$0x0]  }
0x143: {  	v9 =	vld [tilespmem:s21+$0x10]  }
0x144: {  	v17 =	vld.idx.msk [tilespmem:v11+s12+$0x0], $0xffff;
	v11 =	vmul.f32 v12, v2  }
0x145: {  	v8 =	vmul.f32 v8, v2;
	v16 =	vld.idx.msk [tilespmem:v10+s12+$0x0], $0xffff  }
0x146: {  	v10 =	vld [tilespmem:s21+$0x20];
	(xrf1) =	vsort.ascd.msk.u32 $0xffff, v1, v6;
	v18 =	vadd.f32 v13, v11  }
0x147: {  	v5 =	vld [tilespmem:s22+$0x10]  }
0x148: {  	v19 =	vmul.f32 v9, v2;
	v12 =	vld [tilespmem:s21+$0x0];
	(xrf2) =	vadd.scan.msk.f32 $0xffff, v18  }
0x149: {  	v15 =	vld.idx.msk [tilespmem:v15+s12+$0x0], $0xffff;
	_, v9, _ =	vpop (xrf1)  }
0x14a: {  	s24 =	simm.s32 $0x4F0;
	s23 =	simm.s32 $0xA7F0;
	s22 =	simm.s32 $0x0;
	v13 =	vadd.f32 v16, v8;
	v11 =	vld.idx.msk [tilespmem:v14+s12+$0x0], $0xffff;
	v14 =	vadd.f32 v17, v19;
	vm4 =	vne.s32 v4, v9;
	_, v8, _ =	vpop (xrf1)  }
.LBB2_6:
0x14b: {  	v16 =	vld [tilespmem:s23+$0xFFFFFFF0];
	s22 =	sadd.s32 $0x5, s22;
	vm2 =	vne.s32 v3, v8;
	s21 =	sadd.s32 $0x50, s21;
	_, v17, _ =	vpop (xrf1)  }
0x14c: {  	vm6 =	vmor vm4, vm0;
	v18 =	vld [tilespmem:s21+$0x20];
	p0 =	slt.u32 s22, $0x26C;
	vm5 =	vne.s32 v7, v17;
	vm3 =	vmor vm2, vm0;
	(xrf2) =	vadd.scan.msk.f32 $0xffff, v13  }
0x14d: {  	vm2 =	vmand vm2, vm1;
	v13 =	vld [tilespmem:s21+$0xFFFFFFE0];
	v12 =	vmul.f32 v12, v2;
	(xrf1) =	vsort.ascd.msk.u32 $0xffff, v1, v5  }
0x14e: {  	v21 =	vmul.f32 v10, v2;
	vm7 =	vmor vm5, vm0;
	v19 =	vld [tilespmem:s21+$0x10]  }
0x14f: {  	v20 =	vld [tilespmem:s21+$0xFFFFFFF0];
	v11 =	vadd.f32 v11, v12;
	(xrf2) =	vadd.scan.msk.f32 $0xffff, v14  }
0x150: {  	v22 =	vadd.f32 v15, v21;
	v12 =	vld [tilespmem:s23+$0xFFFFFFE0]  }
0x151: {  	v15 =	vld [tilespmem:s23+$0x10];
	v10 =	vmov v18  }
0x152: {  	vm4 =	vmand vm4, vm1;
	vm5 =	vmand vm5, vm1;
	v18 =	vld [tilespmem:s24+$0x0];
	v21, _, _ =	vpop (xrf2);
	(xrf2) =	vadd.scan.msk.f32 $0xffff, v22  }
0x153: {  	[tilespmem:v4+s18+$0x0] =	vst.idx.add.f32.msk vm6, v21  }
0x154: {  	v4 =	vld [tilespmem:s24+$0xFFFFFFF0];
	_, v14, _ =	vpop (xrf1)  }
0x155: {  	v22 =	vld [tilespmem:s23+$0x20];
	vm6 =	vne.s32 v6, v14  }
0x156: {  	v23 =	vld [tilespmem:s24+$0xFFFFFFE0];
	v24, _, _ =	vpop (xrf2);
	(xrf2) =	vadd.scan.msk.f32 $0xffff, v11  }
0x157: {  	[tilespmem:v7+s18+$0x0] =	vst.idx.add.f32.msk vm7, v24;
	vm7 =	vmor vm6, vm0  }
0x158: {  	v11 =	vld [tilespmem:s23+$0x0]  }
0x159: {  	v25 =	vld [tilespmem:s24+$0x10];
	(xrf1) =	vsort.ascd.msk.u32 $0xffff, v1, v4;
	v26, _, _ =	vpop (xrf2)  }
0x15a: {  	vm6 =	vmand vm6, vm1;
	v15 =	vld.idx.msk [tilespmem:v15+s12+$0x0], $0xffff;
	(xrf1) =	vsort.ascd.msk.u32 $0xffff, v1, v18  }
0x15b: {  	v27 =	vld [tilespmem:s24+$0x20];
	(xrf1) =	vsort.ascd.msk.u32 $0xffff, v1, v23;
	_, v28, _ =	vpop (xrf1);
	v7 =	vmov v23  }
0x15c: {  	[tilespmem:v17+s4+$0x0] =	vst.idx.add.f32.msk vm5, v24;
	vm5 =	vne.s32 v5, v28;
	v17, _, _ =	vpop (xrf2)  }
0x15d: {  	vm8 =	vmor vm5, vm0;
	[tilespmem:v6+s18+$0x0] =	vst.idx.add.f32.msk vm7, v17  }
0x15e: {  	v20 =	vmul.f32 v20, v2;
	vm5 =	vmand vm5, vm1;
	v16 =	vld.idx.msk [tilespmem:v16+s12+$0x0], $0xffff  }
0x15f: {  	v12 =	vld.idx.msk [tilespmem:v12+s12+$0x0], $0xffff  }
0x160: {  	[tilespmem:v9+s4+$0x0] =	vst.idx.add.f32.msk vm4, v21;
	v9, _, _ =	vpop (xrf2);
	v6 =	vmov v27  }
0x161: {  	[tilespmem:v14+s4+$0x0] =	vst.idx.add.f32.msk vm6, v17  }
0x162: {  	[tilespmem:v3+s18+$0x0] =	vst.idx.add.f32.msk vm3, v9;
	v3 =	vmov v18  }
0x163: {  	v13 =	vmul.f32 v13, v2;
	[tilespmem:v5+s18+$0x0] =	vst.idx.add.f32.msk vm8, v26;
	v5 =	vmov v25  }
.Ltmp2:
0x164: {  	v14 =	vadd.f32 v16, v20;
	(xrf1) =	vsort.ascd.msk.u32 $0xffff, v1, v6;
	[tilespmem:v8+s4+$0x0] =	vst.idx.add.f32.msk vm2, v9;
	(pc) =	sbr.rel @p0 .LBB2_6-.Ltmp2, $4  }
0x165: {  	v13 =	vadd.f32 v12, v13;
	[tilespmem:v28+s4+$0x0] =	vst.idx.add.f32.msk vm5, v26  }
0x166: {  	v16 =	vmul.f32 v19, v2;
	v12 =	vld [tilespmem:s21+$0x0];
	(xrf2) =	vadd.scan.msk.f32 $0xffff, v14  }
0x167: {  	v11 =	vld.idx.msk [tilespmem:v11+s12+$0x0], $0xffff;
	_, v9, _ =	vpop (xrf1)  }
0x168: {  	s23 =	sadd.s32 $0x50, s23;
	s24 =	sadd.s32 $0x50, s24;
	v14 =	vadd.f32 v15, v16;
	vm4 =	vne.s32 v4, v9;
	v15 =	vld.idx.msk [tilespmem:v22+s12+$0x0], $0xffff;
	_, v8, _ =	vpop (xrf1)  }
0x169: {  	_ = 	snop  }
0x16a: {  	(xrf1) =	vsort.ascd.msk.u32 $0xffff, v1, v5  }
0x16b: {  	v10 =	vmul.f32 v10, v2;
	_ =	sdelay $0x1  }
0x16c: {  	v10 =	vadd.f32 v15, v10;
	_ =	sdelay $0x1  }
0x16d: {  	(xrf2) =	vadd.scan.msk.f32 $0xffff, v13;
	v12 =	vmul.f32 v12, v2  }
0x16e: {  	(xrf2) =	vadd.scan.msk.f32 $0xffff, v14  }
0x16f: {  	(xrf2) =	vadd.scan.msk.f32 $0xffff, v10  }
0x170: {  	v11 =	vadd.f32 v11, v12;
	_, v10, _ =	vpop (xrf1)  }
0x171: {  	vm3 =	vmor vm4, vm0;
	vm2 =	vne.s32 v7, v10  }
0x172: {  	(xrf2) =	vadd.scan.msk.f32 $0xffff, v11;
	_, v12, _ =	vpop (xrf1);
	vm5 =	vmor vm2, vm0  }
0x173: {  	vm2 =	vmand vm2, vm1;
	vm6 =	vne.s32 v6, v12  }
0x174: {  	vm7 =	vmor vm6, vm0  }
0x175: {  	vm4 =	vmand vm4, vm1;
	v11, _, _ =	vpop (xrf2)  }
0x176: {  	vm8 =	vne.s32 v3, v8;
	vm6 =	vmand vm6, vm1;
	_, v13, _ =	vpop (xrf1)  }
0x177: {  	[tilespmem:v4+s18+$0x0] =	vst.idx.add.f32.msk vm3, v11;
	vm3 =	vmor vm8, vm0;
	v14, _, _ =	vpop (xrf2);
	vm9 =	vne.s32 v5, v13  }
0x178: {  	v4, _, _ =	vpop (xrf2);
	[tilespmem:v7+s18+$0x0] =	vst.idx.add.f32.msk vm5, v14;
	vm5 =	vmor vm9, vm0  }
0x179: {  	v7, _, _ =	vpop (xrf2);
	[tilespmem:v10+s4+$0x0] =	vst.idx.add.f32.msk vm2, v14;
	vm2 =	vmand vm8, vm1  }
0x17a: {  	[tilespmem:v6+s18+$0x0] =	vst.idx.add.f32.msk vm7, v7;
	vm7 =	vmand vm9, vm1  }
0x17b: {  	[tilespmem:v9+s4+$0x0] =	vst.idx.add.f32.msk vm4, v11  }
0x17c: {  	v6, _, _ =	vpop (xrf2);
	[tilespmem:v12+s4+$0x0] =	vst.idx.add.f32.msk vm6, v7  }
0x17d: {  	[tilespmem:v3+s18+$0x0] =	vst.idx.add.f32.msk vm3, v6  }
0x17e: {  	[tilespmem:v5+s18+$0x0] =	vst.idx.add.f32.msk vm5, v4  }
0x17f: {  	[tilespmem:v8+s4+$0x0] =	vst.idx.add.f32.msk vm2, v6  }
0x180: {  	[tilespmem:v13+s4+$0x0] =	vst.idx.add.f32.msk vm7, v4  }
0x181: {  	_ =	swait.ge [sflag:s14], $0x2710  }
0x182: {  	[sflag:s14] =	ssyncset.done $0x0  }
0x183: {  	[sflag:s14] =	ssyncadd.s32 $0xFFFFD8F0  }
0x184: {  	_ =	swait.ge [sflag:s14], $0x2710  }
0x185: {  	[sflag:s14] =	ssyncset.done $0x0  }
0x186: {  	[sflag:s14] =	ssyncadd.s32 $0xFFFFD8F0  }
0x187: {  	_ =	swait.ge [sflag:s14], $0x2710  }
0x188: {  	[sflag:s14] =	ssyncset.done $0x0  }
0x189: {  	s21 =	rddreg [dreg:$0x14];
	[sflag:s14] =	ssyncadd.s32 $0xFFFFD8F0  }
0x18a: {  	[tilespmem:s9], [sflag:$0x1] =	stream.linear.gather [hbm4b:s21+s4], $0x2710, $0x38;
	[tilespmem:$0xF680] =	vst v63  }
0x18b: {  	s23 =	rddreg [dreg:$0x15]  }
0x18c: {  	[tilespmem:s10], [sflag:$0x1] =	stream.linear.gather [hbm4b:s23+s4], $0x2710, $0x38;
	[tilespmem:$0xF680] =	vst v63  }
0x18d: {  	s22 =	simm.s32 $0x2C20;
	s24 =	rddreg [dreg:$0x16]  }
0x18e: {  	[tilespmem:s11], [sflag:$0x1] =	stream.linear.gather [hbm4b:s24+s4], $0x2710, $0x38;
	[tilespmem:$0xF680] =	vst v63  }
0x18f: {  	v4 =	vld [tilespmem:s22+$0xFFFFFFF0]  }
0x190: {  	v3 =	vld [tilespmem:s22+$0x0]  }
0x191: {  	s23 =	simm.s32 $0xCF20;
	v7 =	vld [tilespmem:s22+$0xFFFFFFE0]  }
0x192: {  	v5 =	vld [tilespmem:s23+$0xFFFFFFF0]  }
0x193: {  	s21 =	simm.s32 $0x7B20  }
0x194: {  	v8 =	vld [tilespmem:s21+$0xFFFFFFE0];
	(xrf1) =	vsort.ascd.msk.u32 $0xffff, v1, v4  }
0x195: {  	v11 =	vld [tilespmem:s23+$0x10];
	(xrf1) =	vsort.ascd.msk.u32 $0xffff, v1, v3  }
0x196: {  	v10 =	vld [tilespmem:s23+$0xFFFFFFE0];
	(xrf1) =	vsort.ascd.msk.u32 $0xffff, v1, v7  }
0x197: {  	v12 =	vld [tilespmem:s21+$0xFFFFFFF0]  }
0x198: {  	v15 =	vld [tilespmem:s23+$0x20]  }
0x199: {  	v6 =	vld [tilespmem:s22+$0x20]  }
0x19a: {  	v13 =	vld.idx.msk [tilespmem:v5+s12+$0x0], $0xffff  }
0x19b: {  	v14 =	vld [tilespmem:s23+$0x0]  }
0x19c: {  	v9 =	vld [tilespmem:s21+$0x10]  }
0x19d: {  	v17 =	vld.idx.msk [tilespmem:v11+s12+$0x0], $0xffff;
	v11 =	vmul.f32 v12, v2  }
0x19e: {  	v8 =	vmul.f32 v8, v2;
	v16 =	vld.idx.msk [tilespmem:v10+s12+$0x0], $0xffff  }
0x19f: {  	v10 =	vld [tilespmem:s21+$0x20];
	(xrf1) =	vsort.ascd.msk.u32 $0xffff, v1, v6;
	v18 =	vadd.f32 v13, v11  }
0x1a0: {  	v5 =	vld [tilespmem:s22+$0x10]  }
0x1a1: {  	v19 =	vmul.f32 v9, v2;
	v12 =	vld [tilespmem:s21+$0x0];
	(xrf2) =	vadd.scan.msk.f32 $0xffff, v18  }
0x1a2: {  	v15 =	vld.idx.msk [tilespmem:v15+s12+$0x0], $0xffff;
	_, v9, _ =	vpop (xrf1)  }
0x1a3: {  	s24 =	simm.s32 $0x2C70;
	s23 =	simm.s32 $0xCF70;
	s22 =	simm.s32 $0x0;
	v13 =	vadd.f32 v16, v8;
	v11 =	vld.idx.msk [tilespmem:v14+s12+$0x0], $0xffff;
	v14 =	vadd.f32 v17, v19;
	vm4 =	vne.s32 v4, v9;
	_, v8, _ =	vpop (xrf1)  }
.LBB2_8:
0x1a4: {  	v16 =	vld [tilespmem:s23+$0xFFFFFFF0];
	s22 =	sadd.s32 $0x5, s22;
	vm2 =	vne.s32 v3, v8;
	s21 =	sadd.s32 $0x50, s21;
	_, v17, _ =	vpop (xrf1)  }
0x1a5: {  	vm6 =	vmor vm4, vm0;
	v18 =	vld [tilespmem:s21+$0x20];
	p0 =	slt.u32 s22, $0x26C;
	vm5 =	vne.s32 v7, v17;
	vm3 =	vmor vm2, vm0;
	(xrf2) =	vadd.scan.msk.f32 $0xffff, v13  }
0x1a6: {  	vm2 =	vmand vm2, vm1;
	v13 =	vld [tilespmem:s21+$0xFFFFFFE0];
	v12 =	vmul.f32 v12, v2;
	(xrf1) =	vsort.ascd.msk.u32 $0xffff, v1, v5  }
0x1a7: {  	v21 =	vmul.f32 v10, v2;
	vm7 =	vmor vm5, vm0;
	v19 =	vld [tilespmem:s21+$0x10]  }
0x1a8: {  	v20 =	vld [tilespmem:s21+$0xFFFFFFF0];
	v11 =	vadd.f32 v11, v12;
	(xrf2) =	vadd.scan.msk.f32 $0xffff, v14  }
0x1a9: {  	v22 =	vadd.f32 v15, v21;
	v12 =	vld [tilespmem:s23+$0xFFFFFFE0]  }
0x1aa: {  	v15 =	vld [tilespmem:s23+$0x10];
	v10 =	vmov v18  }
0x1ab: {  	vm4 =	vmand vm4, vm1;
	vm5 =	vmand vm5, vm1;
	v18 =	vld [tilespmem:s24+$0x0];
	v21, _, _ =	vpop (xrf2);
	(xrf2) =	vadd.scan.msk.f32 $0xffff, v22  }
0x1ac: {  	[tilespmem:v4+s18+$0x0] =	vst.idx.add.f32.msk vm6, v21  }
0x1ad: {  	v4 =	vld [tilespmem:s24+$0xFFFFFFF0];
	_, v14, _ =	vpop (xrf1)  }
0x1ae: {  	v22 =	vld [tilespmem:s23+$0x20];
	vm6 =	vne.s32 v6, v14  }
0x1af: {  	v23 =	vld [tilespmem:s24+$0xFFFFFFE0];
	v24, _, _ =	vpop (xrf2);
	(xrf2) =	vadd.scan.msk.f32 $0xffff, v11  }
0x1b0: {  	[tilespmem:v7+s18+$0x0] =	vst.idx.add.f32.msk vm7, v24;
	vm7 =	vmor vm6, vm0  }
0x1b1: {  	v11 =	vld [tilespmem:s23+$0x0]  }
0x1b2: {  	v25 =	vld [tilespmem:s24+$0x10];
	(xrf1) =	vsort.ascd.msk.u32 $0xffff, v1, v4;
	v26, _, _ =	vpop (xrf2)  }
0x1b3: {  	vm6 =	vmand vm6, vm1;
	v15 =	vld.idx.msk [tilespmem:v15+s12+$0x0], $0xffff;
	(xrf1) =	vsort.ascd.msk.u32 $0xffff, v1, v18  }
0x1b4: {  	v27 =	vld [tilespmem:s24+$0x20];
	(xrf1) =	vsort.ascd.msk.u32 $0xffff, v1, v23;
	_, v28, _ =	vpop (xrf1);
	v7 =	vmov v23  }
0x1b5: {  	[tilespmem:v17+s4+$0x0] =	vst.idx.add.f32.msk vm5, v24;
	vm5 =	vne.s32 v5, v28;
	v17, _, _ =	vpop (xrf2)  }
0x1b6: {  	vm8 =	vmor vm5, vm0;
	[tilespmem:v6+s18+$0x0] =	vst.idx.add.f32.msk vm7, v17  }
0x1b7: {  	v20 =	vmul.f32 v20, v2;
	vm5 =	vmand vm5, vm1;
	v16 =	vld.idx.msk [tilespmem:v16+s12+$0x0], $0xffff  }
0x1b8: {  	v12 =	vld.idx.msk [tilespmem:v12+s12+$0x0], $0xffff  }
0x1b9: {  	[tilespmem:v9+s4+$0x0] =	vst.idx.add.f32.msk vm4, v21;
	v9, _, _ =	vpop (xrf2);
	v6 =	vmov v27  }
0x1ba: {  	[tilespmem:v14+s4+$0x0] =	vst.idx.add.f32.msk vm6, v17  }
0x1bb: {  	[tilespmem:v3+s18+$0x0] =	vst.idx.add.f32.msk vm3, v9;
	v3 =	vmov v18  }
0x1bc: {  	v13 =	vmul.f32 v13, v2;
	[tilespmem:v5+s18+$0x0] =	vst.idx.add.f32.msk vm8, v26;
	v5 =	vmov v25  }
.Ltmp3:
0x1bd: {  	v14 =	vadd.f32 v16, v20;
	(xrf1) =	vsort.ascd.msk.u32 $0xffff, v1, v6;
	[tilespmem:v8+s4+$0x0] =	vst.idx.add.f32.msk vm2, v9;
	(pc) =	sbr.rel @p0 .LBB2_8-.Ltmp3, $4  }
0x1be: {  	v13 =	vadd.f32 v12, v13;
	[tilespmem:v28+s4+$0x0] =	vst.idx.add.f32.msk vm5, v26  }
0x1bf: {  	v16 =	vmul.f32 v19, v2;
	v12 =	vld [tilespmem:s21+$0x0];
	(xrf2) =	vadd.scan.msk.f32 $0xffff, v14  }
0x1c0: {  	v11 =	vld.idx.msk [tilespmem:v11+s12+$0x0], $0xffff;
	_, v9, _ =	vpop (xrf1)  }
0x1c1: {  	s23 =	sadd.s32 $0x50, s23;
	s24 =	sadd.s32 $0x50, s24;
	v14 =	vadd.f32 v15, v16;
	vm4 =	vne.s32 v4, v9;
	v15 =	vld.idx.msk [tilespmem:v22+s12+$0x0], $0xffff;
	_, v8, _ =	vpop (xrf1)  }
0x1c2: {  	_ = 	snop  }
0x1c3: {  	(xrf1) =	vsort.ascd.msk.u32 $0xffff, v1, v5  }
0x1c4: {  	v10 =	vmul.f32 v10, v2;
	_ =	sdelay $0x1  }
0x1c5: {  	v10 =	vadd.f32 v15, v10;
	_ =	sdelay $0x1  }
0x1c6: {  	(xrf2) =	vadd.scan.msk.f32 $0xffff, v13;
	v12 =	vmul.f32 v12, v2  }
0x1c7: {  	(xrf2) =	vadd.scan.msk.f32 $0xffff, v14  }
0x1c8: {  	(xrf2) =	vadd.scan.msk.f32 $0xffff, v10  }
0x1c9: {  	v11 =	vadd.f32 v11, v12;
	_, v10, _ =	vpop (xrf1)  }
0x1ca: {  	vm3 =	vmor vm4, vm0;
	vm2 =	vne.s32 v7, v10  }
0x1cb: {  	(xrf2) =	vadd.scan.msk.f32 $0xffff, v11;
	_, v12, _ =	vpop (xrf1);
	vm5 =	vmor vm2, vm0  }
0x1cc: {  	vm2 =	vmand vm2, vm1;
	vm6 =	vne.s32 v6, v12  }
0x1cd: {  	vm7 =	vmor vm6, vm0  }
0x1ce: {  	vm4 =	vmand vm4, vm1;
	v11, _, _ =	vpop (xrf2)  }
0x1cf: {  	vm8 =	vne.s32 v3, v8;
	vm6 =	vmand vm6, vm1;
	_, v13, _ =	vpop (xrf1)  }
0x1d0: {  	[tilespmem:v4+s18+$0x0] =	vst.idx.add.f32.msk vm3, v11;
	vm3 =	vmor vm8, vm0;
	v14, _, _ =	vpop (xrf2);
	vm9 =	vne.s32 v5, v13  }
0x1d1: {  	v4, _, _ =	vpop (xrf2);
	[tilespmem:v7+s18+$0x0] =	vst.idx.add.f32.msk vm5, v14;
	vm5 =	vmor vm9, vm0  }
0x1d2: {  	v7, _, _ =	vpop (xrf2);
	[tilespmem:v10+s4+$0x0] =	vst.idx.add.f32.msk vm2, v14;
	vm2 =	vmand vm8, vm1  }
0x1d3: {  	[tilespmem:v6+s18+$0x0] =	vst.idx.add.f32.msk vm7, v7;
	vm7 =	vmand vm9, vm1  }
0x1d4: {  	[tilespmem:v9+s4+$0x0] =	vst.idx.add.f32.msk vm4, v11  }
0x1d5: {  	v6, _, _ =	vpop (xrf2);
	[tilespmem:v12+s4+$0x0] =	vst.idx.add.f32.msk vm6, v7  }
0x1d6: {  	[tilespmem:v3+s18+$0x0] =	vst.idx.add.f32.msk vm3, v6  }
0x1d7: {  	[tilespmem:v5+s18+$0x0] =	vst.idx.add.f32.msk vm5, v4  }
0x1d8: {  	[tilespmem:v8+s4+$0x0] =	vst.idx.add.f32.msk vm2, v6  }
0x1d9: {  	[tilespmem:v13+s4+$0x0] =	vst.idx.add.f32.msk vm7, v4  }
0x1da: {  	_ =	swait.ge [sflag:s14], $0x2710  }
0x1db: {  	[sflag:s14] =	ssyncset.done $0x0  }
0x1dc: {  	[sflag:s14] =	ssyncadd.s32 $0xFFFFD8F0  }
0x1dd: {  	_ =	swait.ge [sflag:s14], $0x2710  }
0x1de: {  	[sflag:s14] =	ssyncset.done $0x0  }
0x1df: {  	[sflag:s14] =	ssyncadd.s32 $0xFFFFD8F0  }
0x1e0: {  	_ =	swait.ge [sflag:s14], $0x2710  }
0x1e1: {  	[sflag:s14] =	ssyncset.done $0x0  }
0x1e2: {  	s22 =	simm.s32 $0x4A0;
	[sflag:s14] =	ssyncadd.s32 $0xFFFFD8F0  }
0x1e3: {  	v4 =	vld [tilespmem:s22+$0xFFFFFFF0]  }
0x1e4: {  	v3 =	vld [tilespmem:s22+$0x0]  }
0x1e5: {  	s23 =	simm.s32 $0xA7A0;
	v7 =	vld [tilespmem:s22+$0xFFFFFFE0]  }
0x1e6: {  	v5 =	vld [tilespmem:s23+$0xFFFFFFF0]  }
0x1e7: {  	s21 =	simm.s32 $0x53A0  }
0x1e8: {  	v8 =	vld [tilespmem:s21+$0xFFFFFFE0];
	(xrf1) =	vsort.ascd.msk.u32 $0xffff, v1, v4  }
0x1e9: {  	v11 =	vld [tilespmem:s23+$0x10];
	(xrf1) =	vsort.ascd.msk.u32 $0xffff, v1, v3  }
0x1ea: {  	v10 =	vld [tilespmem:s23+$0xFFFFFFE0];
	(xrf1) =	vsort.ascd.msk.u32 $0xffff, v1, v7  }
0x1eb: {  	v12 =	vld [tilespmem:s21+$0xFFFFFFF0]  }
0x1ec: {  	v15 =	vld [tilespmem:s23+$0x20]  }
0x1ed: {  	v6 =	vld [tilespmem:s22+$0x20]  }
0x1ee: {  	v13 =	vld.idx.msk [tilespmem:v5+s12+$0x0], $0xffff  }
0x1ef: {  	v14 =	vld [tilespmem:s23+$0x0]  }
0x1f0: {  	v9 =	vld [tilespmem:s21+$0x10]  }
0x1f1: {  	v17 =	vld.idx.msk [tilespmem:v11+s12+$0x0], $0xffff;
	v11 =	vmul.f32 v12, v2  }
0x1f2: {  	v8 =	vmul.f32 v8, v2;
	v16 =	vld.idx.msk [tilespmem:v10+s12+$0x0], $0xffff  }
0x1f3: {  	v10 =	vld [tilespmem:s21+$0x20];
	(xrf1) =	vsort.ascd.msk.u32 $0xffff, v1, v6;
	v18 =	vadd.f32 v13, v11  }
0x1f4: {  	v5 =	vld [tilespmem:s22+$0x10]  }
0x1f5: {  	v19 =	vmul.f32 v9, v2;
	v12 =	vld [tilespmem:s21+$0x0];
	(xrf2) =	vadd.scan.msk.f32 $0xffff, v18  }
0x1f6: {  	v15 =	vld.idx.msk [tilespmem:v15+s12+$0x0], $0xffff;
	_, v9, _ =	vpop (xrf1)  }
0x1f7: {  	s24 =	simm.s32 $0x4F0;
	s23 =	simm.s32 $0xA7F0;
	s22 =	simm.s32 $0x0;
	v13 =	vadd.f32 v16, v8;
	v11 =	vld.idx.msk [tilespmem:v14+s12+$0x0], $0xffff;
	v14 =	vadd.f32 v17, v19;
	vm4 =	vne.s32 v4, v9;
	_, v8, _ =	vpop (xrf1)  }
.LBB2_10:
0x1f8: {  	v16 =	vld [tilespmem:s23+$0xFFFFFFF0];
	s22 =	sadd.s32 $0x5, s22;
	vm2 =	vne.s32 v3, v8;
	s21 =	sadd.s32 $0x50, s21;
	_, v17, _ =	vpop (xrf1)  }
0x1f9: {  	vm6 =	vmor vm4, vm0;
	v18 =	vld [tilespmem:s21+$0x20];
	p0 =	slt.u32 s22, $0x26C;
	vm5 =	vne.s32 v7, v17;
	vm3 =	vmor vm2, vm0;
	(xrf2) =	vadd.scan.msk.f32 $0xffff, v13  }
0x1fa: {  	vm2 =	vmand vm2, vm1;
	v13 =	vld [tilespmem:s21+$0xFFFFFFE0];
	v12 =	vmul.f32 v12, v2;
	(xrf1) =	vsort.ascd.msk.u32 $0xffff, v1, v5  }
0x1fb: {  	v21 =	vmul.f32 v10, v2;
	vm7 =	vmor vm5, vm0;
	v19 =	vld [tilespmem:s21+$0x10]  }
0x1fc: {  	v20 =	vld [tilespmem:s21+$0xFFFFFFF0];
	v11 =	vadd.f32 v11, v12;
	(xrf2) =	vadd.scan.msk.f32 $0xffff, v14  }
0x1fd: {  	v22 =	vadd.f32 v15, v21;
	v12 =	vld [tilespmem:s23+$0xFFFFFFE0]  }
0x1fe: {  	v15 =	vld [tilespmem:s23+$0x10];
	v10 =	vmov v18  }
0x1ff: {  	vm4 =	vmand vm4, vm1;
	vm5 =	vmand vm5, vm1;
	v18 =	vld [tilespmem:s24+$0x0];
	v21, _, _ =	vpop (xrf2);
	(xrf2) =	vadd.scan.msk.f32 $0xffff, v22  }
0x200: {  	[tilespmem:v4+s18+$0x0] =	vst.idx.add.f32.msk vm6, v21  }
0x201: {  	v4 =	vld [tilespmem:s24+$0xFFFFFFF0];
	_, v14, _ =	vpop (xrf1)  }
0x202: {  	v22 =	vld [tilespmem:s23+$0x20];
	vm6 =	vne.s32 v6, v14  }
0x203: {  	v23 =	vld [tilespmem:s24+$0xFFFFFFE0];
	v24, _, _ =	vpop (xrf2);
	(xrf2) =	vadd.scan.msk.f32 $0xffff, v11  }
0x204: {  	[tilespmem:v7+s18+$0x0] =	vst.idx.add.f32.msk vm7, v24;
	vm7 =	vmor vm6, vm0  }
0x205: {  	v11 =	vld [tilespmem:s23+$0x0]  }
0x206: {  	v25 =	vld [tilespmem:s24+$0x10];
	(xrf1) =	vsort.ascd.msk.u32 $0xffff, v1, v4;
	v26, _, _ =	vpop (xrf2)  }
0x207: {  	vm6 =	vmand vm6, vm1;
	v15 =	vld.idx.msk [tilespmem:v15+s12+$0x0], $0xffff;
	(xrf1) =	vsort.ascd.msk.u32 $0xffff, v1, v18  }
0x208: {  	v27 =	vld [tilespmem:s24+$0x20];
	(xrf1) =	vsort.ascd.msk.u32 $0xffff, v1, v23;
	_, v28, _ =	vpop (xrf1);
	v7 =	vmov v23  }
0x209: {  	[tilespmem:v17+s4+$0x0] =	vst.idx.add.f32.msk vm5, v24;
	vm5 =	vne.s32 v5, v28;
	v17, _, _ =	vpop (xrf2)  }
0x20a: {  	vm8 =	vmor vm5, vm0;
	[tilespmem:v6+s18+$0x0] =	vst.idx.add.f32.msk vm7, v17  }
0x20b: {  	v20 =	vmul.f32 v20, v2;
	vm5 =	vmand vm5, vm1;
	v16 =	vld.idx.msk [tilespmem:v16+s12+$0x0], $0xffff  }
0x20c: {  	v12 =	vld.idx.msk [tilespmem:v12+s12+$0x0], $0xffff  }
0x20d: {  	[tilespmem:v9+s4+$0x0] =	vst.idx.add.f32.msk vm4, v21;
	v9, _, _ =	vpop (xrf2);
	v6 =	vmov v27  }
0x20e: {  	[tilespmem:v14+s4+$0x0] =	vst.idx.add.f32.msk vm6, v17  }
0x20f: {  	[tilespmem:v3+s18+$0x0] =	vst.idx.add.f32.msk vm3, v9;
	v3 =	vmov v18  }
0x210: {  	v13 =	vmul.f32 v13, v2;
	[tilespmem:v5+s18+$0x0] =	vst.idx.add.f32.msk vm8, v26;
	v5 =	vmov v25  }
.Ltmp4:
0x211: {  	v14 =	vadd.f32 v16, v20;
	(xrf1) =	vsort.ascd.msk.u32 $0xffff, v1, v6;
	[tilespmem:v8+s4+$0x0] =	vst.idx.add.f32.msk vm2, v9;
	(pc) =	sbr.rel @p0 .LBB2_10-.Ltmp4, $4  }
0x212: {  	v13 =	vadd.f32 v12, v13;
	[tilespmem:v28+s4+$0x0] =	vst.idx.add.f32.msk vm5, v26  }
0x213: {  	v16 =	vmul.f32 v19, v2;
	v12 =	vld [tilespmem:s21+$0x0];
	(xrf2) =	vadd.scan.msk.f32 $0xffff, v14  }
0x214: {  	v11 =	vld.idx.msk [tilespmem:v11+s12+$0x0], $0xffff;
	_, v9, _ =	vpop (xrf1)  }
0x215: {  	s23 =	sadd.s32 $0x50, s23;
	s24 =	sadd.s32 $0x50, s24;
	v14 =	vadd.f32 v15, v16;
	vm4 =	vne.s32 v4, v9;
	v15 =	vld.idx.msk [tilespmem:v22+s12+$0x0], $0xffff;
	_, v8, _ =	vpop (xrf1)  }
0x216: {  	(xrf1) =	vsort.ascd.msk.u32 $0xffff, v1, v5;
	_ =	sdelay $0x2  }
0x217: {  	v10 =	vmul.f32 v10, v2;
	(xrf2) =	vadd.scan.msk.f32 $0xffff, v13;
	_ =	sdelay $0x1  }
0x218: {  	v2 =	vmul.f32 v12, v2;
	v10 =	vadd.f32 v15, v10  }
0x219: {  	_, v57, _ =	vpop (xrf1);
	(xrf2) =	vadd.scan.msk.f32 $0xffff, v14  }
0x21a: {  	vm3 =	vmor vm4, vm0;
	vm2 =	vne.s32 v7, v57;
	v2 =	vadd.f32 v11, v2;
	(xrf2) =	vadd.scan.msk.f32 $0xffff, v10  }
0x21b: {  	vm5 =	vmor vm2, vm0  }
0x21c: {  	vm2 =	vmand vm2, vm1;
	(xrf2) =	vadd.scan.msk.f32 $0xffff, v2  }
0x21d: {  	_, v58, _ =	vpop (xrf1)  }
0x21e: {  	vm14 =	vmand vm4, vm1;
	vm6 =	vne.s32 v6, v58  }
0x21f: {  	v2, _, _ =	vpop (xrf2);
	vm7 =	vmor vm6, vm0  }
0x220: {  	vm8 =	vne.s32 v3, v8;
	[tilespmem:v4+s18+$0x0] =	vst.idx.add.f32.msk vm3, v2;
	v13, _, _ =	vpop (xrf2);
	vm6 =	vmand vm6, vm1  }
0x221: {  	vm9 =	vmor vm8, vm0;
	[tilespmem:v7+s18+$0x0] =	vst.idx.add.f32.msk vm5, v13;
	_, v59, _ =	vpop (xrf1)  }
0x222: {  	[tilespmem:v57+s4+$0x0] =	vst.idx.add.f32.msk vm2, v13;
	vm2 =	vmand vm8, vm1;
	vm3 =	vne.s32 v5, v59  }
0x223: {  	v60, _, _ =	vpop (xrf2);
	vm15 =	vmor vm3, vm0  }
0x224: {  	[tilespmem:v9+s4+$0x0] =	vst.idx.add.f32.msk vm14, v2;
	v61, _, _ =	vpop (xrf2);
	vm3 =	vmand vm3, vm1  }
0x225: {  	[tilespmem:v6+s18+$0x0] =	vst.idx.add.f32.msk vm7, v61  }
0x226: {  	v2, _, _ =	vpop (xrf2);
	[tilespmem:v58+s4+$0x0] =	vst.idx.add.f32.msk vm6, v61  }
0x227: {  	[tilespmem:v3+s18+$0x0] =	vst.idx.add.f32.msk vm9, v2  }
0x228: {  	[tilespmem:v8+s4+$0x0] =	vst.idx.add.f32.msk vm2, v2  }
0x229: {  	[tilespmem:v5+s18+$0x0] =	vst.idx.add.f32.msk vm15, v60  }
0x22a: {  	[tilespmem:v59+s4+$0x0] =	vst.idx.add.f32.msk vm3, v60  }
0x22b: {  	v2 =	vld [tilespmem:$0x200]  }
0x22c: {  	v3 =	vld [tilespmem:$0x0]  }
0x22d: {  	v4 =	vld [tilespmem:$0x210]  }
0x22e: {  	v5 =	vld [tilespmem:$0x10]  }
0x22f: {  	v6 =	vld [tilespmem:$0x220]  }
0x230: {  	v7 =	vld [tilespmem:$0x20]  }
0x231: {  	v8 =	vld [tilespmem:$0x230]  }
0x232: {  	v9 =	vld [tilespmem:$0x30]  }
0x233: {  	v10 =	vld [tilespmem:$0x240]  }
0x234: {  	v11 =	vld [tilespmem:$0x40]  }
0x235: {  	v12 =	vld [tilespmem:$0x250]  }
0x236: {  	v13 =	vld [tilespmem:$0x50]  }
0x237: {  	v62 =	vld [tilespmem:$0x260]  }
0x238: {  	v63 =	vld [tilespmem:$0x60]  }
0x239: {  	v16 =	vld [tilespmem:$0x270]  }
0x23a: {  	v17 =	vld [tilespmem:$0x70]  }
0x23b: {  	v18 =	vld [tilespmem:$0x280]  }
0x23c: {  	v19 =	vld [tilespmem:$0x80]  }
0x23d: {  	v20 =	vld [tilespmem:$0x290]  }
0x23e: {  	v21 =	vld [tilespmem:$0x90]  }
0x23f: {  	v22 =	vld [tilespmem:$0x2A0]  }
0x240: {  	v23 =	vld [tilespmem:$0xA0]  }
0x241: {  	v24 =	vld [tilespmem:$0x2B0]  }
0x242: {  	v25 =	vld [tilespmem:$0xB0]  }
0x243: {  	v26 =	vld [tilespmem:$0x2C0]  }
0x244: {  	v27 =	vld [tilespmem:$0xC0]  }
0x245: {  	v28 =	vld [tilespmem:$0x2D0]  }
0x246: {  	v29 =	vld [tilespmem:$0xD0]  }
0x247: {  	v30 =	vld [tilespmem:$0x2E0]  }
0x248: {  	v31 =	vld [tilespmem:$0xE0]  }
0x249: {  	v32 =	vld [tilespmem:$0x2F0]  }
0x24a: {  	v33 =	vld [tilespmem:$0xF0]  }
0x24b: {  	v34 =	vld [tilespmem:$0x300]  }
0x24c: {  	v35 =	vld [tilespmem:$0x100]  }
0x24d: {  	v36 =	vld [tilespmem:$0x310]  }
0x24e: {  	v37 =	vld [tilespmem:$0x110]  }
0x24f: {  	v38 =	vld [tilespmem:$0x320]  }
0x250: {  	v39 =	vld [tilespmem:$0x330];
	v2 =	vsub.f32 v2, v3  }
0x251: {  	v40 =	vld [tilespmem:$0x130];
	v4 =	vsub.f32 v4, v5  }
0x252: {  	v42 =	vld [tilespmem:$0x340];
	v41 =	vsub.f32 v8, v9;
	[tilespmem:$0x200] =	vst v2  }
0x253: {  	v43 =	vld [tilespmem:$0x140];
	v2 =	vsub.f32 v6, v7;
	[tilespmem:$0x210] =	vst v4  }
0x254: {  	v45 =	vld [tilespmem:$0x350];
	v44 =	vsub.f32 v12, v13;
	[tilespmem:$0x230] =	vst v41  }
0x255: {  	v46 =	vld [tilespmem:$0x150];
	[tilespmem:$0x220] =	vst v2;
	v2 =	vsub.f32 v10, v11  }
0x256: {  	v48 =	vld [tilespmem:$0x360];
	v47 =	vsub.f32 v16, v17;
	[tilespmem:$0x250] =	vst v44  }
0x257: {  	v49 =	vld [tilespmem:$0x160];
	[tilespmem:$0x240] =	vst v2;
	v2 =	vsub.f32 v62, v63  }
0x258: {  	v51 =	vld [tilespmem:$0x370];
	v50 =	vsub.f32 v20, v21;
	[tilespmem:$0x270] =	vst v47  }
0x259: {  	v52 =	vld [tilespmem:$0x170];
	[tilespmem:$0x260] =	vst v2;
	v2 =	vsub.f32 v18, v19  }
0x25a: {  	v54 =	vld [tilespmem:$0x380];
	v53 =	vsub.f32 v24, v25;
	[tilespmem:$0x290] =	vst v50  }
0x25b: {  	v55 =	vld [tilespmem:$0x180];
	[tilespmem:$0x280] =	vst v2;
	v2 =	vsub.f32 v22, v23  }
0x25c: {  	v57 =	vld [tilespmem:$0x390];
	v56 =	vsub.f32 v28, v29;
	[tilespmem:$0x2B0] =	vst v53  }
0x25d: {  	v58 =	vld [tilespmem:$0x190];
	[tilespmem:$0x2A0] =	vst v2;
	v2 =	vsub.f32 v26, v27  }
0x25e: {  	v3 =	vld [tilespmem:$0x120];
	v59 =	vsub.f32 v32, v33;
	[tilespmem:$0x2D0] =	vst v56  }
0x25f: {  	v60 =	vld [tilespmem:$0x3A0];
	[tilespmem:$0x2C0] =	vst v2;
	v2 =	vsub.f32 v30, v31  }
0x260: {  	v61 =	vld [tilespmem:$0x1A0];
	v25 =	vsub.f32 v45, v46;
	[tilespmem:$0x2F0] =	vst v59  }
0x261: {  	v24 =	vld [tilespmem:$0x1C0];
	[tilespmem:$0x2E0] =	vst v2;
	v2 =	vsub.f32 v34, v35  }
0x262: {  	v28 =	vsub.f32 v51, v52;
	v29 =	vld [tilespmem:$0x3E0];
	[tilespmem:$0x350] =	vst v25  }
0x263: {  	v32 =	vld [tilespmem:$0x3F0];
	[tilespmem:$0x300] =	vst v2;
	v2 =	vsub.f32 v38, v3  }
0x264: {  	[tilespmem:$0x370] =	vst v28;
	v62 =	vsub.f32 v36, v37;
	v63 =	vld [tilespmem:$0x3B0]  }
0x265: {  	v3 =	vld [tilespmem:$0x1B0];
	[tilespmem:$0x320] =	vst v2;
	v2 =	vsub.f32 v42, v43  }
0x266: {  	[tilespmem:$0x310] =	vst v62;
	v22 =	vsub.f32 v39, v40;
	v26 =	vld [tilespmem:$0x3D0]  }
0x267: {  	v27 =	vld [tilespmem:$0x1D0];
	[tilespmem:$0x340] =	vst v2;
	v2 =	vsub.f32 v48, v49  }
0x268: {  	v23 =	vld [tilespmem:$0x3C0];
	[tilespmem:$0x330] =	vst v22;
	v31 =	vsub.f32 v57, v58  }
0x269: {  	v33 =	vld [tilespmem:$0x1F0];
	[tilespmem:$0x360] =	vst v2;
	v2 =	vsub.f32 v54, v55  }
0x26a: {  	v30 =	vld [tilespmem:$0x1E0];
	[tilespmem:$0x390] =	vst v31;
	v3 =	vsub.f32 v63, v3  }
0x26b: {  	[tilespmem:$0x380] =	vst v2;
	v2 =	vsub.f32 v60, v61  }
0x26c: {  	[tilespmem:$0x3B0] =	vst v3;
	v3 =	vsub.f32 v26, v27  }
0x26d: {  	[tilespmem:$0x3A0] =	vst v2;
	v2 =	vsub.f32 v23, v24  }
0x26e: {  	[tilespmem:$0x3D0] =	vst v3;
	v3 =	vsub.f32 v32, v33  }
0x26f: {  	[tilespmem:$0x3C0] =	vst v2;
	v2 =	vsub.f32 v29, v30  }
0x270: {  	[tilespmem:$0x3F0] =	vst v3  }
0x271: {  	s22 =	simm.s32 $0x80;
	s21 =	rddreg [dreg:$0x17];
	[tilespmem:$0x3E0] =	vst v2  }
0x272: {  	[spmem:s21] =	stream.strided.scatter [tilespmem:s18], [sflag:$0x2], $0x200, s12, s22, $0x38;
	[tilespmem:$0xF680] =	vst v63  }
0x273: {  	_ =	swait.ge [sflag:s13], $0x200  }
0x274: {  	[sflag:s13] =	ssyncset.done $0x0  }
0x275: {  	[sflag:s13] =	ssyncadd.s32 $0xFFFFFE00  }
0x276: {  	s22 =	simm.s32 $0xA580;
	[bflag:$0x0] =	sbarrier.arrive $0xFFFF  }
0x277: {  	[tilespmem:s22], [sflag:$0x1] =	stream.linear.gather [spmem:s20], $0x20, $0x38;
	[tilespmem:$0xF680] =	vst v63  }
0x278: {  	s24 =	simm.s32 $0xA5A0;
	s23 =	rddreg [dreg:$0x18]  }
0x279: {  	[tilespmem:s24], [sflag:$0x1] =	stream.linear.gather [spmem:s23], $0x20, $0x38;
	[tilespmem:$0xF680] =	vst v63  }
0x27a: {  	s23 =	rddreg [dreg:$0x19];
	s24 =	simm.s32 $0xA5C0  }
0x27b: {  	[tilespmem:s24], [sflag:$0x1] =	stream.linear.gather [spmem:s23], $0x20, $0x38;
	[tilespmem:$0xF680] =	vst v63  }
0x27c: {  	s22 =	simm.s32 $0xA5E0  }
0x27d: {  	[tilespmem:s22], [sflag:$0x1] =	stream.linear.gather [spmem:s26], $0x20, $0x38;
	[tilespmem:$0xF680] =	vst v63  }
0x27e: {  	s23 =	simm.s32 $0xA600  }
0x27f: {  	[tilespmem:s23], [sflag:$0x1] =	stream.linear.gather [spmem:s28], $0x20, $0x38;
	[tilespmem:$0xF680] =	vst v63  }
0x280: {  	s24 =	simm.s32 $0xA620  }
0x281: {  	[tilespmem:s24], [sflag:$0x1] =	stream.linear.gather [spmem:s29], $0x20, $0x38;
	[tilespmem:$0xF680] =	vst v63  }
0x282: {  	s22 =	simm.s32 $0xA640  }
0x283: {  	[tilespmem:s22], [sflag:$0x1] =	stream.linear.gather [spmem:s30], $0x20, $0x38;
	[tilespmem:$0xF680] =	vst v63  }
0x284: {  	s23 =	simm.s32 $0xA660  }
0x285: {  	[tilespmem:s23], [sflag:$0x1] =	stream.linear.gather [spmem:s31], $0x20, $0x38;
	[tilespmem:$0xF680] =	vst v63  }
0x286: {  	s24 =	simm.s32 $0xA680  }
0x287: {  	[tilespmem:s24], [sflag:$0x1] =	stream.linear.gather [spmem:s0], $0x20, $0x38;
	[tilespmem:$0xF680] =	vst v63  }
0x288: {  	s22 =	simm.s32 $0xA6A0  }
0x289: {  	[tilespmem:s22], [sflag:$0x1] =	stream.linear.gather [spmem:s3], $0x20, $0x38;
	[tilespmem:$0xF680] =	vst v63  }
0x28a: {  	s23 =	simm.s32 $0xA6C0  }
0x28b: {  	[tilespmem:s23], [sflag:$0x1] =	stream.linear.gather [spmem:s1], $0x20, $0x38;
	[tilespmem:$0xF680] =	vst v63  }
0x28c: {  	s24 =	simm.s32 $0xA6E0  }
0x28d: {  	[tilespmem:s24], [sflag:$0x1] =	stream.linear.gather [spmem:s2], $0x20, $0x38;
	[tilespmem:$0xF680] =	vst v63  }
0x28e: {  	s22 =	simm.s32 $0xA700  }
0x28f: {  	[tilespmem:s22], [sflag:$0x1] =	stream.linear.gather [spmem:s5], $0x20, $0x38;
	[tilespmem:$0xF680] =	vst v63  }
0x290: {  	s23 =	simm.s32 $0xA720  }
0x291: {  	[tilespmem:s23], [sflag:$0x1] =	stream.linear.gather [spmem:s6], $0x20, $0x38;
	[tilespmem:$0xF680] =	vst v63  }
0x292: {  	s24 =	simm.s32 $0xA740  }
0x293: {  	[tilespmem:s24], [sflag:$0x1] =	stream.linear.gather [spmem:s7], $0x20, $0x38;
	[tilespmem:$0xF680] =	vst v63  }
0x294: {  	s22 =	simm.s32 $0xA760  }
0x295: {  	[tilespmem:s22], [sflag:$0x1] =	stream.linear.gather [spmem:s8], $0x20, $0x38;
	[tilespmem:$0xF680] =	vst v63  }
0x296: {  	_ =	swait.ge [sflag:s14], $0x20  }
0x297: {  	[sflag:s14] =	ssyncset.done $0x0  }
0x298: {  	[sflag:s14] =	ssyncadd.s32 $0xFFFFFFE0  }
0x299: {  	_ =	swait.ge [sflag:s14], $0x20  }
0x29a: {  	[sflag:s14] =	ssyncset.done $0x0  }
0x29b: {  	[sflag:s14] =	ssyncadd.s32 $0xFFFFFFE0  }
0x29c: {  	_ =	swait.ge [sflag:s14], $0x20  }
0x29d: {  	[sflag:s14] =	ssyncset.done $0x0  }
0x29e: {  	[sflag:s14] =	ssyncadd.s32 $0xFFFFFFE0  }
0x29f: {  	_ =	swait.ge [sflag:s14], $0x20  }
0x2a0: {  	[sflag:s14] =	ssyncset.done $0x0  }
0x2a1: {  	[sflag:s14] =	ssyncadd.s32 $0xFFFFFFE0  }
0x2a2: {  	_ =	swait.ge [sflag:s14], $0x20  }
0x2a3: {  	[sflag:s14] =	ssyncset.done $0x0  }
0x2a4: {  	[sflag:s14] =	ssyncadd.s32 $0xFFFFFFE0  }
0x2a5: {  	_ =	swait.ge [sflag:s14], $0x20  }
0x2a6: {  	[sflag:s14] =	ssyncset.done $0x0  }
0x2a7: {  	[sflag:s14] =	ssyncadd.s32 $0xFFFFFFE0  }
0x2a8: {  	_ =	swait.ge [sflag:s14], $0x20  }
0x2a9: {  	[sflag:s14] =	ssyncset.done $0x0  }
0x2aa: {  	[sflag:s14] =	ssyncadd.s32 $0xFFFFFFE0  }
0x2ab: {  	_ =	swait.ge [sflag:s14], $0x20  }
0x2ac: {  	[sflag:s14] =	ssyncset.done $0x0  }
0x2ad: {  	[sflag:s14] =	ssyncadd.s32 $0xFFFFFFE0  }
0x2ae: {  	_ =	swait.ge [sflag:s14], $0x20  }
0x2af: {  	[sflag:s14] =	ssyncset.done $0x0  }
0x2b0: {  	[sflag:s14] =	ssyncadd.s32 $0xFFFFFFE0  }
0x2b1: {  	_ =	swait.ge [sflag:s14], $0x20  }
0x2b2: {  	[sflag:s14] =	ssyncset.done $0x0  }
0x2b3: {  	[sflag:s14] =	ssyncadd.s32 $0xFFFFFFE0  }
0x2b4: {  	_ =	swait.ge [sflag:s14], $0x20  }
0x2b5: {  	[sflag:s14] =	ssyncset.done $0x0  }
0x2b6: {  	[sflag:s14] =	ssyncadd.s32 $0xFFFFFFE0  }
0x2b7: {  	_ =	swait.ge [sflag:s14], $0x20  }
0x2b8: {  	[sflag:s14] =	ssyncset.done $0x0  }
0x2b9: {  	[sflag:s14] =	ssyncadd.s32 $0xFFFFFFE0  }
0x2ba: {  	_ =	swait.ge [sflag:s14], $0x20  }
0x2bb: {  	[sflag:s14] =	ssyncset.done $0x0  }
0x2bc: {  	[sflag:s14] =	ssyncadd.s32 $0xFFFFFFE0  }
0x2bd: {  	_ =	swait.ge [sflag:s14], $0x20  }
0x2be: {  	[sflag:s14] =	ssyncset.done $0x0  }
0x2bf: {  	[sflag:s14] =	ssyncadd.s32 $0xFFFFFFE0  }
0x2c0: {  	_ =	swait.ge [sflag:s14], $0x20  }
0x2c1: {  	[sflag:s14] =	ssyncset.done $0x0  }
0x2c2: {  	[sflag:s14] =	ssyncadd.s32 $0xFFFFFFE0  }
0x2c3: {  	_ =	swait.ge [sflag:s14], $0x20  }
0x2c4: {  	[sflag:s14] =	ssyncset.done $0x0  }
0x2c5: {  	[sflag:s14] =	ssyncadd.s32 $0xFFFFFFE0  }
0x2c6: {  	v2 =	vld [tilespmem:$0xA580]  }
0x2c7: {  	v3 =	vld [tilespmem:$0xA590]  }
0x2c8: {  	v34 =	vld [tilespmem:$0xA5A0]  }
0x2c9: {  	v35 =	vld [tilespmem:$0xA5B0]  }
0x2ca: {  	v36 =	vld [tilespmem:$0xA5C0]  }
0x2cb: {  	[tilespmem:$0xA500] =	vst v0;
	v37 =	vld [tilespmem:$0xA5D0];
	v2 =	vadd.f32 $0.0e+00, v2  }
0x2cc: {  	[tilespmem:$0xA510] =	vst v0;
	v38 =	vld [tilespmem:$0xA5E0];
	v3 =	vadd.f32 $0.0e+00, v3  }
0x2cd: {  	v39 =	vld [tilespmem:$0xA5F0];
	[tilespmem:$0xA500] =	vst v2;
	v2 =	vadd.f32 v34, v2  }
0x2ce: {  	v40 =	vld [tilespmem:$0xA600];
	[tilespmem:$0xA510] =	vst v3;
	v3 =	vadd.f32 v35, v3  }
0x2cf: {  	v41 =	vld [tilespmem:$0xA610];
	[tilespmem:$0xA500] =	vst v2;
	v2 =	vadd.f32 v36, v2  }
0x2d0: {  	v42 =	vld [tilespmem:$0xA620];
	[tilespmem:$0xA510] =	vst v3;
	v3 =	vadd.f32 v37, v3  }
0x2d1: {  	v43 =	vld [tilespmem:$0xA630];
	[tilespmem:$0xA500] =	vst v2;
	v2 =	vadd.f32 v38, v2  }
0x2d2: {  	v44 =	vld [tilespmem:$0xA640];
	[tilespmem:$0xA510] =	vst v3;
	v3 =	vadd.f32 v39, v3  }
0x2d3: {  	v45 =	vld [tilespmem:$0xA650];
	[tilespmem:$0xA500] =	vst v2;
	v2 =	vadd.f32 v40, v2  }
0x2d4: {  	v46 =	vld [tilespmem:$0xA660];
	[tilespmem:$0xA510] =	vst v3;
	v3 =	vadd.f32 v41, v3  }
0x2d5: {  	v47 =	vld [tilespmem:$0xA670];
	[tilespmem:$0xA500] =	vst v2;
	v2 =	vadd.f32 v42, v2  }
0x2d6: {  	v48 =	vld [tilespmem:$0xA680];
	[tilespmem:$0xA510] =	vst v3;
	v3 =	vadd.f32 v43, v3  }
0x2d7: {  	v49 =	vld [tilespmem:$0xA690];
	[tilespmem:$0xA500] =	vst v2;
	v2 =	vadd.f32 v44, v2  }
0x2d8: {  	v50 =	vld [tilespmem:$0xA6A0];
	[tilespmem:$0xA510] =	vst v3;
	v3 =	vadd.f32 v45, v3  }
0x2d9: {  	v51 =	vld [tilespmem:$0xA6B0];
	[tilespmem:$0xA500] =	vst v2;
	v2 =	vadd.f32 v46, v2  }
0x2da: {  	v52 =	vld [tilespmem:$0xA6C0];
	[tilespmem:$0xA510] =	vst v3;
	v3 =	vadd.f32 v47, v3  }
0x2db: {  	v53 =	vld [tilespmem:$0xA6D0];
	[tilespmem:$0xA500] =	vst v2;
	v2 =	vadd.f32 v48, v2  }
0x2dc: {  	v54 =	vld [tilespmem:$0xA6E0];
	[tilespmem:$0xA510] =	vst v3;
	v3 =	vadd.f32 v49, v3  }
0x2dd: {  	v55 =	vld [tilespmem:$0xA6F0];
	[tilespmem:$0xA500] =	vst v2;
	v2 =	vadd.f32 v50, v2  }
0x2de: {  	v56 =	vld [tilespmem:$0xA700];
	[tilespmem:$0xA510] =	vst v3;
	v3 =	vadd.f32 v51, v3  }
0x2df: {  	v57 =	vld [tilespmem:$0xA710];
	[tilespmem:$0xA500] =	vst v2;
	v2 =	vadd.f32 v52, v2  }
0x2e0: {  	v58 =	vld [tilespmem:$0xA720];
	[tilespmem:$0xA510] =	vst v3;
	v3 =	vadd.f32 v53, v3  }
0x2e1: {  	v59 =	vld [tilespmem:$0xA730];
	[tilespmem:$0xA500] =	vst v2;
	v2 =	vadd.f32 v54, v2  }
0x2e2: {  	v60 =	vld [tilespmem:$0xA740];
	[tilespmem:$0xA510] =	vst v3;
	v3 =	vadd.f32 v55, v3  }
0x2e3: {  	v61 =	vld [tilespmem:$0xA750];
	[tilespmem:$0xA500] =	vst v2;
	v2 =	vadd.f32 v56, v2  }
0x2e4: {  	v62 =	vld [tilespmem:$0xA760];
	[tilespmem:$0xA510] =	vst v3;
	v3 =	vadd.f32 v57, v3  }
0x2e5: {  	v63 =	vld [tilespmem:$0xA770];
	[tilespmem:$0xA500] =	vst v2;
	v2 =	vadd.f32 v58, v2  }
0x2e6: {  	[tilespmem:$0xA510] =	vst v3;
	v3 =	vadd.f32 v59, v3  }
0x2e7: {  	[tilespmem:$0xA500] =	vst v2;
	v2 =	vadd.f32 v60, v2  }
0x2e8: {  	[tilespmem:$0xA510] =	vst v3;
	v3 =	vadd.f32 v61, v3  }
0x2e9: {  	[tilespmem:$0xA500] =	vst v2;
	v2 =	vadd.f32 v62, v2  }
0x2ea: {  	s19 =	sadd.s32 $0x1, s19;
	[tilespmem:$0xA510] =	vst v3;
	v3 =	vadd.f32 v63, v3  }
0x2eb: {  	p0 =	sne.s32 s19, s25;
	[tilespmem:$0xA500] =	vst v2  }
.Ltmp5:
0x2ec: {  	s24 =	simm.s32 $0xA500;
	s23 =	rddreg [dreg:$0x1a];
	[tilespmem:$0xA510] =	vst v3;
	(pc) =	sbr.rel @p0 .LBB2_1-.Ltmp5, $4  }
0x2ed: {  	[hbm4b:s23+s4] =	stream.linear.scatter [tilespmem:s24], [sflag:$0x2], $0x20, $0x38;
	[tilespmem:$0xF680] =	vst v63  }
0x2ee: {  	_ =	swait.ge [sflag:s13], $0x20  }
0x2ef: {  	[sflag:s13] =	ssyncset.done $0x0  }
0x2f0: {  	[sflag:s13] =	ssyncadd.s32 $0xFFFFFFE0  }
0x2f1: {  	_ =	sfence.sel $0x180000  }
0x2f2: {  	[bflag:$0x0] =	sbarrier.arrive $0xFFFF  }
0x2f3: {  	_ =	strace $0x90000047  }
0x2f4: {  	s0 =	stileid.u32;
	[bflag:$0x2] =	sbarrier.arrive $0xFFFF  }
0x2f5: {  	p0 =	sne.s32 s0, $0x0;
	s0 =	rddreg [dreg:$0x7]  }
0x2f6: {  	s0 =	sadd.s32 @!p0 $0x100000, s0  }
0x2f7: {  	[sflag:s0] =	ssyncadd.tile.s32 @!p0 $0x1;
	_ =	shalt  }
.Lfunc_end2:
_tile_overlayer_lowered:
.L_overlay_start_2:
0x2f8: {  	(tag) =	ssettag $0x2  }
0x2f9: {  	s0 =	rddreg [dreg:$0x0];
	s2 =	stileid.u32  }
0x2fa: {  	s1 =	rddreg [dreg:$0x1];
	p0 =	sne.s32 s2, $0x0  }
0x2fb: {  	s3 =	rddreg [dreg:$0x2];
	[bflag:$0x3] =	sbarrier.arrive $0xFFFF;
	s2 =	simm.s32 @!p0 $0x1C02  }
0x2fc: {  	[timem:s3], [sflag:s2] =	dma.local @!p0 [hbm:s0], s1  }
0x2fd: {  	s0 =	simm.s32 @!p0 $0x2  }
0x2fe: {  	_ =	swait.ge @!p0 [sflag:s0], s1  }
0x2ff: {  	s1 =	ssub.s32 @!p0 $0x0, s1;
	[sflag:s0] =	ssyncset.done @!p0 $0x0  }
0x300: {  	[sflag:s0] =	ssyncadd.s32 @!p0 s1  }
0x301: {  	[bflag:$0x3] =	sbarrier.arrive $0xFFFF  }
0x302: {  	_ =	shalt  }

</sc_bundles>
